<compile_context>
chip_gen: v7x
topology: tpu7x:2x2x1
jax: 0.10.2.dev20260603
libtpu: 0.0.44.dev20260713+nightly
codegen_flags: <defaults>
</compile_context>

<pallas_src>
import functools

import jax
import jax.numpy as jnp
from jax import lax
from jax.experimental import pallas as pl
from jax.experimental.pallas import tpu as pltpu
from jax.experimental.pallas import tpu_sc as plsc

_GLOBAL_MEAN = 3.5
_NC = 2
_NS = 16
_NW = _NC * _NS
_L = 16


@jax.jit
def _gmf_sc(uid, mid, uembt, membt, ubias, mbias, w_bcast):
    B = uid.shape[0]
    D = uembt.shape[0]
    BPW = B // _NW
    G = BPW // _L

    mesh = plsc.VectorSubcoreMesh(core_axis_name="c", subcore_axis_name="s")

    @functools.partial(
        pl.kernel,
        mesh=mesh,
        out_type=jax.ShapeDtypeStruct((B,), jnp.float32),
        compiler_params=pltpu.CompilerParams(
            needs_layout_passes=False, use_tc_tiling_on_sc=False),
        scratch_types=[
            pltpu.VMEM((BPW,), jnp.int32),
            pltpu.VMEM((BPW,), jnp.int32),
            pltpu.VMEM((D, BPW), jnp.float32),
            pltpu.VMEM((D, BPW), jnp.float32),
            pltpu.VMEM((BPW,), jnp.float32),
            pltpu.VMEM((BPW,), jnp.float32),
            pltpu.VMEM((D, _L), jnp.float32),
            pltpu.VMEM((BPW,), jnp.float32),
            pltpu.SemaphoreType.DMA,
            pltpu.SemaphoreType.DMA,
        ],
    )
    def body(uid_hbm, mid_hbm, uembt_hbm, membt_hbm, ub_hbm, mb_hbm, w_hbm,
             out_hbm, uidx, midx, utab, mtab, ubv, mbv, wv, ob, semi, sem):
        wid = lax.axis_index("s") * _NC + lax.axis_index("c")
        base = wid * BPW

        cpi = pltpu.async_copy(uid_hbm.at[pl.ds(base, BPW)], uidx, semi)
        cpj = pltpu.async_copy(mid_hbm.at[pl.ds(base, BPW)], midx, semi)
        pltpu.sync_copy(w_hbm, wv)
        cpi.wait()
        cpj.wait()

        copies = []
        for d in range(D):
            copies.append(pltpu.async_copy(
                uembt_hbm.at[d].at[uidx], utab.at[d], sem))
            copies.append(pltpu.async_copy(
                membt_hbm.at[d].at[midx], mtab.at[d], sem))
        copies.append(pltpu.async_copy(ub_hbm.at[uidx], ubv, sem))
        copies.append(pltpu.async_copy(mb_hbm.at[midx], mbv, sem))
        for cp in copies:
            cp.wait()

        def group_body(g, carry):
            sl = pl.ds(g * _L, _L)
            acc = jnp.zeros((_L,), jnp.float32)
            for d in range(D):
                acc = acc + utab[d, sl] * mtab[d, sl] * wv[d, :]
            ob[sl] = acc + ubv[sl] + mbv[sl] + _GLOBAL_MEAN
            return carry

        lax.fori_loop(0, G, group_body, 0)

        pltpu.sync_copy(ob, out_hbm.at[pl.ds(base, BPW)])

    return body(uid, mid, uembt, membt, ubias, mbias, w_bcast)


def kernel(user_ids, movie_ids, user_emb, movie_emb, user_bias, movie_bias,
           affine_w):
    uid = user_ids.astype(jnp.int32)
    mid = movie_ids.astype(jnp.int32)
    D = user_emb.shape[1]
    w_bcast = jnp.broadcast_to(affine_w.reshape(D, 1), (D, _L)).astype(
        jnp.float32)
    return _gmf_sc(uid, mid, user_emb.T, movie_emb.T, user_bias.reshape(-1),
                   movie_bias.reshape(-1), w_bcast)

# --- scband reference (transcript-rebuilt; emitter-appended) ---
"""Pipeline reference for scband-gmf-31215822307642 (READ-ONLY COPY).

The authoritative reference and input builder live on the scoring server;
editing this copy changes nothing except your own understanding.
"""

import jax, jax.numpy as jnp
import numpy as np

N_USERS = 1000000
N_MOVIES = 1000000
EMBED_DIM = 32
BATCH = 16384
GLOBAL_MEAN = 3.5

def setup_inputs(seed: int = 0) -> dict:
    key = jax.random.key(seed)
    k1, k2, k3, k4, k5 = jax.random.split(key, 5)
    user_ids = jax.random.randint(k1, (BATCH,), 0, N_USERS, dtype=jnp.int64) if jax.config.jax_enable_x64 else jax.random.randint(k1, (BATCH,), 0, N_USERS, dtype=jnp.int32)
    movie_ids = jax.random.randint(k2, (BATCH,), 0, N_MOVIES, dtype=user_ids.dtype)
    user_emb = jax.random.normal(k3, (N_USERS, EMBED_DIM), dtype=jnp.float32) * 0.01
    movie_emb = jax.random.normal(k4, (N_MOVIES, EMBED_DIM), dtype=jnp.float32) * 0.01
    user_bias = jnp.zeros((N_USERS, 1), dtype=jnp.float32)
    movie_bias = jnp.zeros((N_MOVIES, 1), dtype=jnp.float32)
    # xavier uniform for Linear(embed_dim -> 1, no bias): weight shape [1, embed_dim]
    limit = float(np.sqrt(6.0 / (EMBED_DIM + 1)))
    affine_w = jax.random.uniform(k5, (1, EMBED_DIM), dtype=jnp.float32, minval=-limit, maxval=limit)
    return {
        "user_ids": user_ids,
        "movie_ids": movie_ids,
        "user_emb": user_emb,
        "movie_emb": movie_emb,
        "user_bias": user_bias,
        "movie_bias": movie_bias,
        "affine_w": affine_w,
    }

def reference(user_ids, movie_ids, user_emb, movie_emb, user_bias, movie_bias, affine_w):
    u = jnp.take(user_emb, user_ids, axis=0)            # [B, D]
    m = jnp.take(movie_emb, movie_ids, axis=0)          # [B, D]
    interaction = jnp.squeeze((u * m) @ affine_w.T, -1)  # [B]
    bu = jnp.squeeze(jnp.take(user_bias, user_ids, axis=0), -1)   # [B]
    bi = jnp.squeeze(jnp.take(movie_bias, movie_ids, axis=0), -1)  # [B]
    return interaction + bu + bi + GLOBAL_MEAN

if __name__ == "__main__":
    import jax
    _d = setup_inputs()
    print(jax.jit(kernel)(*tuple(_d.values())))

</pallas_src>

<mosaic_0001>
#map = affine_map<(d0, d1) -> (0)>
#map1 = affine_map<(d0, d1) -> (0, 0)>
module attributes {stable_mosaic.version = 14 : i64} {
  func.func @body(%arg0: i32, %arg1: i32, %arg2: memref<16384xi32, #tpu.memory_space<hbm>>, %arg3: memref<16384xi32, #tpu.memory_space<hbm>>, %arg4: memref<32x1000000xf32, #tpu.memory_space<hbm>>, %arg5: memref<32x1000000xf32, #tpu.memory_space<hbm>>, %arg6: memref<1000000xf32, #tpu.memory_space<hbm>>, %arg7: memref<1000000xf32, #tpu.memory_space<hbm>>, %arg8: memref<32x16xf32, #tpu.memory_space<hbm>>, %arg9: memref<16384xf32, #tpu.memory_space<hbm>>, %arg10: memref<512xi32, #tpu.memory_space<vmem>>, %arg11: memref<512xi32, #tpu.memory_space<vmem>>, %arg12: memref<32x512xf32, #tpu.memory_space<vmem>>, %arg13: memref<32x512xf32, #tpu.memory_space<vmem>>, %arg14: memref<512xf32, #tpu.memory_space<vmem>>, %arg15: memref<512xf32, #tpu.memory_space<vmem>>, %arg16: memref<32x16xf32, #tpu.memory_space<vmem>>, %arg17: memref<512xf32, #tpu.memory_space<vmem>>, %arg18: memref<!tpu.dma_semaphore, #tpu.memory_space<semaphore_mem>>, %arg19: memref<!tpu.dma_semaphore, #tpu.memory_space<semaphore_mem>>) attributes {dimension_semantics = [#tpu.dimension_semantics<core_parallel>, #tpu.dimension_semantics<subcore_parallel>], iteration_bounds = array<i64: 2, 16>, scalar_prefetch = 0 : i64, scratch_operands = 10 : i64, tpu.core_type = #tpu.core_type<sc_vector_subcore>, window_params = [{transform_indices = #map}, {transform_indices = #map}, {transform_indices = #map1}, {transform_indices = #map1}, {transform_indices = #map}, {transform_indices = #map}, {transform_indices = #map1}, {transform_indices = #map}]} {
    %mul3A = arith.constant 2 : i32
    %mul3A_0 = arith.muli %arg1, %mul3A : i32
    %add3A = arith.addi %mul3A_0, %arg0 : i32
    %mul3A_1 = arith.constant 512 : i32
    %mul3A_2 = arith.muli %add3A, %mul3A_1 : i32
    %dma_start3A = tpu.memref_slice %arg2[%mul3A_2] : memref<16384xi32, #tpu.memory_space<hbm>> -> memref<512xi32, #tpu.memory_space<hbm>>
    %dma_start3A_3 = tpu.memref_slice %arg2[%mul3A_2] : memref<16384xi32, #tpu.memory_space<hbm>> -> memref<512xi32, #tpu.memory_space<hbm>>
    tpu.enqueue_dma source(%dma_start3A_3 : memref<512xi32, #tpu.memory_space<hbm>>) target(%arg10 : memref<512xi32, #tpu.memory_space<vmem>>) target_semaphore(%arg18 : memref<!tpu.dma_semaphore, #tpu.memory_space<semaphore_mem>>)
    %dma_start3A_4 = tpu.memref_slice %arg3[%mul3A_2] : memref<16384xi32, #tpu.memory_space<hbm>> -> memref<512xi32, #tpu.memory_space<hbm>>
    %dma_start3A_5 = tpu.memref_slice %arg3[%mul3A_2] : memref<16384xi32, #tpu.memory_space<hbm>> -> memref<512xi32, #tpu.memory_space<hbm>>
    tpu.enqueue_dma source(%dma_start3A_5 : memref<512xi32, #tpu.memory_space<hbm>>) target(%arg11 : memref<512xi32, #tpu.memory_space<vmem>>) target_semaphore(%arg18 : memref<!tpu.dma_semaphore, #tpu.memory_space<semaphore_mem>>)
    "tpu.region"() ({
      %run_scoped3A = tpu.sem_alloc : memref<!tpu.dma_semaphore, #tpu.memory_space<semaphore_mem>>
      tpu.enqueue_dma source(%arg8 : memref<32x16xf32, #tpu.memory_space<hbm>>) target(%arg16 : memref<32x16xf32, #tpu.memory_space<vmem>>) target_semaphore(%run_scoped3A : memref<!tpu.dma_semaphore, #tpu.memory_space<semaphore_mem>>)
      tpu.wait_dma2 semaphore(%run_scoped3A : memref<!tpu.dma_semaphore, #tpu.memory_space<semaphore_mem>>) src(%arg8 : memref<32x16xf32, #tpu.memory_space<hbm>>) dst(%arg16 : memref<32x16xf32, #tpu.memory_space<vmem>>)
      tpu.yield
    }) : () -> ()
    %dma_wait3A = tpu.memref_slice %arg2[%mul3A_2] : memref<16384xi32, #tpu.memory_space<hbm>> -> memref<512xi32, #tpu.memory_space<hbm>>
    %dma_wait3A_6 = tpu.memref_slice %arg2[%mul3A_2] : memref<16384xi32, #tpu.memory_space<hbm>> -> memref<512xi32, #tpu.memory_space<hbm>>
    tpu.wait_dma2 semaphore(%arg18 : memref<!tpu.dma_semaphore, #tpu.memory_space<semaphore_mem>>) src(%dma_wait3A_6 : memref<512xi32, #tpu.memory_space<hbm>>) dst(%arg10 : memref<512xi32, #tpu.memory_space<vmem>>)
    %dma_wait3A_7 = tpu.memref_slice %arg3[%mul3A_2] : memref<16384xi32, #tpu.memory_space<hbm>> -> memref<512xi32, #tpu.memory_space<hbm>>
    %dma_wait3A_8 = tpu.memref_slice %arg3[%mul3A_2] : memref<16384xi32, #tpu.memory_space<hbm>> -> memref<512xi32, #tpu.memory_space<hbm>>
    tpu.wait_dma2 semaphore(%arg18 : memref<!tpu.dma_semaphore, #tpu.memory_space<semaphore_mem>>) src(%dma_wait3A_8 : memref<512xi32, #tpu.memory_space<hbm>>) dst(%arg11 : memref<512xi32, #tpu.memory_space<vmem>>)
    %dma_start3A_9 = arith.constant 0 : i32
    %dma_start3A_10 = arith.constant 0 : i32
    %dma_start3A_11 = arith.constant 0 : i32
    %dma_start3A_12 = tpu.memref_slice %arg12[%dma_start3A_10, %dma_start3A_11] : memref<32x512xf32, #tpu.memory_space<vmem>> -> memref<1x512xf32, #tpu.memory_space<vmem>>
    %dma_start3A_13 = tpu.memref_squeeze %dma_start3A_12 : memref<1x512xf32, #tpu.memory_space<vmem>> -> memref<512xf32, #tpu.memory_space<vmem>>
    %dma_start3A_14 = arith.constant 0 : i32
    %dma_start3A_15 = tpu.memref_slice %arg4[%dma_start3A_9, %dma_start3A_14] : memref<32x1000000xf32, #tpu.memory_space<hbm>> -> memref<1x1000000xf32, #tpu.memory_space<hbm>>
    %dma_start3A_16 = tpu.memref_squeeze %dma_start3A_15 : memref<1x1000000xf32, #tpu.memory_space<hbm>> -> memref<1000000xf32, #tpu.memory_space<hbm>>
    %dma_start3A_17 = arith.constant 0 : i32
    %dma_start3A_18 = tpu.memref_slice %dma_start3A_16[%dma_start3A_17] : memref<1000000xf32, #tpu.memory_space<hbm>> -> memref<1000000xf32, #tpu.memory_space<hbm>>
    tpu.enqueue_indirect_dma source(%dma_start3A_18 : memref<1000000xf32, #tpu.memory_space<hbm>>) target(%dma_start3A_13 : memref<512xf32, #tpu.memory_space<vmem>>) offsets(%arg10 : memref<512xi32, #tpu.memory_space<vmem>>) semaphore(%arg19 : memref<!tpu.dma_semaphore, #tpu.memory_space<semaphore_mem>>)
    %dma_start3A_19 = arith.constant 0 : i32
    %dma_start3A_20 = arith.constant 0 : i32
    %dma_start3A_21 = arith.constant 0 : i32
    %dma_start3A_22 = tpu.memref_slice %arg13[%dma_start3A_20, %dma_start3A_21] : memref<32x512xf32, #tpu.memory_space<vmem>> -> memref<1x512xf32, #tpu.memory_space<vmem>>
    %dma_start3A_23 = tpu.memref_squeeze %dma_start3A_22 : memref<1x512xf32, #tpu.memory_space<vmem>> -> memref<512xf32, #tpu.memory_space<vmem>>
    %dma_start3A_24 = arith.constant 0 : i32
    %dma_start3A_25 = tpu.memref_slice %arg5[%dma_start3A_19, %dma_start3A_24] : memref<32x1000000xf32, #tpu.memory_space<hbm>> -> memref<1x1000000xf32, #tpu.memory_space<hbm>>
    %dma_start3A_26 = tpu.memref_squeeze %dma_start3A_25 : memref<1x1000000xf32, #tpu.memory_space<hbm>> -> memref<1000000xf32, #tpu.memory_space<hbm>>
    %dma_start3A_27 = arith.constant 0 : i32
    %dma_start3A_28 = tpu.memref_slice %dma_start3A_26[%dma_start3A_27] : memref<1000000xf32, #tpu.memory_space<hbm>> -> memref<1000000xf32, #tpu.memory_space<hbm>>
    tpu.enqueue_indirect_dma source(%dma_start3A_28 : memref<1000000xf32, #tpu.memory_space<hbm>>) target(%dma_start3A_23 : memref<512xf32, #tpu.memory_space<vmem>>) offsets(%arg11 : memref<512xi32, #tpu.memory_space<vmem>>) semaphore(%arg19 : memref<!tpu.dma_semaphore, #tpu.memory_space<semaphore_mem>>)
    %dma_start3A_29 = arith.constant 1 : i32
    %dma_start3A_30 = arith.constant 1 : i32
    %dma_start3A_31 = arith.constant 0 : i32
    %dma_start3A_32 = tpu.memref_slice %arg12[%dma_start3A_30, %dma_start3A_31] : memref<32x512xf32, #tpu.memory_space<vmem>> -> memref<1x512xf32, #tpu.memory_space<vmem>>
    %dma_start3A_33 = tpu.memref_squeeze %dma_start3A_32 : memref<1x512xf32, #tpu.memory_space<vmem>> -> memref<512xf32, #tpu.memory_space<vmem>>
    %dma_start3A_34 = arith.constant 0 : i32
    %dma_start3A_35 = tpu.memref_slice %arg4[%dma_start3A_29, %dma_start3A_34] : memref<32x1000000xf32, #tpu.memory_space<hbm>> -> memref<1x1000000xf32, #tpu.memory_space<hbm>>
    %dma_start3A_36 = tpu.memref_squeeze %dma_start3A_35 : memref<1x1000000xf32, #tpu.memory_space<hbm>> -> memref<1000000xf32, #tpu.memory_space<hbm>>
    %dma_start3A_37 = arith.constant 0 : i32
    %dma_start3A_38 = tpu.memref_slice %dma_start3A_36[%dma_start3A_37] : memref<1000000xf32, #tpu.memory_space<hbm>> -> memref<1000000xf32, #tpu.memory_space<hbm>>
    tpu.enqueue_indirect_dma source(%dma_start3A_38 : memref<1000000xf32, #tpu.memory_space<hbm>>) target(%dma_start3A_33 : memref<512xf32, #tpu.memory_space<vmem>>) offsets(%arg10 : memref<512xi32, #tpu.memory_space<vmem>>) semaphore(%arg19 : memref<!tpu.dma_semaphore, #tpu.memory_space<semaphore_mem>>)
    %dma_start3A_39 = arith.constant 1 : i32
    %dma_start3A_40 = arith.constant 1 : i32
    %dma_start3A_41 = arith.constant 0 : i32
    %dma_start3A_42 = tpu.memref_slice %arg13[%dma_start3A_40, %dma_start3A_41] : memref<32x512xf32, #tpu.memory_space<vmem>> -> memref<1x512xf32, #tpu.memory_space<vmem>>
    %dma_start3A_43 = tpu.memref_squeeze %dma_start3A_42 : memref<1x512xf32, #tpu.memory_space<vmem>> -> memref<512xf32, #tpu.memory_space<vmem>>
    %dma_start3A_44 = arith.constant 0 : i32
    %dma_start3A_45 = tpu.memref_slice %arg5[%dma_start3A_39, %dma_start3A_44] : memref<32x1000000xf32, #tpu.memory_space<hbm>> -> memref<1x1000000xf32, #tpu.memory_space<hbm>>
    %dma_start3A_46 = tpu.memref_squeeze %dma_start3A_45 : memref<1x1000000xf32, #tpu.memory_space<hbm>> -> memref<1000000xf32, #tpu.memory_space<hbm>>
    %dma_start3A_47 = arith.constant 0 : i32
    %dma_start3A_48 = tpu.memref_slice %dma_start3A_46[%dma_start3A_47] : memref<1000000xf32, #tpu.memory_space<hbm>> -> memref<1000000xf32, #tpu.memory_space<hbm>>
    tpu.enqueue_indirect_dma source(%dma_start3A_48 : memref<1000000xf32, #tpu.memory_space<hbm>>) target(%dma_start3A_43 : memref<512xf32, #tpu.memory_space<vmem>>) offsets(%arg11 : memref<512xi32, #tpu.memory_space<vmem>>) semaphore(%arg19 : memref<!tpu.dma_semaphore, #tpu.memory_space<semaphore_mem>>)
    %dma_start3A_49 = arith.constant 2 : i32
    %dma_start3A_50 = arith.constant 2 : i32
    %dma_start3A_51 = arith.constant 0 : i32
    %dma_start3A_52 = tpu.memref_slice %arg12[%dma_start3A_50, %dma_start3A_51] : memref<32x512xf32, #tpu.memory_space<vmem>> -> memref<1x512xf32, #tpu.memory_space<vmem>>
    %dma_start3A_53 = tpu.memref_squeeze %dma_start3A_52 : memref<1x512xf32, #tpu.memory_space<vmem>> -> memref<512xf32, #tpu.memory_space<vmem>>
    %dma_start3A_54 = arith.constant 0 : i32
    %dma_start3A_55 = tpu.memref_slice %arg4[%dma_start3A_49, %dma_start3A_54] : memref<32x1000000xf32, #tpu.memory_space<hbm>> -> memref<1x1000000xf32, #tpu.memory_space<hbm>>
    %dma_start3A_56 = tpu.memref_squeeze %dma_start3A_55 : memref<1x1000000xf32, #tpu.memory_space<hbm>> -> memref<1000000xf32, #tpu.memory_space<hbm>>
    %dma_start3A_57 = arith.constant 0 : i32
    %dma_start3A_58 = tpu.memref_slice %dma_start3A_56[%dma_start3A_57] : memref<1000000xf32, #tpu.memory_space<hbm>> -> memref<1000000xf32, #tpu.memory_space<hbm>>
    tpu.enqueue_indirect_dma source(%dma_start3A_58 : memref<1000000xf32, #tpu.memory_space<hbm>>) target(%dma_start3A_53 : memref<512xf32, #tpu.memory_space<vmem>>) offsets(%arg10 : memref<512xi32, #tpu.memory_space<vmem>>) semaphore(%arg19 : memref<!tpu.dma_semaphore, #tpu.memory_space<semaphore_mem>>)
    %dma_start3A_59 = arith.constant 2 : i32
    %dma_start3A_60 = arith.constant 2 : i32
    %dma_start3A_61 = arith.constant 0 : i32
    %dma_start3A_62 = tpu.memref_slice %arg13[%dma_start3A_60, %dma_start3A_61] : memref<32x512xf32, #tpu.memory_space<vmem>> -> memref<1x512xf32, #tpu.memory_space<vmem>>
    %dma_start3A_63 = tpu.memref_squeeze %dma_start3A_62 : memref<1x512xf32, #tpu.memory_space<vmem>> -> memref<512xf32, #tpu.memory_space<vmem>>
    %dma_start3A_64 = arith.constant 0 : i32
    %dma_start3A_65 = tpu.memref_slice %arg5[%dma_start3A_59, %dma_start3A_64] : memref<32x1000000xf32, #tpu.memory_space<hbm>> -> memref<1x1000000xf32, #tpu.memory_space<hbm>>
    %dma_start3A_66 = tpu.memref_squeeze %dma_start3A_65 : memref<1x1000000xf32, #tpu.memory_space<hbm>> -> memref<1000000xf32, #tpu.memory_space<hbm>>
    %dma_start3A_67 = arith.constant 0 : i32
    %dma_start3A_68 = tpu.memref_slice %dma_start3A_66[%dma_start3A_67] : memref<1000000xf32, #tpu.memory_space<hbm>> -> memref<1000000xf32, #tpu.memory_space<hbm>>
    tpu.enqueue_indirect_dma source(%dma_start3A_68 : memref<1000000xf32, #tpu.memory_space<hbm>>) target(%dma_start3A_63 : memref<512xf32, #tpu.memory_space<vmem>>) offsets(%arg11 : memref<512xi32, #tpu.memory_space<vmem>>) semaphore(%arg19 : memref<!tpu.dma_semaphore, #tpu.memory_space<semaphore_mem>>)
    %dma_start3A_69 = arith.constant 3 : i32
    %dma_start3A_70 = arith.constant 3 : i32
    %dma_start3A_71 = arith.constant 0 : i32
    %dma_start3A_72 = tpu.memref_slice %arg12[%dma_start3A_70, %dma_start3A_71] : memref<32x512xf32, #tpu.memory_space<vmem>> -> memref<1x512xf32, #tpu.memory_space<vmem>>
    %dma_start3A_73 = tpu.memref_squeeze %dma_start3A_72 : memref<1x512xf32, #tpu.memory_space<vmem>> -> memref<512xf32, #tpu.memory_space<vmem>>
    %dma_start3A_74 = arith.constant 0 : i32
    %dma_start3A_75 = tpu.memref_slice %arg4[%dma_start3A_69, %dma_start3A_74] : memref<32x1000000xf32, #tpu.memory_space<hbm>> -> memref<1x1000000xf32, #tpu.memory_space<hbm>>
    %dma_start3A_76 = tpu.memref_squeeze %dma_start3A_75 : memref<1x1000000xf32, #tpu.memory_space<hbm>> -> memref<1000000xf32, #tpu.memory_space<hbm>>
    %dma_start3A_77 = arith.constant 0 : i32
    %dma_start3A_78 = tpu.memref_slice %dma_start3A_76[%dma_start3A_77] : memref<1000000xf32, #tpu.memory_space<hbm>> -> memref<1000000xf32, #tpu.memory_space<hbm>>
    tpu.enqueue_indirect_dma source(%dma_start3A_78 : memref<1000000xf32, #tpu.memory_space<hbm>>) target(%dma_start3A_73 : memref<512xf32, #tpu.memory_space<vmem>>) offsets(%arg10 : memref<512xi32, #tpu.memory_space<vmem>>) semaphore(%arg19 : memref<!tpu.dma_semaphore, #tpu.memory_space<semaphore_mem>>)
    %dma_start3A_79 = arith.constant 3 : i32
    %dma_start3A_80 = arith.constant 3 : i32
    %dma_start3A_81 = arith.constant 0 : i32
    %dma_start3A_82 = tpu.memref_slice %arg13[%dma_start3A_80, %dma_start3A_81] : memref<32x512xf32, #tpu.memory_space<vmem>> -> memref<1x512xf32, #tpu.memory_space<vmem>>
    %dma_start3A_83 = tpu.memref_squeeze %dma_start3A_82 : memref<1x512xf32, #tpu.memory_space<vmem>> -> memref<512xf32, #tpu.memory_space<vmem>>
    %dma_start3A_84 = arith.constant 0 : i32
    %dma_start3A_85 = tpu.memref_slice %arg5[%dma_start3A_79, %dma_start3A_84] : memref<32x1000000xf32, #tpu.memory_space<hbm>> -> memref<1x1000000xf32, #tpu.memory_space<hbm>>
    %dma_start3A_86 = tpu.memref_squeeze %dma_start3A_85 : memref<1x1000000xf32, #tpu.memory_space<hbm>> -> memref<1000000xf32, #tpu.memory_space<hbm>>
    %dma_start3A_87 = arith.constant 0 : i32
    %dma_start3A_88 = tpu.memref_slice %dma_start3A_86[%dma_start3A_87] : memref<1000000xf32, #tpu.memory_space<hbm>> -> memref<1000000xf32, #tpu.memory_space<hbm>>
    tpu.enqueue_indirect_dma source(%dma_start3A_88 : memref<1000000xf32, #tpu.memory_space<hbm>>) target(%dma_start3A_83 : memref<512xf32, #tpu.memory_space<vmem>>) offsets(%arg11 : memref<512xi32, #tpu.memory_space<vmem>>) semaphore(%arg19 : memref<!tpu.dma_semaphore, #tpu.memory_space<semaphore_mem>>)
    %dma_start3A_89 = arith.constant 4 : i32
    %dma_start3A_90 = arith.constant 4 : i32
    %dma_start3A_91 = arith.constant 0 : i32
    %dma_start3A_92 = tpu.memref_slice %arg12[%dma_start3A_90, %dma_start3A_91] : memref<32x512xf32, #tpu.memory_space<vmem>> -> memref<1x512xf32, #tpu.memory_space<vmem>>
    %dma_start3A_93 = tpu.memref_squeeze %dma_start3A_92 : memref<1x512xf32, #tpu.memory_space<vmem>> -> memref<512xf32, #tpu.memory_space<vmem>>
    %dma_start3A_94 = arith.constant 0 : i32
    %dma_start3A_95 = tpu.memref_slice %arg4[%dma_start3A_89, %dma_start3A_94] : memref<32x1000000xf32, #tpu.memory_space<hbm>> -> memref<1x1000000xf32, #tpu.memory_space<hbm>>
    %dma_start3A_96 = tpu.memref_squeeze %dma_start3A_95 : memref<1x1000000xf32, #tpu.memory_space<hbm>> -> memref<1000000xf32, #tpu.memory_space<hbm>>
    %dma_start3A_97 = arith.constant 0 : i32
    %dma_start3A_98 = tpu.memref_slice %dma_start3A_96[%dma_start3A_97] : memref<1000000xf32, #tpu.memory_space<hbm>> -> memref<1000000xf32, #tpu.memory_space<hbm>>
    tpu.enqueue_indirect_dma source(%dma_start3A_98 : memref<1000000xf32, #tpu.memory_space<hbm>>) target(%dma_start3A_93 : memref<512xf32, #tpu.memory_space<vmem>>) offsets(%arg10 : memref<512xi32, #tpu.memory_space<vmem>>) semaphore(%arg19 : memref<!tpu.dma_semaphore, #tpu.memory_space<semaphore_mem>>)
    %dma_start3A_99 = arith.constant 4 : i32
    %dma_start3A_100 = arith.constant 4 : i32
    %dma_start3A_101 = arith.constant 0 : i32
    %dma_start3A_102 = tpu.memref_slice %arg13[%dma_start3A_100, %dma_start3A_101] : memref<32x512xf32, #tpu.memory_space<vmem>> -> memref<1x512xf32, #tpu.memory_space<vmem>>
    %dma_start3A_103 = tpu.memref_squeeze %dma_start3A_102 : memref<1x512xf32, #tpu.memory_space<vmem>> -> memref<512xf32, #tpu.memory_space<vmem>>
    %dma_start3A_104 = arith.constant 0 : i32
    %dma_start3A_105 = tpu.memref_slice %arg5[%dma_start3A_99, %dma_start3A_104] : memref<32x1000000xf32, #tpu.memory_space<hbm>> -> memref<1x1000000xf32, #tpu.memory_space<hbm>>
    %dma_start3A_106 = tpu.memref_squeeze %dma_start3A_105 : memref<1x1000000xf32, #tpu.memory_space<hbm>> -> memref<1000000xf32, #tpu.memory_space<hbm>>
    %dma_start3A_107 = arith.constant 0 : i32
    %dma_start3A_108 = tpu.memref_slice %dma_start3A_106[%dma_start3A_107] : memref<1000000xf32, #tpu.memory_space<hbm>> -> memref<1000000xf32, #tpu.memory_space<hbm>>
    tpu.enqueue_indirect_dma source(%dma_start3A_108 : memref<1000000xf32, #tpu.memory_space<hbm>>) target(%dma_start3A_103 : memref<512xf32, #tpu.memory_space<vmem>>) offsets(%arg11 : memref<512xi32, #tpu.memory_space<vmem>>) semaphore(%arg19 : memref<!tpu.dma_semaphore, #tpu.memory_space<semaphore_mem>>)
    %dma_start3A_109 = arith.constant 5 : i32
    %dma_start3A_110 = arith.constant 5 : i32
    %dma_start3A_111 = arith.constant 0 : i32
    %dma_start3A_112 = tpu.memref_slice %arg12[%dma_start3A_110, %dma_start3A_111] : memref<32x512xf32, #tpu.memory_space<vmem>> -> memref<1x512xf32, #tpu.memory_space<vmem>>
    %dma_start3A_113 = tpu.memref_squeeze %dma_start3A_112 : memref<1x512xf32, #tpu.memory_space<vmem>> -> memref<512xf32, #tpu.memory_space<vmem>>
    %dma_start3A_114 = arith.constant 0 : i32
    %dma_start3A_115 = tpu.memref_slice %arg4[%dma_start3A_109, %dma_start3A_114] : memref<32x1000000xf32, #tpu.memory_space<hbm>> -> memref<1x1000000xf32, #tpu.memory_space<hbm>>
    %dma_start3A_116 = tpu.memref_squeeze %dma_start3A_115 : memref<1x1000000xf32, #tpu.memory_space<hbm>> -> memref<1000000xf32, #tpu.memory_space<hbm>>
    %dma_start3A_117 = arith.constant 0 : i32
    %dma_start3A_118 = tpu.memref_slice %dma_start3A_116[%dma_start3A_117] : memref<1000000xf32, #tpu.memory_space<hbm>> -> memref<1000000xf32, #tpu.memory_space<hbm>>
    tpu.enqueue_indirect_dma source(%dma_start3A_118 : memref<1000000xf32, #tpu.memory_space<hbm>>) target(%dma_start3A_113 : memref<512xf32, #tpu.memory_space<vmem>>) offsets(%arg10 : memref<512xi32, #tpu.memory_space<vmem>>) semaphore(%arg19 : memref<!tpu.dma_semaphore, #tpu.memory_space<semaphore_mem>>)
    %dma_start3A_119 = arith.constant 5 : i32
    %dma_start3A_120 = arith.constant 5 : i32
    %dma_start3A_121 = arith.constant 0 : i32
    %dma_start3A_122 = tpu.memref_slice %arg13[%dma_start3A_120, %dma_start3A_121] : memref<32x512xf32, #tpu.memory_space<vmem>> -> memref<1x512xf32, #tpu.memory_space<vmem>>
    %dma_start3A_123 = tpu.memref_squeeze %dma_start3A_122 : memref<1x512xf32, #tpu.memory_space<vmem>> -> memref<512xf32, #tpu.memory_space<vmem>>
    %dma_start3A_124 = arith.constant 0 : i32
    %dma_start3A_125 = tpu.memref_slice %arg5[%dma_start3A_119, %dma_start3A_124] : memref<32x1000000xf32, #tpu.memory_space<hbm>> -> memref<1x1000000xf32, #tpu.memory_space<hbm>>
    %dma_start3A_126 = tpu.memref_squeeze %dma_start3A_125 : memref<1x1000000xf32, #tpu.memory_space<hbm>> -> memref<1000000xf32, #tpu.memory_space<hbm>>
    %dma_start3A_127 = arith.constant 0 : i32
    %dma_start3A_128 = tpu.memref_slice %dma_start3A_126[%dma_start3A_127] : memref<1000000xf32, #tpu.memory_space<hbm>> -> memref<1000000xf32, #tpu.memory_space<hbm>>
    tpu.enqueue_indirect_dma source(%dma_start3A_128 : memref<1000000xf32, #tpu.memory_space<hbm>>) target(%dma_start3A_123 : memref<512xf32, #tpu.memory_space<vmem>>) offsets(%arg11 : memref<512xi32, #tpu.memory_space<vmem>>) semaphore(%arg19 : memref<!tpu.dma_semaphore, #tpu.memory_space<semaphore_mem>>)
    %dma_start3A_129 = arith.constant 6 : i32
    %dma_start3A_130 = arith.constant 6 : i32
    %dma_start3A_131 = arith.constant 0 : i32
    %dma_start3A_132 = tpu.memref_slice %arg12[%dma_start3A_130, %dma_start3A_131] : memref<32x512xf32, #tpu.memory_space<vmem>> -> memref<1x512xf32, #tpu.memory_space<vmem>>
    %dma_start3A_133 = tpu.memref_squeeze %dma_start3A_132 : memref<1x512xf32, #tpu.memory_space<vmem>> -> memref<512xf32, #tpu.memory_space<vmem>>
    %dma_start3A_134 = arith.constant 0 : i32
    %dma_start3A_135 = tpu.memref_slice %arg4[%dma_start3A_129, %dma_start3A_134] : memref<32x1000000xf32, #tpu.memory_space<hbm>> -> memref<1x1000000xf32, #tpu.memory_space<hbm>>
    %dma_start3A_136 = tpu.memref_squeeze %dma_start3A_135 : memref<1x1000000xf32, #tpu.memory_space<hbm>> -> memref<1000000xf32, #tpu.memory_space<hbm>>
    %dma_start3A_137 = arith.constant 0 : i32
    %dma_start3A_138 = tpu.memref_slice %dma_start3A_136[%dma_start3A_137] : memref<1000000xf32, #tpu.memory_space<hbm>> -> memref<1000000xf32, #tpu.memory_space<hbm>>
    tpu.enqueue_indirect_dma source(%dma_start3A_138 : memref<1000000xf32, #tpu.memory_space<hbm>>) target(%dma_start3A_133 : memref<512xf32, #tpu.memory_space<vmem>>) offsets(%arg10 : memref<512xi32, #tpu.memory_space<vmem>>) semaphore(%arg19 : memref<!tpu.dma_semaphore, #tpu.memory_space<semaphore_mem>>)
    %dma_start3A_139 = arith.constant 6 : i32
    %dma_start3A_140 = arith.constant 6 : i32
    %dma_start3A_141 = arith.constant 0 : i32
    %dma_start3A_142 = tpu.memref_slice %arg13[%dma_start3A_140, %dma_start3A_141] : memref<32x512xf32, #tpu.memory_space<vmem>> -> memref<1x512xf32, #tpu.memory_space<vmem>>
    %dma_start3A_143 = tpu.memref_squeeze %dma_start3A_142 : memref<1x512xf32, #tpu.memory_space<vmem>> -> memref<512xf32, #tpu.memory_space<vmem>>
    %dma_start3A_144 = arith.constant 0 : i32
    %dma_start3A_145 = tpu.memref_slice %arg5[%dma_start3A_139, %dma_start3A_144] : memref<32x1000000xf32, #tpu.memory_space<hbm>> -> memref<1x1000000xf32, #tpu.memory_space<hbm>>
    %dma_start3A_146 = tpu.memref_squeeze %dma_start3A_145 : memref<1x1000000xf32, #tpu.memory_space<hbm>> -> memref<1000000xf32, #tpu.memory_space<hbm>>
    %dma_start3A_147 = arith.constant 0 : i32
    %dma_start3A_148 = tpu.memref_slice %dma_start3A_146[%dma_start3A_147] : memref<1000000xf32, #tpu.memory_space<hbm>> -> memref<1000000xf32, #tpu.memory_space<hbm>>
    tpu.enqueue_indirect_dma source(%dma_start3A_148 : memref<1000000xf32, #tpu.memory_space<hbm>>) target(%dma_start3A_143 : memref<512xf32, #tpu.memory_space<vmem>>) offsets(%arg11 : memref<512xi32, #tpu.memory_space<vmem>>) semaphore(%arg19 : memref<!tpu.dma_semaphore, #tpu.memory_space<semaphore_mem>>)
    %dma_start3A_149 = arith.constant 7 : i32
    %dma_start3A_150 = arith.constant 7 : i32
    %dma_start3A_151 = arith.constant 0 : i32
    %dma_start3A_152 = tpu.memref_slice %arg12[%dma_start3A_150, %dma_start3A_151] : memref<32x512xf32, #tpu.memory_space<vmem>> -> memref<1x512xf32, #tpu.memory_space<vmem>>
    %dma_start3A_153 = tpu.memref_squeeze %dma_start3A_152 : memref<1x512xf32, #tpu.memory_space<vmem>> -> memref<512xf32, #tpu.memory_space<vmem>>
    %dma_start3A_154 = arith.constant 0 : i32
    %dma_start3A_155 = tpu.memref_slice %arg4[%dma_start3A_149, %dma_start3A_154] : memref<32x1000000xf32, #tpu.memory_space<hbm>> -> memref<1x1000000xf32, #tpu.memory_space<hbm>>
    %dma_start3A_156 = tpu.memref_squeeze %dma_start3A_155 : memref<1x1000000xf32, #tpu.memory_space<hbm>> -> memref<1000000xf32, #tpu.memory_space<hbm>>
    %dma_start3A_157 = arith.constant 0 : i32
    %dma_start3A_158 = tpu.memref_slice %dma_start3A_156[%dma_start3A_157] : memref<1000000xf32, #tpu.memory_space<hbm>> -> memref<1000000xf32, #tpu.memory_space<hbm>>
    tpu.enqueue_indirect_dma source(%dma_start3A_158 : memref<1000000xf32, #tpu.memory_space<hbm>>) target(%dma_start3A_153 : memref<512xf32, #tpu.memory_space<vmem>>) offsets(%arg10 : memref<512xi32, #tpu.memory_space<vmem>>) semaphore(%arg19 : memref<!tpu.dma_semaphore, #tpu.memory_space<semaphore_mem>>)
    %dma_start3A_159 = arith.constant 7 : i32
    %dma_start3A_160 = arith.constant 7 : i32
    %dma_start3A_161 = arith.constant 0 : i32
    %dma_start3A_162 = tpu.memref_slice %arg13[%dma_start3A_160, %dma_start3A_161] : memref<32x512xf32, #tpu.memory_space<vmem>> -> memref<1x512xf32, #tpu.memory_space<vmem>>
    %dma_start3A_163 = tpu.memref_squeeze %dma_start3A_162 : memref<1x512xf32, #tpu.memory_space<vmem>> -> memref<512xf32, #tpu.memory_space<vmem>>
    %dma_start3A_164 = arith.constant 0 : i32
    %dma_start3A_165 = tpu.memref_slice %arg5[%dma_start3A_159, %dma_start3A_164] : memref<32x1000000xf32, #tpu.memory_space<hbm>> -> memref<1x1000000xf32, #tpu.memory_space<hbm>>
    %dma_start3A_166 = tpu.memref_squeeze %dma_start3A_165 : memref<1x1000000xf32, #tpu.memory_space<hbm>> -> memref<1000000xf32, #tpu.memory_space<hbm>>
    %dma_start3A_167 = arith.constant 0 : i32
    %dma_start3A_168 = tpu.memref_slice %dma_start3A_166[%dma_start3A_167] : memref<1000000xf32, #tpu.memory_space<hbm>> -> memref<1000000xf32, #tpu.memory_space<hbm>>
    tpu.enqueue_indirect_dma source(%dma_start3A_168 : memref<1000000xf32, #tpu.memory_space<hbm>>) target(%dma_start3A_163 : memref<512xf32, #tpu.memory_space<vmem>>) offsets(%arg11 : memref<512xi32, #tpu.memory_space<vmem>>) semaphore(%arg19 : memref<!tpu.dma_semaphore, #tpu.memory_space<semaphore_mem>>)
    %dma_start3A_169 = arith.constant 8 : i32
    %dma_start3A_170 = arith.constant 8 : i32
    %dma_start3A_171 = arith.constant 0 : i32
    %dma_start3A_172 = tpu.memref_slice %arg12[%dma_start3A_170, %dma_start3A_171] : memref<32x512xf32, #tpu.memory_space<vmem>> -> memref<1x512xf32, #tpu.memory_space<vmem>>
    %dma_start3A_173 = tpu.memref_squeeze %dma_start3A_172 : memref<1x512xf32, #tpu.memory_space<vmem>> -> memref<512xf32, #tpu.memory_space<vmem>>
    %dma_start3A_174 = arith.constant 0 : i32
    %dma_start3A_175 = tpu.memref_slice %arg4[%dma_start3A_169, %dma_start3A_174] : memref<32x1000000xf32, #tpu.memory_space<hbm>> -> memref<1x1000000xf32, #tpu.memory_space<hbm>>
    %dma_start3A_176 = tpu.memref_squeeze %dma_start3A_175 : memref<1x1000000xf32, #tpu.memory_space<hbm>> -> memref<1000000xf32, #tpu.memory_space<hbm>>
    %dma_start3A_177 = arith.constant 0 : i32
    %dma_start3A_178 = tpu.memref_slice %dma_start3A_176[%dma_start3A_177] : memref<1000000xf32, #tpu.memory_space<hbm>> -> memref<1000000xf32, #tpu.memory_space<hbm>>
    tpu.enqueue_indirect_dma source(%dma_start3A_178 : memref<1000000xf32, #tpu.memory_space<hbm>>) target(%dma_start3A_173 : memref<512xf32, #tpu.memory_space<vmem>>) offsets(%arg10 : memref<512xi32, #tpu.memory_space<vmem>>) semaphore(%arg19 : memref<!tpu.dma_semaphore, #tpu.memory_space<semaphore_mem>>)
    %dma_start3A_179 = arith.constant 8 : i32
    %dma_start3A_180 = arith.constant 8 : i32
    %dma_start3A_181 = arith.constant 0 : i32
    %dma_start3A_182 = tpu.memref_slice %arg13[%dma_start3A_180, %dma_start3A_181] : memref<32x512xf32, #tpu.memory_space<vmem>> -> memref<1x512xf32, #tpu.memory_space<vmem>>
    %dma_start3A_183 = tpu.memref_squeeze %dma_start3A_182 : memref<1x512xf32, #tpu.memory_space<vmem>> -> memref<512xf32, #tpu.memory_space<vmem>>
    %dma_start3A_184 = arith.constant 0 : i32
    %dma_start3A_185 = tpu.memref_slice %arg5[%dma_start3A_179, %dma_start3A_184] : memref<32x1000000xf32, #tpu.memory_space<hbm>> -> memref<1x1000000xf32, #tpu.memory_space<hbm>>
    %dma_start3A_186 = tpu.memref_squeeze %dma_start3A_185 : memref<1x1000000xf32, #tpu.memory_space<hbm>> -> memref<1000000xf32, #tpu.memory_space<hbm>>
    %dma_start3A_187 = arith.constant 0 : i32
    %dma_start3A_188 = tpu.memref_slice %dma_start3A_186[%dma_start3A_187] : memref<1000000xf32, #tpu.memory_space<hbm>> -> memref<1000000xf32, #tpu.memory_space<hbm>>
    tpu.enqueue_indirect_dma source(%dma_start3A_188 : memref<1000000xf32, #tpu.memory_space<hbm>>) target(%dma_start3A_183 : memref<512xf32, #tpu.memory_space<vmem>>) offsets(%arg11 : memref<512xi32, #tpu.memory_space<vmem>>) semaphore(%arg19 : memref<!tpu.dma_semaphore, #tpu.memory_space<semaphore_mem>>)
    %dma_start3A_189 = arith.constant 9 : i32
    %dma_start3A_190 = arith.constant 9 : i32
    %dma_start3A_191 = arith.constant 0 : i32
    %dma_start3A_192 = tpu.memref_slice %arg12[%dma_start3A_190, %dma_start3A_191] : memref<32x512xf32, #tpu.memory_space<vmem>> -> memref<1x512xf32, #tpu.memory_space<vmem>>
    %dma_start3A_193 = tpu.memref_squeeze %dma_start3A_192 : memref<1x512xf32, #tpu.memory_space<vmem>> -> memref<512xf32, #tpu.memory_space<vmem>>
    %dma_start3A_194 = arith.constant 0 : i32
    %dma_start3A_195 = tpu.memref_slice %arg4[%dma_start3A_189, %dma_start3A_194] : memref<32x1000000xf32, #tpu.memory_space<hbm>> -> memref<1x1000000xf32, #tpu.memory_space<hbm>>
    %dma_start3A_196 = tpu.memref_squeeze %dma_start3A_195 : memref<1x1000000xf32, #tpu.memory_space<hbm>> -> memref<1000000xf32, #tpu.memory_space<hbm>>
    %dma_start3A_197 = arith.constant 0 : i32
    %dma_start3A_198 = tpu.memref_slice %dma_start3A_196[%dma_start3A_197] : memref<1000000xf32, #tpu.memory_space<hbm>> -> memref<1000000xf32, #tpu.memory_space<hbm>>
    tpu.enqueue_indirect_dma source(%dma_start3A_198 : memref<1000000xf32, #tpu.memory_space<hbm>>) target(%dma_start3A_193 : memref<512xf32, #tpu.memory_space<vmem>>) offsets(%arg10 : memref<512xi32, #tpu.memory_space<vmem>>) semaphore(%arg19 : memref<!tpu.dma_semaphore, #tpu.memory_space<semaphore_mem>>)
    %dma_start3A_199 = arith.constant 9 : i32
    %dma_start3A_200 = arith.constant 9 : i32
    %dma_start3A_201 = arith.constant 0 : i32
    %dma_start3A_202 = tpu.memref_slice %arg13[%dma_start3A_200, %dma_start3A_201] : memref<32x512xf32, #tpu.memory_space<vmem>> -> memref<1x512xf32, #tpu.memory_space<vmem>>
    %dma_start3A_203 = tpu.memref_squeeze %dma_start3A_202 : memref<1x512xf32, #tpu.memory_space<vmem>> -> memref<512xf32, #tpu.memory_space<vmem>>
    %dma_start3A_204 = arith.constant 0 : i32
    %dma_start3A_205 = tpu.memref_slice %arg5[%dma_start3A_199, %dma_start3A_204] : memref<32x1000000xf32, #tpu.memory_space<hbm>> -> memref<1x1000000xf32, #tpu.memory_space<hbm>>
    %dma_start3A_206 = tpu.memref_squeeze %dma_start3A_205 : memref<1x1000000xf32, #tpu.memory_space<hbm>> -> memref<1000000xf32, #tpu.memory_space<hbm>>
    %dma_start3A_207 = arith.constant 0 : i32
    %dma_start3A_208 = tpu.memref_slice %dma_start3A_206[%dma_start3A_207] : memref<1000000xf32, #tpu.memory_space<hbm>> -> memref<1000000xf32, #tpu.memory_space<hbm>>
    tpu.enqueue_indirect_dma source(%dma_start3A_208 : memref<1000000xf32, #tpu.memory_space<hbm>>) target(%dma_start3A_203 : memref<512xf32, #tpu.memory_space<vmem>>) offsets(%arg11 : memref<512xi32, #tpu.memory_space<vmem>>) semaphore(%arg19 : memref<!tpu.dma_semaphore, #tpu.memory_space<semaphore_mem>>)
    %dma_start3A_209 = arith.constant 10 : i32
    %dma_start3A_210 = arith.constant 10 : i32
    %dma_start3A_211 = arith.constant 0 : i32
    %dma_start3A_212 = tpu.memref_slice %arg12[%dma_start3A_210, %dma_start3A_211] : memref<32x512xf32, #tpu.memory_space<vmem>> -> memref<1x512xf32, #tpu.memory_space<vmem>>
    %dma_start3A_213 = tpu.memref_squeeze %dma_start3A_212 : memref<1x512xf32, #tpu.memory_space<vmem>> -> memref<512xf32, #tpu.memory_space<vmem>>
    %dma_start3A_214 = arith.constant 0 : i32
    %dma_start3A_215 = tpu.memref_slice %arg4[%dma_start3A_209, %dma_start3A_214] : memref<32x1000000xf32, #tpu.memory_space<hbm>> -> memref<1x1000000xf32, #tpu.memory_space<hbm>>
    %dma_start3A_216 = tpu.memref_squeeze %dma_start3A_215 : memref<1x1000000xf32, #tpu.memory_space<hbm>> -> memref<1000000xf32, #tpu.memory_space<hbm>>
    %dma_start3A_217 = arith.constant 0 : i32
    %dma_start3A_218 = tpu.memref_slice %dma_start3A_216[%dma_start3A_217] : memref<1000000xf32, #tpu.memory_space<hbm>> -> memref<1000000xf32, #tpu.memory_space<hbm>>
    tpu.enqueue_indirect_dma source(%dma_start3A_218 : memref<1000000xf32, #tpu.memory_space<hbm>>) target(%dma_start3A_213 : memref<512xf32, #tpu.memory_space<vmem>>) offsets(%arg10 : memref<512xi32, #tpu.memory_space<vmem>>) semaphore(%arg19 : memref<!tpu.dma_semaphore, #tpu.memory_space<semaphore_mem>>)
    %dma_start3A_219 = arith.constant 10 : i32
    %dma_start3A_220 = arith.constant 10 : i32
    %dma_start3A_221 = arith.constant 0 : i32
    %dma_start3A_222 = tpu.memref_slice %arg13[%dma_start3A_220, %dma_start3A_221] : memref<32x512xf32, #tpu.memory_space<vmem>> -> memref<1x512xf32, #tpu.memory_space<vmem>>
    %dma_start3A_223 = tpu.memref_squeeze %dma_start3A_222 : memref<1x512xf32, #tpu.memory_space<vmem>> -> memref<512xf32, #tpu.memory_space<vmem>>
    %dma_start3A_224 = arith.constant 0 : i32
    %dma_start3A_225 = tpu.memref_slice %arg5[%dma_start3A_219, %dma_start3A_224] : memref<32x1000000xf32, #tpu.memory_space<hbm>> -> memref<1x1000000xf32, #tpu.memory_space<hbm>>
    %dma_start3A_226 = tpu.memref_squeeze %dma_start3A_225 : memref<1x1000000xf32, #tpu.memory_space<hbm>> -> memref<1000000xf32, #tpu.memory_space<hbm>>
    %dma_start3A_227 = arith.constant 0 : i32
    %dma_start3A_228 = tpu.memref_slice %dma_start3A_226[%dma_start3A_227] : memref<1000000xf32, #tpu.memory_space<hbm>> -> memref<1000000xf32, #tpu.memory_space<hbm>>
    tpu.enqueue_indirect_dma source(%dma_start3A_228 : memref<1000000xf32, #tpu.memory_space<hbm>>) target(%dma_start3A_223 : memref<512xf32, #tpu.memory_space<vmem>>) offsets(%arg11 : memref<512xi32, #tpu.memory_space<vmem>>) semaphore(%arg19 : memref<!tpu.dma_semaphore, #tpu.memory_space<semaphore_mem>>)
    %dma_start3A_229 = arith.constant 11 : i32
    %dma_start3A_230 = arith.constant 11 : i32
    %dma_start3A_231 = arith.constant 0 : i32
    %dma_start3A_232 = tpu.memref_slice %arg12[%dma_start3A_230, %dma_start3A_231] : memref<32x512xf32, #tpu.memory_space<vmem>> -> memref<1x512xf32, #tpu.memory_space<vmem>>
    %dma_start3A_233 = tpu.memref_squeeze %dma_start3A_232 : memref<1x512xf32, #tpu.memory_space<vmem>> -> memref<512xf32, #tpu.memory_space<vmem>>
    %dma_start3A_234 = arith.constant 0 : i32
    %dma_start3A_235 = tpu.memref_slice %arg4[%dma_start3A_229, %dma_start3A_234] : memref<32x1000000xf32, #tpu.memory_space<hbm>> -> memref<1x1000000xf32, #tpu.memory_space<hbm>>
    %dma_start3A_236 = tpu.memref_squeeze %dma_start3A_235 : memref<1x1000000xf32, #tpu.memory_space<hbm>> -> memref<1000000xf32, #tpu.memory_space<hbm>>
    %dma_start3A_237 = arith.constant 0 : i32
    %dma_start3A_238 = tpu.memref_slice %dma_start3A_236[%dma_start3A_237] : memref<1000000xf32, #tpu.memory_space<hbm>> -> memref<1000000xf32, #tpu.memory_space<hbm>>
    tpu.enqueue_indirect_dma source(%dma_start3A_238 : memref<1000000xf32, #tpu.memory_space<hbm>>) target(%dma_start3A_233 : memref<512xf32, #tpu.memory_space<vmem>>) offsets(%arg10 : memref<512xi32, #tpu.memory_space<vmem>>) semaphore(%arg19 : memref<!tpu.dma_semaphore, #tpu.memory_space<semaphore_mem>>)
    %dma_start3A_239 = arith.constant 11 : i32
    %dma_start3A_240 = arith.constant 11 : i32
    %dma_start3A_241 = arith.constant 0 : i32
    %dma_start3A_242 = tpu.memref_slice %arg13[%dma_start3A_240, %dma_start3A_241] : memref<32x512xf32, #tpu.memory_space<vmem>> -> memref<1x512xf32, #tpu.memory_space<vmem>>
    %dma_start3A_243 = tpu.memref_squeeze %dma_start3A_242 : memref<1x512xf32, #tpu.memory_space<vmem>> -> memref<512xf32, #tpu.memory_space<vmem>>
    %dma_start3A_244 = arith.constant 0 : i32
    %dma_start3A_245 = tpu.memref_slice %arg5[%dma_start3A_239, %dma_start3A_244] : memref<32x1000000xf32, #tpu.memory_space<hbm>> -> memref<1x1000000xf32, #tpu.memory_space<hbm>>
    %dma_start3A_246 = tpu.memref_squeeze %dma_start3A_245 : memref<1x1000000xf32, #tpu.memory_space<hbm>> -> memref<1000000xf32, #tpu.memory_space<hbm>>
    %dma_start3A_247 = arith.constant 0 : i32
    %dma_start3A_248 = tpu.memref_slice %dma_start3A_246[%dma_start3A_247] : memref<1000000xf32, #tpu.memory_space<hbm>> -> memref<1000000xf32, #tpu.memory_space<hbm>>
    tpu.enqueue_indirect_dma source(%dma_start3A_248 : memref<1000000xf32, #tpu.memory_space<hbm>>) target(%dma_start3A_243 : memref<512xf32, #tpu.memory_space<vmem>>) offsets(%arg11 : memref<512xi32, #tpu.memory_space<vmem>>) semaphore(%arg19 : memref<!tpu.dma_semaphore, #tpu.memory_space<semaphore_mem>>)
    %dma_start3A_249 = arith.constant 12 : i32
    %dma_start3A_250 = arith.constant 12 : i32
    %dma_start3A_251 = arith.constant 0 : i32
    %dma_start3A_252 = tpu.memref_slice %arg12[%dma_start3A_250, %dma_start3A_251] : memref<32x512xf32, #tpu.memory_space<vmem>> -> memref<1x512xf32, #tpu.memory_space<vmem>>
    %dma_start3A_253 = tpu.memref_squeeze %dma_start3A_252 : memref<1x512xf32, #tpu.memory_space<vmem>> -> memref<512xf32, #tpu.memory_space<vmem>>
    %dma_start3A_254 = arith.constant 0 : i32
    %dma_start3A_255 = tpu.memref_slice %arg4[%dma_start3A_249, %dma_start3A_254] : memref<32x1000000xf32, #tpu.memory_space<hbm>> -> memref<1x1000000xf32, #tpu.memory_space<hbm>>
    %dma_start3A_256 = tpu.memref_squeeze %dma_start3A_255 : memref<1x1000000xf32, #tpu.memory_space<hbm>> -> memref<1000000xf32, #tpu.memory_space<hbm>>
    %dma_start3A_257 = arith.constant 0 : i32
    %dma_start3A_258 = tpu.memref_slice %dma_start3A_256[%dma_start3A_257] : memref<1000000xf32, #tpu.memory_space<hbm>> -> memref<1000000xf32, #tpu.memory_space<hbm>>
    tpu.enqueue_indirect_dma source(%dma_start3A_258 : memref<1000000xf32, #tpu.memory_space<hbm>>) target(%dma_start3A_253 : memref<512xf32, #tpu.memory_space<vmem>>) offsets(%arg10 : memref<512xi32, #tpu.memory_space<vmem>>) semaphore(%arg19 : memref<!tpu.dma_semaphore, #tpu.memory_space<semaphore_mem>>)
    %dma_start3A_259 = arith.constant 12 : i32
    %dma_start3A_260 = arith.constant 12 : i32
    %dma_start3A_261 = arith.constant 0 : i32
    %dma_start3A_262 = tpu.memref_slice %arg13[%dma_start3A_260, %dma_start3A_261] : memref<32x512xf32, #tpu.memory_space<vmem>> -> memref<1x512xf32, #tpu.memory_space<vmem>>
    %dma_start3A_263 = tpu.memref_squeeze %dma_start3A_262 : memref<1x512xf32, #tpu.memory_space<vmem>> -> memref<512xf32, #tpu.memory_space<vmem>>
    %dma_start3A_264 = arith.constant 0 : i32
    %dma_start3A_265 = tpu.memref_slice %arg5[%dma_start3A_259, %dma_start3A_264] : memref<32x1000000xf32, #tpu.memory_space<hbm>> -> memref<1x1000000xf32, #tpu.memory_space<hbm>>
    %dma_start3A_266 = tpu.memref_squeeze %dma_start3A_265 : memref<1x1000000xf32, #tpu.memory_space<hbm>> -> memref<1000000xf32, #tpu.memory_space<hbm>>
    %dma_start3A_267 = arith.constant 0 : i32
    %dma_start3A_268 = tpu.memref_slice %dma_start3A_266[%dma_start3A_267] : memref<1000000xf32, #tpu.memory_space<hbm>> -> memref<1000000xf32, #tpu.memory_space<hbm>>
    tpu.enqueue_indirect_dma source(%dma_start3A_268 : memref<1000000xf32, #tpu.memory_space<hbm>>) target(%dma_start3A_263 : memref<512xf32, #tpu.memory_space<vmem>>) offsets(%arg11 : memref<512xi32, #tpu.memory_space<vmem>>) semaphore(%arg19 : memref<!tpu.dma_semaphore, #tpu.memory_space<semaphore_mem>>)
    %dma_start3A_269 = arith.constant 13 : i32
    %dma_start3A_270 = arith.constant 13 : i32
    %dma_start3A_271 = arith.constant 0 : i32
    %dma_start3A_272 = tpu.memref_slice %arg12[%dma_start3A_270, %dma_start3A_271] : memref<32x512xf32, #tpu.memory_space<vmem>> -> memref<1x512xf32, #tpu.memory_space<vmem>>
    %dma_start3A_273 = tpu.memref_squeeze %dma_start3A_272 : memref<1x512xf32, #tpu.memory_space<vmem>> -> memref<512xf32, #tpu.memory_space<vmem>>
    %dma_start3A_274 = arith.constant 0 : i32
    %dma_start3A_275 = tpu.memref_slice %arg4[%dma_start3A_269, %dma_start3A_274] : memref<32x1000000xf32, #tpu.memory_space<hbm>> -> memref<1x1000000xf32, #tpu.memory_space<hbm>>
    %dma_start3A_276 = tpu.memref_squeeze %dma_start3A_275 : memref<1x1000000xf32, #tpu.memory_space<hbm>> -> memref<1000000xf32, #tpu.memory_space<hbm>>
    %dma_start3A_277 = arith.constant 0 : i32
    %dma_start3A_278 = tpu.memref_slice %dma_start3A_276[%dma_start3A_277] : memref<1000000xf32, #tpu.memory_space<hbm>> -> memref<1000000xf32, #tpu.memory_space<hbm>>
    tpu.enqueue_indirect_dma source(%dma_start3A_278 : memref<1000000xf32, #tpu.memory_space<hbm>>) target(%dma_start3A_273 : memref<512xf32, #tpu.memory_space<vmem>>) offsets(%arg10 : memref<512xi32, #tpu.memory_space<vmem>>) semaphore(%arg19 : memref<!tpu.dma_semaphore, #tpu.memory_space<semaphore_mem>>)
    %dma_start3A_279 = arith.constant 13 : i32
    %dma_start3A_280 = arith.constant 13 : i32
    %dma_start3A_281 = arith.constant 0 : i32
    %dma_start3A_282 = tpu.memref_slice %arg13[%dma_start3A_280, %dma_start3A_281] : memref<32x512xf32, #tpu.memory_space<vmem>> -> memref<1x512xf32, #tpu.memory_space<vmem>>
    %dma_start3A_283 = tpu.memref_squeeze %dma_start3A_282 : memref<1x512xf32, #tpu.memory_space<vmem>> -> memref<512xf32, #tpu.memory_space<vmem>>
    %dma_start3A_284 = arith.constant 0 : i32
    %dma_start3A_285 = tpu.memref_slice %arg5[%dma_start3A_279, %dma_start3A_284] : memref<32x1000000xf32, #tpu.memory_space<hbm>> -> memref<1x1000000xf32, #tpu.memory_space<hbm>>
    %dma_start3A_286 = tpu.memref_squeeze %dma_start3A_285 : memref<1x1000000xf32, #tpu.memory_space<hbm>> -> memref<1000000xf32, #tpu.memory_space<hbm>>
    %dma_start3A_287 = arith.constant 0 : i32
    %dma_start3A_288 = tpu.memref_slice %dma_start3A_286[%dma_start3A_287] : memref<1000000xf32, #tpu.memory_space<hbm>> -> memref<1000000xf32, #tpu.memory_space<hbm>>
    tpu.enqueue_indirect_dma source(%dma_start3A_288 : memref<1000000xf32, #tpu.memory_space<hbm>>) target(%dma_start3A_283 : memref<512xf32, #tpu.memory_space<vmem>>) offsets(%arg11 : memref<512xi32, #tpu.memory_space<vmem>>) semaphore(%arg19 : memref<!tpu.dma_semaphore, #tpu.memory_space<semaphore_mem>>)
    %dma_start3A_289 = arith.constant 14 : i32
    %dma_start3A_290 = arith.constant 14 : i32
    %dma_start3A_291 = arith.constant 0 : i32
    %dma_start3A_292 = tpu.memref_slice %arg12[%dma_start3A_290, %dma_start3A_291] : memref<32x512xf32, #tpu.memory_space<vmem>> -> memref<1x512xf32, #tpu.memory_space<vmem>>
    %dma_start3A_293 = tpu.memref_squeeze %dma_start3A_292 : memref<1x512xf32, #tpu.memory_space<vmem>> -> memref<512xf32, #tpu.memory_space<vmem>>
    %dma_start3A_294 = arith.constant 0 : i32
    %dma_start3A_295 = tpu.memref_slice %arg4[%dma_start3A_289, %dma_start3A_294] : memref<32x1000000xf32, #tpu.memory_space<hbm>> -> memref<1x1000000xf32, #tpu.memory_space<hbm>>
    %dma_start3A_296 = tpu.memref_squeeze %dma_start3A_295 : memref<1x1000000xf32, #tpu.memory_space<hbm>> -> memref<1000000xf32, #tpu.memory_space<hbm>>
    %dma_start3A_297 = arith.constant 0 : i32
    %dma_start3A_298 = tpu.memref_slice %dma_start3A_296[%dma_start3A_297] : memref<1000000xf32, #tpu.memory_space<hbm>> -> memref<1000000xf32, #tpu.memory_space<hbm>>
    tpu.enqueue_indirect_dma source(%dma_start3A_298 : memref<1000000xf32, #tpu.memory_space<hbm>>) target(%dma_start3A_293 : memref<512xf32, #tpu.memory_space<vmem>>) offsets(%arg10 : memref<512xi32, #tpu.memory_space<vmem>>) semaphore(%arg19 : memref<!tpu.dma_semaphore, #tpu.memory_space<semaphore_mem>>)
    %dma_start3A_299 = arith.constant 14 : i32
    %dma_start3A_300 = arith.constant 14 : i32
    %dma_start3A_301 = arith.constant 0 : i32
    %dma_start3A_302 = tpu.memref_slice %arg13[%dma_start3A_300, %dma_start3A_301] : memref<32x512xf32, #tpu.memory_space<vmem>> -> memref<1x512xf32, #tpu.memory_space<vmem>>
    %dma_start3A_303 = tpu.memref_squeeze %dma_start3A_302 : memref<1x512xf32, #tpu.memory_space<vmem>> -> memref<512xf32, #tpu.memory_space<vmem>>
    %dma_start3A_304 = arith.constant 0 : i32
    %dma_start3A_305 = tpu.memref_slice %arg5[%dma_start3A_299, %dma_start3A_304] : memref<32x1000000xf32, #tpu.memory_space<hbm>> -> memref<1x1000000xf32, #tpu.memory_space<hbm>>
    %dma_start3A_306 = tpu.memref_squeeze %dma_start3A_305 : memref<1x1000000xf32, #tpu.memory_space<hbm>> -> memref<1000000xf32, #tpu.memory_space<hbm>>
    %dma_start3A_307 = arith.constant 0 : i32
    %dma_start3A_308 = tpu.memref_slice %dma_start3A_306[%dma_start3A_307] : memref<1000000xf32, #tpu.memory_space<hbm>> -> memref<1000000xf32, #tpu.memory_space<hbm>>
    tpu.enqueue_indirect_dma source(%dma_start3A_308 : memref<1000000xf32, #tpu.memory_space<hbm>>) target(%dma_start3A_303 : memref<512xf32, #tpu.memory_space<vmem>>) offsets(%arg11 : memref<512xi32, #tpu.memory_space<vmem>>) semaphore(%arg19 : memref<!tpu.dma_semaphore, #tpu.memory_space<semaphore_mem>>)
    %dma_start3A_309 = arith.constant 15 : i32
    %dma_start3A_310 = arith.constant 15 : i32
    %dma_start3A_311 = arith.constant 0 : i32
    %dma_start3A_312 = tpu.memref_slice %arg12[%dma_start3A_310, %dma_start3A_311] : memref<32x512xf32, #tpu.memory_space<vmem>> -> memref<1x512xf32, #tpu.memory_space<vmem>>
    %dma_start3A_313 = tpu.memref_squeeze %dma_start3A_312 : memref<1x512xf32, #tpu.memory_space<vmem>> -> memref<512xf32, #tpu.memory_space<vmem>>
    %dma_start3A_314 = arith.constant 0 : i32
    %dma_start3A_315 = tpu.memref_slice %arg4[%dma_start3A_309, %dma_start3A_314] : memref<32x1000000xf32, #tpu.memory_space<hbm>> -> memref<1x1000000xf32, #tpu.memory_space<hbm>>
    %dma_start3A_316 = tpu.memref_squeeze %dma_start3A_315 : memref<1x1000000xf32, #tpu.memory_space<hbm>> -> memref<1000000xf32, #tpu.memory_space<hbm>>
    %dma_start3A_317 = arith.constant 0 : i32
    %dma_start3A_318 = tpu.memref_slice %dma_start3A_316[%dma_start3A_317] : memref<1000000xf32, #tpu.memory_space<hbm>> -> memref<1000000xf32, #tpu.memory_space<hbm>>
    tpu.enqueue_indirect_dma source(%dma_start3A_318 : memref<1000000xf32, #tpu.memory_space<hbm>>) target(%dma_start3A_313 : memref<512xf32, #tpu.memory_space<vmem>>) offsets(%arg10 : memref<512xi32, #tpu.memory_space<vmem>>) semaphore(%arg19 : memref<!tpu.dma_semaphore, #tpu.memory_space<semaphore_mem>>)
    %dma_start3A_319 = arith.constant 15 : i32
    %dma_start3A_320 = arith.constant 15 : i32
    %dma_start3A_321 = arith.constant 0 : i32
    %dma_start3A_322 = tpu.memref_slice %arg13[%dma_start3A_320, %dma_start3A_321] : memref<32x512xf32, #tpu.memory_space<vmem>> -> memref<1x512xf32, #tpu.memory_space<vmem>>
    %dma_start3A_323 = tpu.memref_squeeze %dma_start3A_322 : memref<1x512xf32, #tpu.memory_space<vmem>> -> memref<512xf32, #tpu.memory_space<vmem>>
    %dma_start3A_324 = arith.constant 0 : i32
    %dma_start3A_325 = tpu.memref_slice %arg5[%dma_start3A_319, %dma_start3A_324] : memref<32x1000000xf32, #tpu.memory_space<hbm>> -> memref<1x1000000xf32, #tpu.memory_space<hbm>>
    %dma_start3A_326 = tpu.memref_squeeze %dma_start3A_325 : memref<1x1000000xf32, #tpu.memory_space<hbm>> -> memref<1000000xf32, #tpu.memory_space<hbm>>
    %dma_start3A_327 = arith.constant 0 : i32
    %dma_start3A_328 = tpu.memref_slice %dma_start3A_326[%dma_start3A_327] : memref<1000000xf32, #tpu.memory_space<hbm>> -> memref<1000000xf32, #tpu.memory_space<hbm>>
    tpu.enqueue_indirect_dma source(%dma_start3A_328 : memref<1000000xf32, #tpu.memory_space<hbm>>) target(%dma_start3A_323 : memref<512xf32, #tpu.memory_space<vmem>>) offsets(%arg11 : memref<512xi32, #tpu.memory_space<vmem>>) semaphore(%arg19 : memref<!tpu.dma_semaphore, #tpu.memory_space<semaphore_mem>>)
    %dma_start3A_329 = arith.constant 16 : i32
    %dma_start3A_330 = arith.constant 16 : i32
    %dma_start3A_331 = arith.constant 0 : i32
    %dma_start3A_332 = tpu.memref_slice %arg12[%dma_start3A_330, %dma_start3A_331] : memref<32x512xf32, #tpu.memory_space<vmem>> -> memref<1x512xf32, #tpu.memory_space<vmem>>
    %dma_start3A_333 = tpu.memref_squeeze %dma_start3A_332 : memref<1x512xf32, #tpu.memory_space<vmem>> -> memref<512xf32, #tpu.memory_space<vmem>>
    %dma_start3A_334 = arith.constant 0 : i32
    %dma_start3A_335 = tpu.memref_slice %arg4[%dma_start3A_329, %dma_start3A_334] : memref<32x1000000xf32, #tpu.memory_space<hbm>> -> memref<1x1000000xf32, #tpu.memory_space<hbm>>
    %dma_start3A_336 = tpu.memref_squeeze %dma_start3A_335 : memref<1x1000000xf32, #tpu.memory_space<hbm>> -> memref<1000000xf32, #tpu.memory_space<hbm>>
    %dma_start3A_337 = arith.constant 0 : i32
    %dma_start3A_338 = tpu.memref_slice %dma_start3A_336[%dma_start3A_337] : memref<1000000xf32, #tpu.memory_space<hbm>> -> memref<1000000xf32, #tpu.memory_space<hbm>>
    tpu.enqueue_indirect_dma source(%dma_start3A_338 : memref<1000000xf32, #tpu.memory_space<hbm>>) target(%dma_start3A_333 : memref<512xf32, #tpu.memory_space<vmem>>) offsets(%arg10 : memref<512xi32, #tpu.memory_space<vmem>>) semaphore(%arg19 : memref<!tpu.dma_semaphore, #tpu.memory_space<semaphore_mem>>)
    %dma_start3A_339 = arith.constant 16 : i32
    %dma_start3A_340 = arith.constant 16 : i32
    %dma_start3A_341 = arith.constant 0 : i32
    %dma_start3A_342 = tpu.memref_slice %arg13[%dma_start3A_340, %dma_start3A_341] : memref<32x512xf32, #tpu.memory_space<vmem>> -> memref<1x512xf32, #tpu.memory_space<vmem>>
    %dma_start3A_343 = tpu.memref_squeeze %dma_start3A_342 : memref<1x512xf32, #tpu.memory_space<vmem>> -> memref<512xf32, #tpu.memory_space<vmem>>
    %dma_start3A_344 = arith.constant 0 : i32
    %dma_start3A_345 = tpu.memref_slice %arg5[%dma_start3A_339, %dma_start3A_344] : memref<32x1000000xf32, #tpu.memory_space<hbm>> -> memref<1x1000000xf32, #tpu.memory_space<hbm>>
    %dma_start3A_346 = tpu.memref_squeeze %dma_start3A_345 : memref<1x1000000xf32, #tpu.memory_space<hbm>> -> memref<1000000xf32, #tpu.memory_space<hbm>>
    %dma_start3A_347 = arith.constant 0 : i32
    %dma_start3A_348 = tpu.memref_slice %dma_start3A_346[%dma_start3A_347] : memref<1000000xf32, #tpu.memory_space<hbm>> -> memref<1000000xf32, #tpu.memory_space<hbm>>
    tpu.enqueue_indirect_dma source(%dma_start3A_348 : memref<1000000xf32, #tpu.memory_space<hbm>>) target(%dma_start3A_343 : memref<512xf32, #tpu.memory_space<vmem>>) offsets(%arg11 : memref<512xi32, #tpu.memory_space<vmem>>) semaphore(%arg19 : memref<!tpu.dma_semaphore, #tpu.memory_space<semaphore_mem>>)
    %dma_start3A_349 = arith.constant 17 : i32
    %dma_start3A_350 = arith.constant 17 : i32
    %dma_start3A_351 = arith.constant 0 : i32
    %dma_start3A_352 = tpu.memref_slice %arg12[%dma_start3A_350, %dma_start3A_351] : memref<32x512xf32, #tpu.memory_space<vmem>> -> memref<1x512xf32, #tpu.memory_space<vmem>>
    %dma_start3A_353 = tpu.memref_squeeze %dma_start3A_352 : memref<1x512xf32, #tpu.memory_space<vmem>> -> memref<512xf32, #tpu.memory_space<vmem>>
    %dma_start3A_354 = arith.constant 0 : i32
    %dma_start3A_355 = tpu.memref_slice %arg4[%dma_start3A_349, %dma_start3A_354] : memref<32x1000000xf32, #tpu.memory_space<hbm>> -> memref<1x1000000xf32, #tpu.memory_space<hbm>>
    %dma_start3A_356 = tpu.memref_squeeze %dma_start3A_355 : memref<1x1000000xf32, #tpu.memory_space<hbm>> -> memref<1000000xf32, #tpu.memory_space<hbm>>
    %dma_start3A_357 = arith.constant 0 : i32
    %dma_start3A_358 = tpu.memref_slice %dma_start3A_356[%dma_start3A_357] : memref<1000000xf32, #tpu.memory_space<hbm>> -> memref<1000000xf32, #tpu.memory_space<hbm>>
    tpu.enqueue_indirect_dma source(%dma_start3A_358 : memref<1000000xf32, #tpu.memory_space<hbm>>) target(%dma_start3A_353 : memref<512xf32, #tpu.memory_space<vmem>>) offsets(%arg10 : memref<512xi32, #tpu.memory_space<vmem>>) semaphore(%arg19 : memref<!tpu.dma_semaphore, #tpu.memory_space<semaphore_mem>>)
    %dma_start3A_359 = arith.constant 17 : i32
    %dma_start3A_360 = arith.constant 17 : i32
    %dma_start3A_361 = arith.constant 0 : i32
    %dma_start3A_362 = tpu.memref_slice %arg13[%dma_start3A_360, %dma_start3A_361] : memref<32x512xf32, #tpu.memory_space<vmem>> -> memref<1x512xf32, #tpu.memory_space<vmem>>
    %dma_start3A_363 = tpu.memref_squeeze %dma_start3A_362 : memref<1x512xf32, #tpu.memory_space<vmem>> -> memref<512xf32, #tpu.memory_space<vmem>>
    %dma_start3A_364 = arith.constant 0 : i32
    %dma_start3A_365 = tpu.memref_slice %arg5[%dma_start3A_359, %dma_start3A_364] : memref<32x1000000xf32, #tpu.memory_space<hbm>> -> memref<1x1000000xf32, #tpu.memory_space<hbm>>
    %dma_start3A_366 = tpu.memref_squeeze %dma_start3A_365 : memref<1x1000000xf32, #tpu.memory_space<hbm>> -> memref<1000000xf32, #tpu.memory_space<hbm>>
    %dma_start3A_367 = arith.constant 0 : i32
    %dma_start3A_368 = tpu.memref_slice %dma_start3A_366[%dma_start3A_367] : memref<1000000xf32, #tpu.memory_space<hbm>> -> memref<1000000xf32, #tpu.memory_space<hbm>>
    tpu.enqueue_indirect_dma source(%dma_start3A_368 : memref<1000000xf32, #tpu.memory_space<hbm>>) target(%dma_start3A_363 : memref<512xf32, #tpu.memory_space<vmem>>) offsets(%arg11 : memref<512xi32, #tpu.memory_space<vmem>>) semaphore(%arg19 : memref<!tpu.dma_semaphore, #tpu.memory_space<semaphore_mem>>)
    %dma_start3A_369 = arith.constant 18 : i32
    %dma_start3A_370 = arith.constant 18 : i32
    %dma_start3A_371 = arith.constant 0 : i32
    %dma_start3A_372 = tpu.memref_slice %arg12[%dma_start3A_370, %dma_start3A_371] : memref<32x512xf32, #tpu.memory_space<vmem>> -> memref<1x512xf32, #tpu.memory_space<vmem>>
    %dma_start3A_373 = tpu.memref_squeeze %dma_start3A_372 : memref<1x512xf32, #tpu.memory_space<vmem>> -> memref<512xf32, #tpu.memory_space<vmem>>
    %dma_start3A_374 = arith.constant 0 : i32
    %dma_start3A_375 = tpu.memref_slice %arg4[%dma_start3A_369, %dma_start3A_374] : memref<32x1000000xf32, #tpu.memory_space<hbm>> -> memref<1x1000000xf32, #tpu.memory_space<hbm>>
    %dma_start3A_376 = tpu.memref_squeeze %dma_start3A_375 : memref<1x1000000xf32, #tpu.memory_space<hbm>> -> memref<1000000xf32, #tpu.memory_space<hbm>>
    %dma_start3A_377 = arith.constant 0 : i32
    %dma_start3A_378 = tpu.memref_slice %dma_start3A_376[%dma_start3A_377] : memref<1000000xf32, #tpu.memory_space<hbm>> -> memref<1000000xf32, #tpu.memory_space<hbm>>
    tpu.enqueue_indirect_dma source(%dma_start3A_378 : memref<1000000xf32, #tpu.memory_space<hbm>>) target(%dma_start3A_373 : memref<512xf32, #tpu.memory_space<vmem>>) offsets(%arg10 : memref<512xi32, #tpu.memory_space<vmem>>) semaphore(%arg19 : memref<!tpu.dma_semaphore, #tpu.memory_space<semaphore_mem>>)
    %dma_start3A_379 = arith.constant 18 : i32
    %dma_start3A_380 = arith.constant 18 : i32
    %dma_start3A_381 = arith.constant 0 : i32
    %dma_start3A_382 = tpu.memref_slice %arg13[%dma_start3A_380, %dma_start3A_381] : memref<32x512xf32, #tpu.memory_space<vmem>> -> memref<1x512xf32, #tpu.memory_space<vmem>>
    %dma_start3A_383 = tpu.memref_squeeze %dma_start3A_382 : memref<1x512xf32, #tpu.memory_space<vmem>> -> memref<512xf32, #tpu.memory_space<vmem>>
    %dma_start3A_384 = arith.constant 0 : i32
    %dma_start3A_385 = tpu.memref_slice %arg5[%dma_start3A_379, %dma_start3A_384] : memref<32x1000000xf32, #tpu.memory_space<hbm>> -> memref<1x1000000xf32, #tpu.memory_space<hbm>>
    %dma_start3A_386 = tpu.memref_squeeze %dma_start3A_385 : memref<1x1000000xf32, #tpu.memory_space<hbm>> -> memref<1000000xf32, #tpu.memory_space<hbm>>
    %dma_start3A_387 = arith.constant 0 : i32
    %dma_start3A_388 = tpu.memref_slice %dma_start3A_386[%dma_start3A_387] : memref<1000000xf32, #tpu.memory_space<hbm>> -> memref<1000000xf32, #tpu.memory_space<hbm>>
    tpu.enqueue_indirect_dma source(%dma_start3A_388 : memref<1000000xf32, #tpu.memory_space<hbm>>) target(%dma_start3A_383 : memref<512xf32, #tpu.memory_space<vmem>>) offsets(%arg11 : memref<512xi32, #tpu.memory_space<vmem>>) semaphore(%arg19 : memref<!tpu.dma_semaphore, #tpu.memory_space<semaphore_mem>>)
    %dma_start3A_389 = arith.constant 19 : i32
    %dma_start3A_390 = arith.constant 19 : i32
    %dma_start3A_391 = arith.constant 0 : i32
    %dma_start3A_392 = tpu.memref_slice %arg12[%dma_start3A_390, %dma_start3A_391] : memref<32x512xf32, #tpu.memory_space<vmem>> -> memref<1x512xf32, #tpu.memory_space<vmem>>
    %dma_start3A_393 = tpu.memref_squeeze %dma_start3A_392 : memref<1x512xf32, #tpu.memory_space<vmem>> -> memref<512xf32, #tpu.memory_space<vmem>>
    %dma_start3A_394 = arith.constant 0 : i32
    %dma_start3A_395 = tpu.memref_slice %arg4[%dma_start3A_389, %dma_start3A_394] : memref<32x1000000xf32, #tpu.memory_space<hbm>> -> memref<1x1000000xf32, #tpu.memory_space<hbm>>
    %dma_start3A_396 = tpu.memref_squeeze %dma_start3A_395 : memref<1x1000000xf32, #tpu.memory_space<hbm>> -> memref<1000000xf32, #tpu.memory_space<hbm>>
    %dma_start3A_397 = arith.constant 0 : i32
    %dma_start3A_398 = tpu.memref_slice %dma_start3A_396[%dma_start3A_397] : memref<1000000xf32, #tpu.memory_space<hbm>> -> memref<1000000xf32, #tpu.memory_space<hbm>>
    tpu.enqueue_indirect_dma source(%dma_start3A_398 : memref<1000000xf32, #tpu.memory_space<hbm>>) target(%dma_start3A_393 : memref<512xf32, #tpu.memory_space<vmem>>) offsets(%arg10 : memref<512xi32, #tpu.memory_space<vmem>>) semaphore(%arg19 : memref<!tpu.dma_semaphore, #tpu.memory_space<semaphore_mem>>)
    %dma_start3A_399 = arith.constant 19 : i32
    %dma_start3A_400 = arith.constant 19 : i32
    %dma_start3A_401 = arith.constant 0 : i32
    %dma_start3A_402 = tpu.memref_slice %arg13[%dma_start3A_400, %dma_start3A_401] : memref<32x512xf32, #tpu.memory_space<vmem>> -> memref<1x512xf32, #tpu.memory_space<vmem>>
    %dma_start3A_403 = tpu.memref_squeeze %dma_start3A_402 : memref<1x512xf32, #tpu.memory_space<vmem>> -> memref<512xf32, #tpu.memory_space<vmem>>
    %dma_start3A_404 = arith.constant 0 : i32
    %dma_start3A_405 = tpu.memref_slice %arg5[%dma_start3A_399, %dma_start3A_404] : memref<32x1000000xf32, #tpu.memory_space<hbm>> -> memref<1x1000000xf32, #tpu.memory_space<hbm>>
    %dma_start3A_406 = tpu.memref_squeeze %dma_start3A_405 : memref<1x1000000xf32, #tpu.memory_space<hbm>> -> memref<1000000xf32, #tpu.memory_space<hbm>>
    %dma_start3A_407 = arith.constant 0 : i32
    %dma_start3A_408 = tpu.memref_slice %dma_start3A_406[%dma_start3A_407] : memref<1000000xf32, #tpu.memory_space<hbm>> -> memref<1000000xf32, #tpu.memory_space<hbm>>
    tpu.enqueue_indirect_dma source(%dma_start3A_408 : memref<1000000xf32, #tpu.memory_space<hbm>>) target(%dma_start3A_403 : memref<512xf32, #tpu.memory_space<vmem>>) offsets(%arg11 : memref<512xi32, #tpu.memory_space<vmem>>) semaphore(%arg19 : memref<!tpu.dma_semaphore, #tpu.memory_space<semaphore_mem>>)
    %dma_start3A_409 = arith.constant 20 : i32
    %dma_start3A_410 = arith.constant 20 : i32
    %dma_start3A_411 = arith.constant 0 : i32
    %dma_start3A_412 = tpu.memref_slice %arg12[%dma_start3A_410, %dma_start3A_411] : memref<32x512xf32, #tpu.memory_space<vmem>> -> memref<1x512xf32, #tpu.memory_space<vmem>>
    %dma_start3A_413 = tpu.memref_squeeze %dma_start3A_412 : memref<1x512xf32, #tpu.memory_space<vmem>> -> memref<512xf32, #tpu.memory_space<vmem>>
    %dma_start3A_414 = arith.constant 0 : i32
    %dma_start3A_415 = tpu.memref_slice %arg4[%dma_start3A_409, %dma_start3A_414] : memref<32x1000000xf32, #tpu.memory_space<hbm>> -> memref<1x1000000xf32, #tpu.memory_space<hbm>>
    %dma_start3A_416 = tpu.memref_squeeze %dma_start3A_415 : memref<1x1000000xf32, #tpu.memory_space<hbm>> -> memref<1000000xf32, #tpu.memory_space<hbm>>
    %dma_start3A_417 = arith.constant 0 : i32
    %dma_start3A_418 = tpu.memref_slice %dma_start3A_416[%dma_start3A_417] : memref<1000000xf32, #tpu.memory_space<hbm>> -> memref<1000000xf32, #tpu.memory_space<hbm>>
    tpu.enqueue_indirect_dma source(%dma_start3A_418 : memref<1000000xf32, #tpu.memory_space<hbm>>) target(%dma_start3A_413 : memref<512xf32, #tpu.memory_space<vmem>>) offsets(%arg10 : memref<512xi32, #tpu.memory_space<vmem>>) semaphore(%arg19 : memref<!tpu.dma_semaphore, #tpu.memory_space<semaphore_mem>>)
    %dma_start3A_419 = arith.constant 20 : i32
    %dma_start3A_420 = arith.constant 20 : i32
    %dma_start3A_421 = arith.constant 0 : i32
    %dma_start3A_422 = tpu.memref_slice %arg13[%dma_start3A_420, %dma_start3A_421] : memref<32x512xf32, #tpu.memory_space<vmem>> -> memref<1x512xf32, #tpu.memory_space<vmem>>
    %dma_start3A_423 = tpu.memref_squeeze %dma_start3A_422 : memref<1x512xf32, #tpu.memory_space<vmem>> -> memref<512xf32, #tpu.memory_space<vmem>>
    %dma_start3A_424 = arith.constant 0 : i32
    %dma_start3A_425 = tpu.memref_slice %arg5[%dma_start3A_419, %dma_start3A_424] : memref<32x1000000xf32, #tpu.memory_space<hbm>> -> memref<1x1000000xf32, #tpu.memory_space<hbm>>
    %dma_start3A_426 = tpu.memref_squeeze %dma_start3A_425 : memref<1x1000000xf32, #tpu.memory_space<hbm>> -> memref<1000000xf32, #tpu.memory_space<hbm>>
    %dma_start3A_427 = arith.constant 0 : i32
    %dma_start3A_428 = tpu.memref_slice %dma_start3A_426[%dma_start3A_427] : memref<1000000xf32, #tpu.memory_space<hbm>> -> memref<1000000xf32, #tpu.memory_space<hbm>>
    tpu.enqueue_indirect_dma source(%dma_start3A_428 : memref<1000000xf32, #tpu.memory_space<hbm>>) target(%dma_start3A_423 : memref<512xf32, #tpu.memory_space<vmem>>) offsets(%arg11 : memref<512xi32, #tpu.memory_space<vmem>>) semaphore(%arg19 : memref<!tpu.dma_semaphore, #tpu.memory_space<semaphore_mem>>)
    %dma_start3A_429 = arith.constant 21 : i32
    %dma_start3A_430 = arith.constant 21 : i32
    %dma_start3A_431 = arith.constant 0 : i32
    %dma_start3A_432 = tpu.memref_slice %arg12[%dma_start3A_430, %dma_start3A_431] : memref<32x512xf32, #tpu.memory_space<vmem>> -> memref<1x512xf32, #tpu.memory_space<vmem>>
    %dma_start3A_433 = tpu.memref_squeeze %dma_start3A_432 : memref<1x512xf32, #tpu.memory_space<vmem>> -> memref<512xf32, #tpu.memory_space<vmem>>
    %dma_start3A_434 = arith.constant 0 : i32
    %dma_start3A_435 = tpu.memref_slice %arg4[%dma_start3A_429, %dma_start3A_434] : memref<32x1000000xf32, #tpu.memory_space<hbm>> -> memref<1x1000000xf32, #tpu.memory_space<hbm>>
    %dma_start3A_436 = tpu.memref_squeeze %dma_start3A_435 : memref<1x1000000xf32, #tpu.memory_space<hbm>> -> memref<1000000xf32, #tpu.memory_space<hbm>>
    %dma_start3A_437 = arith.constant 0 : i32
    %dma_start3A_438 = tpu.memref_slice %dma_start3A_436[%dma_start3A_437] : memref<1000000xf32, #tpu.memory_space<hbm>> -> memref<1000000xf32, #tpu.memory_space<hbm>>
    tpu.enqueue_indirect_dma source(%dma_start3A_438 : memref<1000000xf32, #tpu.memory_space<hbm>>) target(%dma_start3A_433 : memref<512xf32, #tpu.memory_space<vmem>>) offsets(%arg10 : memref<512xi32, #tpu.memory_space<vmem>>) semaphore(%arg19 : memref<!tpu.dma_semaphore, #tpu.memory_space<semaphore_mem>>)
    %dma_start3A_439 = arith.constant 21 : i32
    %dma_start3A_440 = arith.constant 21 : i32
    %dma_start3A_441 = arith.constant 0 : i32
    %dma_start3A_442 = tpu.memref_slice %arg13[%dma_start3A_440, %dma_start3A_441] : memref<32x512xf32, #tpu.memory_space<vmem>> -> memref<1x512xf32, #tpu.memory_space<vmem>>
    %dma_start3A_443 = tpu.memref_squeeze %dma_start3A_442 : memref<1x512xf32, #tpu.memory_space<vmem>> -> memref<512xf32, #tpu.memory_space<vmem>>
    %dma_start3A_444 = arith.constant 0 : i32
    %dma_start3A_445 = tpu.memref_slice %arg5[%dma_start3A_439, %dma_start3A_444] : memref<32x1000000xf32, #tpu.memory_space<hbm>> -> memref<1x1000000xf32, #tpu.memory_space<hbm>>
    %dma_start3A_446 = tpu.memref_squeeze %dma_start3A_445 : memref<1x1000000xf32, #tpu.memory_space<hbm>> -> memref<1000000xf32, #tpu.memory_space<hbm>>
    %dma_start3A_447 = arith.constant 0 : i32
    %dma_start3A_448 = tpu.memref_slice %dma_start3A_446[%dma_start3A_447] : memref<1000000xf32, #tpu.memory_space<hbm>> -> memref<1000000xf32, #tpu.memory_space<hbm>>
    tpu.enqueue_indirect_dma source(%dma_start3A_448 : memref<1000000xf32, #tpu.memory_space<hbm>>) target(%dma_start3A_443 : memref<512xf32, #tpu.memory_space<vmem>>) offsets(%arg11 : memref<512xi32, #tpu.memory_space<vmem>>) semaphore(%arg19 : memref<!tpu.dma_semaphore, #tpu.memory_space<semaphore_mem>>)
    %dma_start3A_449 = arith.constant 22 : i32
    %dma_start3A_450 = arith.constant 22 : i32
    %dma_start3A_451 = arith.constant 0 : i32
    %dma_start3A_452 = tpu.memref_slice %arg12[%dma_start3A_450, %dma_start3A_451] : memref<32x512xf32, #tpu.memory_space<vmem>> -> memref<1x512xf32, #tpu.memory_space<vmem>>
    %dma_start3A_453 = tpu.memref_squeeze %dma_start3A_452 : memref<1x512xf32, #tpu.memory_space<vmem>> -> memref<512xf32, #tpu.memory_space<vmem>>
    %dma_start3A_454 = arith.constant 0 : i32
    %dma_start3A_455 = tpu.memref_slice %arg4[%dma_start3A_449, %dma_start3A_454] : memref<32x1000000xf32, #tpu.memory_space<hbm>> -> memref<1x1000000xf32, #tpu.memory_space<hbm>>
    %dma_start3A_456 = tpu.memref_squeeze %dma_start3A_455 : memref<1x1000000xf32, #tpu.memory_space<hbm>> -> memref<1000000xf32, #tpu.memory_space<hbm>>
    %dma_start3A_457 = arith.constant 0 : i32
    %dma_start3A_458 = tpu.memref_slice %dma_start3A_456[%dma_start3A_457] : memref<1000000xf32, #tpu.memory_space<hbm>> -> memref<1000000xf32, #tpu.memory_space<hbm>>
    tpu.enqueue_indirect_dma source(%dma_start3A_458 : memref<1000000xf32, #tpu.memory_space<hbm>>) target(%dma_start3A_453 : memref<512xf32, #tpu.memory_space<vmem>>) offsets(%arg10 : memref<512xi32, #tpu.memory_space<vmem>>) semaphore(%arg19 : memref<!tpu.dma_semaphore, #tpu.memory_space<semaphore_mem>>)
    %dma_start3A_459 = arith.constant 22 : i32
    %dma_start3A_460 = arith.constant 22 : i32
    %dma_start3A_461 = arith.constant 0 : i32
    %dma_start3A_462 = tpu.memref_slice %arg13[%dma_start3A_460, %dma_start3A_461] : memref<32x512xf32, #tpu.memory_space<vmem>> -> memref<1x512xf32, #tpu.memory_space<vmem>>
    %dma_start3A_463 = tpu.memref_squeeze %dma_start3A_462 : memref<1x512xf32, #tpu.memory_space<vmem>> -> memref<512xf32, #tpu.memory_space<vmem>>
    %dma_start3A_464 = arith.constant 0 : i32
    %dma_start3A_465 = tpu.memref_slice %arg5[%dma_start3A_459, %dma_start3A_464] : memref<32x1000000xf32, #tpu.memory_space<hbm>> -> memref<1x1000000xf32, #tpu.memory_space<hbm>>
    %dma_start3A_466 = tpu.memref_squeeze %dma_start3A_465 : memref<1x1000000xf32, #tpu.memory_space<hbm>> -> memref<1000000xf32, #tpu.memory_space<hbm>>
    %dma_start3A_467 = arith.constant 0 : i32
    %dma_start3A_468 = tpu.memref_slice %dma_start3A_466[%dma_start3A_467] : memref<1000000xf32, #tpu.memory_space<hbm>> -> memref<1000000xf32, #tpu.memory_space<hbm>>
    tpu.enqueue_indirect_dma source(%dma_start3A_468 : memref<1000000xf32, #tpu.memory_space<hbm>>) target(%dma_start3A_463 : memref<512xf32, #tpu.memory_space<vmem>>) offsets(%arg11 : memref<512xi32, #tpu.memory_space<vmem>>) semaphore(%arg19 : memref<!tpu.dma_semaphore, #tpu.memory_space<semaphore_mem>>)
    %dma_start3A_469 = arith.constant 23 : i32
    %dma_start3A_470 = arith.constant 23 : i32
    %dma_start3A_471 = arith.constant 0 : i32
    %dma_start3A_472 = tpu.memref_slice %arg12[%dma_start3A_470, %dma_start3A_471] : memref<32x512xf32, #tpu.memory_space<vmem>> -> memref<1x512xf32, #tpu.memory_space<vmem>>
    %dma_start3A_473 = tpu.memref_squeeze %dma_start3A_472 : memref<1x512xf32, #tpu.memory_space<vmem>> -> memref<512xf32, #tpu.memory_space<vmem>>
    %dma_start3A_474 = arith.constant 0 : i32
    %dma_start3A_475 = tpu.memref_slice %arg4[%dma_start3A_469, %dma_start3A_474] : memref<32x1000000xf32, #tpu.memory_space<hbm>> -> memref<1x1000000xf32, #tpu.memory_space<hbm>>
    %dma_start3A_476 = tpu.memref_squeeze %dma_start3A_475 : memref<1x1000000xf32, #tpu.memory_space<hbm>> -> memref<1000000xf32, #tpu.memory_space<hbm>>
    %dma_start3A_477 = arith.constant 0 : i32
    %dma_start3A_478 = tpu.memref_slice %dma_start3A_476[%dma_start3A_477] : memref<1000000xf32, #tpu.memory_space<hbm>> -> memref<1000000xf32, #tpu.memory_space<hbm>>
    tpu.enqueue_indirect_dma source(%dma_start3A_478 : memref<1000000xf32, #tpu.memory_space<hbm>>) target(%dma_start3A_473 : memref<512xf32, #tpu.memory_space<vmem>>) offsets(%arg10 : memref<512xi32, #tpu.memory_space<vmem>>) semaphore(%arg19 : memref<!tpu.dma_semaphore, #tpu.memory_space<semaphore_mem>>)
    %dma_start3A_479 = arith.constant 23 : i32
    %dma_start3A_480 = arith.constant 23 : i32
    %dma_start3A_481 = arith.constant 0 : i32
    %dma_start3A_482 = tpu.memref_slice %arg13[%dma_start3A_480, %dma_start3A_481] : memref<32x512xf32, #tpu.memory_space<vmem>> -> memref<1x512xf32, #tpu.memory_space<vmem>>
    %dma_start3A_483 = tpu.memref_squeeze %dma_start3A_482 : memref<1x512xf32, #tpu.memory_space<vmem>> -> memref<512xf32, #tpu.memory_space<vmem>>
    %dma_start3A_484 = arith.constant 0 : i32
    %dma_start3A_485 = tpu.memref_slice %arg5[%dma_start3A_479, %dma_start3A_484] : memref<32x1000000xf32, #tpu.memory_space<hbm>> -> memref<1x1000000xf32, #tpu.memory_space<hbm>>
    %dma_start3A_486 = tpu.memref_squeeze %dma_start3A_485 : memref<1x1000000xf32, #tpu.memory_space<hbm>> -> memref<1000000xf32, #tpu.memory_space<hbm>>
    %dma_start3A_487 = arith.constant 0 : i32
    %dma_start3A_488 = tpu.memref_slice %dma_start3A_486[%dma_start3A_487] : memref<1000000xf32, #tpu.memory_space<hbm>> -> memref<1000000xf32, #tpu.memory_space<hbm>>
    tpu.enqueue_indirect_dma source(%dma_start3A_488 : memref<1000000xf32, #tpu.memory_space<hbm>>) target(%dma_start3A_483 : memref<512xf32, #tpu.memory_space<vmem>>) offsets(%arg11 : memref<512xi32, #tpu.memory_space<vmem>>) semaphore(%arg19 : memref<!tpu.dma_semaphore, #tpu.memory_space<semaphore_mem>>)
    %dma_start3A_489 = arith.constant 24 : i32
    %dma_start3A_490 = arith.constant 24 : i32
    %dma_start3A_491 = arith.constant 0 : i32
    %dma_start3A_492 = tpu.memref_slice %arg12[%dma_start3A_490, %dma_start3A_491] : memref<32x512xf32, #tpu.memory_space<vmem>> -> memref<1x512xf32, #tpu.memory_space<vmem>>
    %dma_start3A_493 = tpu.memref_squeeze %dma_start3A_492 : memref<1x512xf32, #tpu.memory_space<vmem>> -> memref<512xf32, #tpu.memory_space<vmem>>
    %dma_start3A_494 = arith.constant 0 : i32
    %dma_start3A_495 = tpu.memref_slice %arg4[%dma_start3A_489, %dma_start3A_494] : memref<32x1000000xf32, #tpu.memory_space<hbm>> -> memref<1x1000000xf32, #tpu.memory_space<hbm>>
    %dma_start3A_496 = tpu.memref_squeeze %dma_start3A_495 : memref<1x1000000xf32, #tpu.memory_space<hbm>> -> memref<1000000xf32, #tpu.memory_space<hbm>>
    %dma_start3A_497 = arith.constant 0 : i32
    %dma_start3A_498 = tpu.memref_slice %dma_start3A_496[%dma_start3A_497] : memref<1000000xf32, #tpu.memory_space<hbm>> -> memref<1000000xf32, #tpu.memory_space<hbm>>
    tpu.enqueue_indirect_dma source(%dma_start3A_498 : memref<1000000xf32, #tpu.memory_space<hbm>>) target(%dma_start3A_493 : memref<512xf32, #tpu.memory_space<vmem>>) offsets(%arg10 : memref<512xi32, #tpu.memory_space<vmem>>) semaphore(%arg19 : memref<!tpu.dma_semaphore, #tpu.memory_space<semaphore_mem>>)
    %dma_start3A_499 = arith.constant 24 : i32
    %dma_start3A_500 = arith.constant 24 : i32
    %dma_start3A_501 = arith.constant 0 : i32
    %dma_start3A_502 = tpu.memref_slice %arg13[%dma_start3A_500, %dma_start3A_501] : memref<32x512xf32, #tpu.memory_space<vmem>> -> memref<1x512xf32, #tpu.memory_space<vmem>>
    %dma_start3A_503 = tpu.memref_squeeze %dma_start3A_502 : memref<1x512xf32, #tpu.memory_space<vmem>> -> memref<512xf32, #tpu.memory_space<vmem>>
    %dma_start3A_504 = arith.constant 0 : i32
    %dma_start3A_505 = tpu.memref_slice %arg5[%dma_start3A_499, %dma_start3A_504] : memref<32x1000000xf32, #tpu.memory_space<hbm>> -> memref<1x1000000xf32, #tpu.memory_space<hbm>>
    %dma_start3A_506 = tpu.memref_squeeze %dma_start3A_505 : memref<1x1000000xf32, #tpu.memory_space<hbm>> -> memref<1000000xf32, #tpu.memory_space<hbm>>
    %dma_start3A_507 = arith.constant 0 : i32
    %dma_start3A_508 = tpu.memref_slice %dma_start3A_506[%dma_start3A_507] : memref<1000000xf32, #tpu.memory_space<hbm>> -> memref<1000000xf32, #tpu.memory_space<hbm>>
    tpu.enqueue_indirect_dma source(%dma_start3A_508 : memref<1000000xf32, #tpu.memory_space<hbm>>) target(%dma_start3A_503 : memref<512xf32, #tpu.memory_space<vmem>>) offsets(%arg11 : memref<512xi32, #tpu.memory_space<vmem>>) semaphore(%arg19 : memref<!tpu.dma_semaphore, #tpu.memory_space<semaphore_mem>>)
    %dma_start3A_509 = arith.constant 25 : i32
    %dma_start3A_510 = arith.constant 25 : i32
    %dma_start3A_511 = arith.constant 0 : i32
    %dma_start3A_512 = tpu.memref_slice %arg12[%dma_start3A_510, %dma_start3A_511] : memref<32x512xf32, #tpu.memory_space<vmem>> -> memref<1x512xf32, #tpu.memory_space<vmem>>
    %dma_start3A_513 = tpu.memref_squeeze %dma_start3A_512 : memref<1x512xf32, #tpu.memory_space<vmem>> -> memref<512xf32, #tpu.memory_space<vmem>>
    %dma_start3A_514 = arith.constant 0 : i32
    %dma_start3A_515 = tpu.memref_slice %arg4[%dma_start3A_509, %dma_start3A_514] : memref<32x1000000xf32, #tpu.memory_space<hbm>> -> memref<1x1000000xf32, #tpu.memory_space<hbm>>
    %dma_start3A_516 = tpu.memref_squeeze %dma_start3A_515 : memref<1x1000000xf32, #tpu.memory_space<hbm>> -> memref<1000000xf32, #tpu.memory_space<hbm>>
    %dma_start3A_517 = arith.constant 0 : i32
    %dma_start3A_518 = tpu.memref_slice %dma_start3A_516[%dma_start3A_517] : memref<1000000xf32, #tpu.memory_space<hbm>> -> memref<1000000xf32, #tpu.memory_space<hbm>>
    tpu.enqueue_indirect_dma source(%dma_start3A_518 : memref<1000000xf32, #tpu.memory_space<hbm>>) target(%dma_start3A_513 : memref<512xf32, #tpu.memory_space<vmem>>) offsets(%arg10 : memref<512xi32, #tpu.memory_space<vmem>>) semaphore(%arg19 : memref<!tpu.dma_semaphore, #tpu.memory_space<semaphore_mem>>)
    %dma_start3A_519 = arith.constant 25 : i32
    %dma_start3A_520 = arith.constant 25 : i32
    %dma_start3A_521 = arith.constant 0 : i32
    %dma_start3A_522 = tpu.memref_slice %arg13[%dma_start3A_520, %dma_start3A_521] : memref<32x512xf32, #tpu.memory_space<vmem>> -> memref<1x512xf32, #tpu.memory_space<vmem>>
    %dma_start3A_523 = tpu.memref_squeeze %dma_start3A_522 : memref<1x512xf32, #tpu.memory_space<vmem>> -> memref<512xf32, #tpu.memory_space<vmem>>
    %dma_start3A_524 = arith.constant 0 : i32
    %dma_start3A_525 = tpu.memref_slice %arg5[%dma_start3A_519, %dma_start3A_524] : memref<32x1000000xf32, #tpu.memory_space<hbm>> -> memref<1x1000000xf32, #tpu.memory_space<hbm>>
    %dma_start3A_526 = tpu.memref_squeeze %dma_start3A_525 : memref<1x1000000xf32, #tpu.memory_space<hbm>> -> memref<1000000xf32, #tpu.memory_space<hbm>>
    %dma_start3A_527 = arith.constant 0 : i32
    %dma_start3A_528 = tpu.memref_slice %dma_start3A_526[%dma_start3A_527] : memref<1000000xf32, #tpu.memory_space<hbm>> -> memref<1000000xf32, #tpu.memory_space<hbm>>
    tpu.enqueue_indirect_dma source(%dma_start3A_528 : memref<1000000xf32, #tpu.memory_space<hbm>>) target(%dma_start3A_523 : memref<512xf32, #tpu.memory_space<vmem>>) offsets(%arg11 : memref<512xi32, #tpu.memory_space<vmem>>) semaphore(%arg19 : memref<!tpu.dma_semaphore, #tpu.memory_space<semaphore_mem>>)
    %dma_start3A_529 = arith.constant 26 : i32
    %dma_start3A_530 = arith.constant 26 : i32
    %dma_start3A_531 = arith.constant 0 : i32
    %dma_start3A_532 = tpu.memref_slice %arg12[%dma_start3A_530, %dma_start3A_531] : memref<32x512xf32, #tpu.memory_space<vmem>> -> memref<1x512xf32, #tpu.memory_space<vmem>>
    %dma_start3A_533 = tpu.memref_squeeze %dma_start3A_532 : memref<1x512xf32, #tpu.memory_space<vmem>> -> memref<512xf32, #tpu.memory_space<vmem>>
    %dma_start3A_534 = arith.constant 0 : i32
    %dma_start3A_535 = tpu.memref_slice %arg4[%dma_start3A_529, %dma_start3A_534] : memref<32x1000000xf32, #tpu.memory_space<hbm>> -> memref<1x1000000xf32, #tpu.memory_space<hbm>>
    %dma_start3A_536 = tpu.memref_squeeze %dma_start3A_535 : memref<1x1000000xf32, #tpu.memory_space<hbm>> -> memref<1000000xf32, #tpu.memory_space<hbm>>
    %dma_start3A_537 = arith.constant 0 : i32
    %dma_start3A_538 = tpu.memref_slice %dma_start3A_536[%dma_start3A_537] : memref<1000000xf32, #tpu.memory_space<hbm>> -> memref<1000000xf32, #tpu.memory_space<hbm>>
    tpu.enqueue_indirect_dma source(%dma_start3A_538 : memref<1000000xf32, #tpu.memory_space<hbm>>) target(%dma_start3A_533 : memref<512xf32, #tpu.memory_space<vmem>>) offsets(%arg10 : memref<512xi32, #tpu.memory_space<vmem>>) semaphore(%arg19 : memref<!tpu.dma_semaphore, #tpu.memory_space<semaphore_mem>>)
    %dma_start3A_539 = arith.constant 26 : i32
    %dma_start3A_540 = arith.constant 26 : i32
    %dma_start3A_541 = arith.constant 0 : i32
    %dma_start3A_542 = tpu.memref_slice %arg13[%dma_start3A_540, %dma_start3A_541] : memref<32x512xf32, #tpu.memory_space<vmem>> -> memref<1x512xf32, #tpu.memory_space<vmem>>
    %dma_start3A_543 = tpu.memref_squeeze %dma_start3A_542 : memref<1x512xf32, #tpu.memory_space<vmem>> -> memref<512xf32, #tpu.memory_space<vmem>>
    %dma_start3A_544 = arith.constant 0 : i32
    %dma_start3A_545 = tpu.memref_slice %arg5[%dma_start3A_539, %dma_start3A_544] : memref<32x1000000xf32, #tpu.memory_space<hbm>> -> memref<1x1000000xf32, #tpu.memory_space<hbm>>
    %dma_start3A_546 = tpu.memref_squeeze %dma_start3A_545 : memref<1x1000000xf32, #tpu.memory_space<hbm>> -> memref<1000000xf32, #tpu.memory_space<hbm>>
    %dma_start3A_547 = arith.constant 0 : i32
    %dma_start3A_548 = tpu.memref_slice %dma_start3A_546[%dma_start3A_547] : memref<1000000xf32, #tpu.memory_space<hbm>> -> memref<1000000xf32, #tpu.memory_space<hbm>>
    tpu.enqueue_indirect_dma source(%dma_start3A_548 : memref<1000000xf32, #tpu.memory_space<hbm>>) target(%dma_start3A_543 : memref<512xf32, #tpu.memory_space<vmem>>) offsets(%arg11 : memref<512xi32, #tpu.memory_space<vmem>>) semaphore(%arg19 : memref<!tpu.dma_semaphore, #tpu.memory_space<semaphore_mem>>)
    %dma_start3A_549 = arith.constant 27 : i32
    %dma_start3A_550 = arith.constant 27 : i32
    %dma_start3A_551 = arith.constant 0 : i32
    %dma_start3A_552 = tpu.memref_slice %arg12[%dma_start3A_550, %dma_start3A_551] : memref<32x512xf32, #tpu.memory_space<vmem>> -> memref<1x512xf32, #tpu.memory_space<vmem>>
    %dma_start3A_553 = tpu.memref_squeeze %dma_start3A_552 : memref<1x512xf32, #tpu.memory_space<vmem>> -> memref<512xf32, #tpu.memory_space<vmem>>
    %dma_start3A_554 = arith.constant 0 : i32
    %dma_start3A_555 = tpu.memref_slice %arg4[%dma_start3A_549, %dma_start3A_554] : memref<32x1000000xf32, #tpu.memory_space<hbm>> -> memref<1x1000000xf32, #tpu.memory_space<hbm>>
    %dma_start3A_556 = tpu.memref_squeeze %dma_start3A_555 : memref<1x1000000xf32, #tpu.memory_space<hbm>> -> memref<1000000xf32, #tpu.memory_space<hbm>>
    %dma_start3A_557 = arith.constant 0 : i32
    %dma_start3A_558 = tpu.memref_slice %dma_start3A_556[%dma_start3A_557] : memref<1000000xf32, #tpu.memory_space<hbm>> -> memref<1000000xf32, #tpu.memory_space<hbm>>
    tpu.enqueue_indirect_dma source(%dma_start3A_558 : memref<1000000xf32, #tpu.memory_space<hbm>>) target(%dma_start3A_553 : memref<512xf32, #tpu.memory_space<vmem>>) offsets(%arg10 : memref<512xi32, #tpu.memory_space<vmem>>) semaphore(%arg19 : memref<!tpu.dma_semaphore, #tpu.memory_space<semaphore_mem>>)
    %dma_start3A_559 = arith.constant 27 : i32
    %dma_start3A_560 = arith.constant 27 : i32
    %dma_start3A_561 = arith.constant 0 : i32
    %dma_start3A_562 = tpu.memref_slice %arg13[%dma_start3A_560, %dma_start3A_561] : memref<32x512xf32, #tpu.memory_space<vmem>> -> memref<1x512xf32, #tpu.memory_space<vmem>>
    %dma_start3A_563 = tpu.memref_squeeze %dma_start3A_562 : memref<1x512xf32, #tpu.memory_space<vmem>> -> memref<512xf32, #tpu.memory_space<vmem>>
    %dma_start3A_564 = arith.constant 0 : i32
    %dma_start3A_565 = tpu.memref_slice %arg5[%dma_start3A_559, %dma_start3A_564] : memref<32x1000000xf32, #tpu.memory_space<hbm>> -> memref<1x1000000xf32, #tpu.memory_space<hbm>>
    %dma_start3A_566 = tpu.memref_squeeze %dma_start3A_565 : memref<1x1000000xf32, #tpu.memory_space<hbm>> -> memref<1000000xf32, #tpu.memory_space<hbm>>
    %dma_start3A_567 = arith.constant 0 : i32
    %dma_start3A_568 = tpu.memref_slice %dma_start3A_566[%dma_start3A_567] : memref<1000000xf32, #tpu.memory_space<hbm>> -> memref<1000000xf32, #tpu.memory_space<hbm>>
    tpu.enqueue_indirect_dma source(%dma_start3A_568 : memref<1000000xf32, #tpu.memory_space<hbm>>) target(%dma_start3A_563 : memref<512xf32, #tpu.memory_space<vmem>>) offsets(%arg11 : memref<512xi32, #tpu.memory_space<vmem>>) semaphore(%arg19 : memref<!tpu.dma_semaphore, #tpu.memory_space<semaphore_mem>>)
    %dma_start3A_569 = arith.constant 28 : i32
    %dma_start3A_570 = arith.constant 28 : i32
    %dma_start3A_571 = arith.constant 0 : i32
    %dma_start3A_572 = tpu.memref_slice %arg12[%dma_start3A_570, %dma_start3A_571] : memref<32x512xf32, #tpu.memory_space<vmem>> -> memref<1x512xf32, #tpu.memory_space<vmem>>
    %dma_start3A_573 = tpu.memref_squeeze %dma_start3A_572 : memref<1x512xf32, #tpu.memory_space<vmem>> -> memref<512xf32, #tpu.memory_space<vmem>>
    %dma_start3A_574 = arith.constant 0 : i32
    %dma_start3A_575 = tpu.memref_slice %arg4[%dma_start3A_569, %dma_start3A_574] : memref<32x1000000xf32, #tpu.memory_space<hbm>> -> memref<1x1000000xf32, #tpu.memory_space<hbm>>
    %dma_start3A_576 = tpu.memref_squeeze %dma_start3A_575 : memref<1x1000000xf32, #tpu.memory_space<hbm>> -> memref<1000000xf32, #tpu.memory_space<hbm>>
    %dma_start3A_577 = arith.constant 0 : i32
    %dma_start3A_578 = tpu.memref_slice %dma_start3A_576[%dma_start3A_577] : memref<1000000xf32, #tpu.memory_space<hbm>> -> memref<1000000xf32, #tpu.memory_space<hbm>>
    tpu.enqueue_indirect_dma source(%dma_start3A_578 : memref<1000000xf32, #tpu.memory_space<hbm>>) target(%dma_start3A_573 : memref<512xf32, #tpu.memory_space<vmem>>) offsets(%arg10 : memref<512xi32, #tpu.memory_space<vmem>>) semaphore(%arg19 : memref<!tpu.dma_semaphore, #tpu.memory_space<semaphore_mem>>)
    %dma_start3A_579 = arith.constant 28 : i32
    %dma_start3A_580 = arith.constant 28 : i32
    %dma_start3A_581 = arith.constant 0 : i32
    %dma_start3A_582 = tpu.memref_slice %arg13[%dma_start3A_580, %dma_start3A_581] : memref<32x512xf32, #tpu.memory_space<vmem>> -> memref<1x512xf32, #tpu.memory_space<vmem>>
    %dma_start3A_583 = tpu.memref_squeeze %dma_start3A_582 : memref<1x512xf32, #tpu.memory_space<vmem>> -> memref<512xf32, #tpu.memory_space<vmem>>
    %dma_start3A_584 = arith.constant 0 : i32
    %dma_start3A_585 = tpu.memref_slice %arg5[%dma_start3A_579, %dma_start3A_584] : memref<32x1000000xf32, #tpu.memory_space<hbm>> -> memref<1x1000000xf32, #tpu.memory_space<hbm>>
    %dma_start3A_586 = tpu.memref_squeeze %dma_start3A_585 : memref<1x1000000xf32, #tpu.memory_space<hbm>> -> memref<1000000xf32, #tpu.memory_space<hbm>>
    %dma_start3A_587 = arith.constant 0 : i32
    %dma_start3A_588 = tpu.memref_slice %dma_start3A_586[%dma_start3A_587] : memref<1000000xf32, #tpu.memory_space<hbm>> -> memref<1000000xf32, #tpu.memory_space<hbm>>
    tpu.enqueue_indirect_dma source(%dma_start3A_588 : memref<1000000xf32, #tpu.memory_space<hbm>>) target(%dma_start3A_583 : memref<512xf32, #tpu.memory_space<vmem>>) offsets(%arg11 : memref<512xi32, #tpu.memory_space<vmem>>) semaphore(%arg19 : memref<!tpu.dma_semaphore, #tpu.memory_space<semaphore_mem>>)
    %dma_start3A_589 = arith.constant 29 : i32
    %dma_start3A_590 = arith.constant 29 : i32
    %dma_start3A_591 = arith.constant 0 : i32
    %dma_start3A_592 = tpu.memref_slice %arg12[%dma_start3A_590, %dma_start3A_591] : memref<32x512xf32, #tpu.memory_space<vmem>> -> memref<1x512xf32, #tpu.memory_space<vmem>>
    %dma_start3A_593 = tpu.memref_squeeze %dma_start3A_592 : memref<1x512xf32, #tpu.memory_space<vmem>> -> memref<512xf32, #tpu.memory_space<vmem>>
    %dma_start3A_594 = arith.constant 0 : i32
    %dma_start3A_595 = tpu.memref_slice %arg4[%dma_start3A_589, %dma_start3A_594] : memref<32x1000000xf32, #tpu.memory_space<hbm>> -> memref<1x1000000xf32, #tpu.memory_space<hbm>>
    %dma_start3A_596 = tpu.memref_squeeze %dma_start3A_595 : memref<1x1000000xf32, #tpu.memory_space<hbm>> -> memref<1000000xf32, #tpu.memory_space<hbm>>
    %dma_start3A_597 = arith.constant 0 : i32
    %dma_start3A_598 = tpu.memref_slice %dma_start3A_596[%dma_start3A_597] : memref<1000000xf32, #tpu.memory_space<hbm>> -> memref<1000000xf32, #tpu.memory_space<hbm>>
    tpu.enqueue_indirect_dma source(%dma_start3A_598 : memref<1000000xf32, #tpu.memory_space<hbm>>) target(%dma_start3A_593 : memref<512xf32, #tpu.memory_space<vmem>>) offsets(%arg10 : memref<512xi32, #tpu.memory_space<vmem>>) semaphore(%arg19 : memref<!tpu.dma_semaphore, #tpu.memory_space<semaphore_mem>>)
    %dma_start3A_599 = arith.constant 29 : i32
    %dma_start3A_600 = arith.constant 29 : i32
    %dma_start3A_601 = arith.constant 0 : i32
    %dma_start3A_602 = tpu.memref_slice %arg13[%dma_start3A_600, %dma_start3A_601] : memref<32x512xf32, #tpu.memory_space<vmem>> -> memref<1x512xf32, #tpu.memory_space<vmem>>
    %dma_start3A_603 = tpu.memref_squeeze %dma_start3A_602 : memref<1x512xf32, #tpu.memory_space<vmem>> -> memref<512xf32, #tpu.memory_space<vmem>>
    %dma_start3A_604 = arith.constant 0 : i32
    %dma_start3A_605 = tpu.memref_slice %arg5[%dma_start3A_599, %dma_start3A_604] : memref<32x1000000xf32, #tpu.memory_space<hbm>> -> memref<1x1000000xf32, #tpu.memory_space<hbm>>
    %dma_start3A_606 = tpu.memref_squeeze %dma_start3A_605 : memref<1x1000000xf32, #tpu.memory_space<hbm>> -> memref<1000000xf32, #tpu.memory_space<hbm>>
    %dma_start3A_607 = arith.constant 0 : i32
    %dma_start3A_608 = tpu.memref_slice %dma_start3A_606[%dma_start3A_607] : memref<1000000xf32, #tpu.memory_space<hbm>> -> memref<1000000xf32, #tpu.memory_space<hbm>>
    tpu.enqueue_indirect_dma source(%dma_start3A_608 : memref<1000000xf32, #tpu.memory_space<hbm>>) target(%dma_start3A_603 : memref<512xf32, #tpu.memory_space<vmem>>) offsets(%arg11 : memref<512xi32, #tpu.memory_space<vmem>>) semaphore(%arg19 : memref<!tpu.dma_semaphore, #tpu.memory_space<semaphore_mem>>)
    %dma_start3A_609 = arith.constant 30 : i32
    %dma_start3A_610 = arith.constant 30 : i32
    %dma_start3A_611 = arith.constant 0 : i32
    %dma_start3A_612 = tpu.memref_slice %arg12[%dma_start3A_610, %dma_start3A_611] : memref<32x512xf32, #tpu.memory_space<vmem>> -> memref<1x512xf32, #tpu.memory_space<vmem>>
    %dma_start3A_613 = tpu.memref_squeeze %dma_start3A_612 : memref<1x512xf32, #tpu.memory_space<vmem>> -> memref<512xf32, #tpu.memory_space<vmem>>
    %dma_start3A_614 = arith.constant 0 : i32
    %dma_start3A_615 = tpu.memref_slice %arg4[%dma_start3A_609, %dma_start3A_614] : memref<32x1000000xf32, #tpu.memory_space<hbm>> -> memref<1x1000000xf32, #tpu.memory_space<hbm>>
    %dma_start3A_616 = tpu.memref_squeeze %dma_start3A_615 : memref<1x1000000xf32, #tpu.memory_space<hbm>> -> memref<1000000xf32, #tpu.memory_space<hbm>>
    %dma_start3A_617 = arith.constant 0 : i32
    %dma_start3A_618 = tpu.memref_slice %dma_start3A_616[%dma_start3A_617] : memref<1000000xf32, #tpu.memory_space<hbm>> -> memref<1000000xf32, #tpu.memory_space<hbm>>
    tpu.enqueue_indirect_dma source(%dma_start3A_618 : memref<1000000xf32, #tpu.memory_space<hbm>>) target(%dma_start3A_613 : memref<512xf32, #tpu.memory_space<vmem>>) offsets(%arg10 : memref<512xi32, #tpu.memory_space<vmem>>) semaphore(%arg19 : memref<!tpu.dma_semaphore, #tpu.memory_space<semaphore_mem>>)
    %dma_start3A_619 = arith.constant 30 : i32
    %dma_start3A_620 = arith.constant 30 : i32
    %dma_start3A_621 = arith.constant 0 : i32
    %dma_start3A_622 = tpu.memref_slice %arg13[%dma_start3A_620, %dma_start3A_621] : memref<32x512xf32, #tpu.memory_space<vmem>> -> memref<1x512xf32, #tpu.memory_space<vmem>>
    %dma_start3A_623 = tpu.memref_squeeze %dma_start3A_622 : memref<1x512xf32, #tpu.memory_space<vmem>> -> memref<512xf32, #tpu.memory_space<vmem>>
    %dma_start3A_624 = arith.constant 0 : i32
    %dma_start3A_625 = tpu.memref_slice %arg5[%dma_start3A_619, %dma_start3A_624] : memref<32x1000000xf32, #tpu.memory_space<hbm>> -> memref<1x1000000xf32, #tpu.memory_space<hbm>>
    %dma_start3A_626 = tpu.memref_squeeze %dma_start3A_625 : memref<1x1000000xf32, #tpu.memory_space<hbm>> -> memref<1000000xf32, #tpu.memory_space<hbm>>
    %dma_start3A_627 = arith.constant 0 : i32
    %dma_start3A_628 = tpu.memref_slice %dma_start3A_626[%dma_start3A_627] : memref<1000000xf32, #tpu.memory_space<hbm>> -> memref<1000000xf32, #tpu.memory_space<hbm>>
    tpu.enqueue_indirect_dma source(%dma_start3A_628 : memref<1000000xf32, #tpu.memory_space<hbm>>) target(%dma_start3A_623 : memref<512xf32, #tpu.memory_space<vmem>>) offsets(%arg11 : memref<512xi32, #tpu.memory_space<vmem>>) semaphore(%arg19 : memref<!tpu.dma_semaphore, #tpu.memory_space<semaphore_mem>>)
    %dma_start3A_629 = arith.constant 31 : i32
    %dma_start3A_630 = arith.constant 31 : i32
    %dma_start3A_631 = arith.constant 0 : i32
    %dma_start3A_632 = tpu.memref_slice %arg12[%dma_start3A_630, %dma_start3A_631] : memref<32x512xf32, #tpu.memory_space<vmem>> -> memref<1x512xf32, #tpu.memory_space<vmem>>
    %dma_start3A_633 = tpu.memref_squeeze %dma_start3A_632 : memref<1x512xf32, #tpu.memory_space<vmem>> -> memref<512xf32, #tpu.memory_space<vmem>>
    %dma_start3A_634 = arith.constant 0 : i32
    %dma_start3A_635 = tpu.memref_slice %arg4[%dma_start3A_629, %dma_start3A_634] : memref<32x1000000xf32, #tpu.memory_space<hbm>> -> memref<1x1000000xf32, #tpu.memory_space<hbm>>
    %dma_start3A_636 = tpu.memref_squeeze %dma_start3A_635 : memref<1x1000000xf32, #tpu.memory_space<hbm>> -> memref<1000000xf32, #tpu.memory_space<hbm>>
    %dma_start3A_637 = arith.constant 0 : i32
    %dma_start3A_638 = tpu.memref_slice %dma_start3A_636[%dma_start3A_637] : memref<1000000xf32, #tpu.memory_space<hbm>> -> memref<1000000xf32, #tpu.memory_space<hbm>>
    tpu.enqueue_indirect_dma source(%dma_start3A_638 : memref<1000000xf32, #tpu.memory_space<hbm>>) target(%dma_start3A_633 : memref<512xf32, #tpu.memory_space<vmem>>) offsets(%arg10 : memref<512xi32, #tpu.memory_space<vmem>>) semaphore(%arg19 : memref<!tpu.dma_semaphore, #tpu.memory_space<semaphore_mem>>)
    %dma_start3A_639 = arith.constant 31 : i32
    %dma_start3A_640 = arith.constant 31 : i32
    %dma_start3A_641 = arith.constant 0 : i32
    %dma_start3A_642 = tpu.memref_slice %arg13[%dma_start3A_640, %dma_start3A_641] : memref<32x512xf32, #tpu.memory_space<vmem>> -> memref<1x512xf32, #tpu.memory_space<vmem>>
    %dma_start3A_643 = tpu.memref_squeeze %dma_start3A_642 : memref<1x512xf32, #tpu.memory_space<vmem>> -> memref<512xf32, #tpu.memory_space<vmem>>
    %dma_start3A_644 = arith.constant 0 : i32
    %dma_start3A_645 = tpu.memref_slice %arg5[%dma_start3A_639, %dma_start3A_644] : memref<32x1000000xf32, #tpu.memory_space<hbm>> -> memref<1x1000000xf32, #tpu.memory_space<hbm>>
    %dma_start3A_646 = tpu.memref_squeeze %dma_start3A_645 : memref<1x1000000xf32, #tpu.memory_space<hbm>> -> memref<1000000xf32, #tpu.memory_space<hbm>>
    %dma_start3A_647 = arith.constant 0 : i32
    %dma_start3A_648 = tpu.memref_slice %dma_start3A_646[%dma_start3A_647] : memref<1000000xf32, #tpu.memory_space<hbm>> -> memref<1000000xf32, #tpu.memory_space<hbm>>
    tpu.enqueue_indirect_dma source(%dma_start3A_648 : memref<1000000xf32, #tpu.memory_space<hbm>>) target(%dma_start3A_643 : memref<512xf32, #tpu.memory_space<vmem>>) offsets(%arg11 : memref<512xi32, #tpu.memory_space<vmem>>) semaphore(%arg19 : memref<!tpu.dma_semaphore, #tpu.memory_space<semaphore_mem>>)
    %dma_start3A_649 = arith.constant 0 : i32
    %dma_start3A_650 = tpu.memref_slice %arg6[%dma_start3A_649] : memref<1000000xf32, #tpu.memory_space<hbm>> -> memref<1000000xf32, #tpu.memory_space<hbm>>
    tpu.enqueue_indirect_dma source(%dma_start3A_650 : memref<1000000xf32, #tpu.memory_space<hbm>>) target(%arg14 : memref<512xf32, #tpu.memory_space<vmem>>) offsets(%arg10 : memref<512xi32, #tpu.memory_space<vmem>>) semaphore(%arg19 : memref<!tpu.dma_semaphore, #tpu.memory_space<semaphore_mem>>)
    %dma_start3A_651 = arith.constant 0 : i32
    %dma_start3A_652 = tpu.memref_slice %arg7[%dma_start3A_651] : memref<1000000xf32, #tpu.memory_space<hbm>> -> memref<1000000xf32, #tpu.memory_space<hbm>>
    tpu.enqueue_indirect_dma source(%dma_start3A_652 : memref<1000000xf32, #tpu.memory_space<hbm>>) target(%arg15 : memref<512xf32, #tpu.memory_space<vmem>>) offsets(%arg11 : memref<512xi32, #tpu.memory_space<vmem>>) semaphore(%arg19 : memref<!tpu.dma_semaphore, #tpu.memory_space<semaphore_mem>>)
    %dma_wait3A_653 = arith.constant 0 : i32
    %dma_wait3A_654 = arith.constant 0 : i32
    %dma_wait3A_655 = arith.constant 0 : i32
    %dma_wait3A_656 = tpu.memref_slice %arg12[%dma_wait3A_654, %dma_wait3A_655] : memref<32x512xf32, #tpu.memory_space<vmem>> -> memref<1x512xf32, #tpu.memory_space<vmem>>
    %dma_wait3A_657 = tpu.memref_squeeze %dma_wait3A_656 : memref<1x512xf32, #tpu.memory_space<vmem>> -> memref<512xf32, #tpu.memory_space<vmem>>
    %dma_wait3A_658 = arith.constant 0 : i32
    %dma_wait3A_659 = tpu.memref_slice %arg4[%dma_wait3A_653, %dma_wait3A_658] : memref<32x1000000xf32, #tpu.memory_space<hbm>> -> memref<1x1000000xf32, #tpu.memory_space<hbm>>
    %dma_wait3A_660 = tpu.memref_squeeze %dma_wait3A_659 : memref<1x1000000xf32, #tpu.memory_space<hbm>> -> memref<1000000xf32, #tpu.memory_space<hbm>>
    %dma_wait3A_661 = arith.constant 0 : i32
    %dma_wait3A_662 = tpu.memref_slice %dma_wait3A_660[%dma_wait3A_661] : memref<1000000xf32, #tpu.memory_space<hbm>> -> memref<1000000xf32, #tpu.memory_space<hbm>>
    tpu.wait_indirect_dma semaphore(%arg19 : memref<!tpu.dma_semaphore, #tpu.memory_space<semaphore_mem>>) src(%dma_wait3A_662 : memref<1000000xf32, #tpu.memory_space<hbm>>) dst(%dma_wait3A_657 : memref<512xf32, #tpu.memory_space<vmem>>)
    %dma_wait3A_663 = arith.constant 0 : i32
    %dma_wait3A_664 = arith.constant 0 : i32
    %dma_wait3A_665 = arith.constant 0 : i32
    %dma_wait3A_666 = tpu.memref_slice %arg13[%dma_wait3A_664, %dma_wait3A_665] : memref<32x512xf32, #tpu.memory_space<vmem>> -> memref<1x512xf32, #tpu.memory_space<vmem>>
    %dma_wait3A_667 = tpu.memref_squeeze %dma_wait3A_666 : memref<1x512xf32, #tpu.memory_space<vmem>> -> memref<512xf32, #tpu.memory_space<vmem>>
    %dma_wait3A_668 = arith.constant 0 : i32
    %dma_wait3A_669 = tpu.memref_slice %arg5[%dma_wait3A_663, %dma_wait3A_668] : memref<32x1000000xf32, #tpu.memory_space<hbm>> -> memref<1x1000000xf32, #tpu.memory_space<hbm>>
    %dma_wait3A_670 = tpu.memref_squeeze %dma_wait3A_669 : memref<1x1000000xf32, #tpu.memory_space<hbm>> -> memref<1000000xf32, #tpu.memory_space<hbm>>
    %dma_wait3A_671 = arith.constant 0 : i32
    %dma_wait3A_672 = tpu.memref_slice %dma_wait3A_670[%dma_wait3A_671] : memref<1000000xf32, #tpu.memory_space<hbm>> -> memref<1000000xf32, #tpu.memory_space<hbm>>
    tpu.wait_indirect_dma semaphore(%arg19 : memref<!tpu.dma_semaphore, #tpu.memory_space<semaphore_mem>>) src(%dma_wait3A_672 : memref<1000000xf32, #tpu.memory_space<hbm>>) dst(%dma_wait3A_667 : memref<512xf32, #tpu.memory_space<vmem>>)
    %dma_wait3A_673 = arith.constant 1 : i32
    %dma_wait3A_674 = arith.constant 1 : i32
    %dma_wait3A_675 = arith.constant 0 : i32
    %dma_wait3A_676 = tpu.memref_slice %arg12[%dma_wait3A_674, %dma_wait3A_675] : memref<32x512xf32, #tpu.memory_space<vmem>> -> memref<1x512xf32, #tpu.memory_space<vmem>>
    %dma_wait3A_677 = tpu.memref_squeeze %dma_wait3A_676 : memref<1x512xf32, #tpu.memory_space<vmem>> -> memref<512xf32, #tpu.memory_space<vmem>>
    %dma_wait3A_678 = arith.constant 0 : i32
    %dma_wait3A_679 = tpu.memref_slice %arg4[%dma_wait3A_673, %dma_wait3A_678] : memref<32x1000000xf32, #tpu.memory_space<hbm>> -> memref<1x1000000xf32, #tpu.memory_space<hbm>>
    %dma_wait3A_680 = tpu.memref_squeeze %dma_wait3A_679 : memref<1x1000000xf32, #tpu.memory_space<hbm>> -> memref<1000000xf32, #tpu.memory_space<hbm>>
    %dma_wait3A_681 = arith.constant 0 : i32
    %dma_wait3A_682 = tpu.memref_slice %dma_wait3A_680[%dma_wait3A_681] : memref<1000000xf32, #tpu.memory_space<hbm>> -> memref<1000000xf32, #tpu.memory_space<hbm>>
    tpu.wait_indirect_dma semaphore(%arg19 : memref<!tpu.dma_semaphore, #tpu.memory_space<semaphore_mem>>) src(%dma_wait3A_682 : memref<1000000xf32, #tpu.memory_space<hbm>>) dst(%dma_wait3A_677 : memref<512xf32, #tpu.memory_space<vmem>>)
    %dma_wait3A_683 = arith.constant 1 : i32
    %dma_wait3A_684 = arith.constant 1 : i32
    %dma_wait3A_685 = arith.constant 0 : i32
    %dma_wait3A_686 = tpu.memref_slice %arg13[%dma_wait3A_684, %dma_wait3A_685] : memref<32x512xf32, #tpu.memory_space<vmem>> -> memref<1x512xf32, #tpu.memory_space<vmem>>
    %dma_wait3A_687 = tpu.memref_squeeze %dma_wait3A_686 : memref<1x512xf32, #tpu.memory_space<vmem>> -> memref<512xf32, #tpu.memory_space<vmem>>
    %dma_wait3A_688 = arith.constant 0 : i32
    %dma_wait3A_689 = tpu.memref_slice %arg5[%dma_wait3A_683, %dma_wait3A_688] : memref<32x1000000xf32, #tpu.memory_space<hbm>> -> memref<1x1000000xf32, #tpu.memory_space<hbm>>
    %dma_wait3A_690 = tpu.memref_squeeze %dma_wait3A_689 : memref<1x1000000xf32, #tpu.memory_space<hbm>> -> memref<1000000xf32, #tpu.memory_space<hbm>>
    %dma_wait3A_691 = arith.constant 0 : i32
    %dma_wait3A_692 = tpu.memref_slice %dma_wait3A_690[%dma_wait3A_691] : memref<1000000xf32, #tpu.memory_space<hbm>> -> memref<1000000xf32, #tpu.memory_space<hbm>>
    tpu.wait_indirect_dma semaphore(%arg19 : memref<!tpu.dma_semaphore, #tpu.memory_space<semaphore_mem>>) src(%dma_wait3A_692 : memref<1000000xf32, #tpu.memory_space<hbm>>) dst(%dma_wait3A_687 : memref<512xf32, #tpu.memory_space<vmem>>)
    %dma_wait3A_693 = arith.constant 2 : i32
    %dma_wait3A_694 = arith.constant 2 : i32
    %dma_wait3A_695 = arith.constant 0 : i32
    %dma_wait3A_696 = tpu.memref_slice %arg12[%dma_wait3A_694, %dma_wait3A_695] : memref<32x512xf32, #tpu.memory_space<vmem>> -> memref<1x512xf32, #tpu.memory_space<vmem>>
    %dma_wait3A_697 = tpu.memref_squeeze %dma_wait3A_696 : memref<1x512xf32, #tpu.memory_space<vmem>> -> memref<512xf32, #tpu.memory_space<vmem>>
    %dma_wait3A_698 = arith.constant 0 : i32
    %dma_wait3A_699 = tpu.memref_slice %arg4[%dma_wait3A_693, %dma_wait3A_698] : memref<32x1000000xf32, #tpu.memory_space<hbm>> -> memref<1x1000000xf32, #tpu.memory_space<hbm>>
    %dma_wait3A_700 = tpu.memref_squeeze %dma_wait3A_699 : memref<1x1000000xf32, #tpu.memory_space<hbm>> -> memref<1000000xf32, #tpu.memory_space<hbm>>
    %dma_wait3A_701 = arith.constant 0 : i32
    %dma_wait3A_702 = tpu.memref_slice %dma_wait3A_700[%dma_wait3A_701] : memref<1000000xf32, #tpu.memory_space<hbm>> -> memref<1000000xf32, #tpu.memory_space<hbm>>
    tpu.wait_indirect_dma semaphore(%arg19 : memref<!tpu.dma_semaphore, #tpu.memory_space<semaphore_mem>>) src(%dma_wait3A_702 : memref<1000000xf32, #tpu.memory_space<hbm>>) dst(%dma_wait3A_697 : memref<512xf32, #tpu.memory_space<vmem>>)
    %dma_wait3A_703 = arith.constant 2 : i32
    %dma_wait3A_704 = arith.constant 2 : i32
    %dma_wait3A_705 = arith.constant 0 : i32
    %dma_wait3A_706 = tpu.memref_slice %arg13[%dma_wait3A_704, %dma_wait3A_705] : memref<32x512xf32, #tpu.memory_space<vmem>> -> memref<1x512xf32, #tpu.memory_space<vmem>>
    %dma_wait3A_707 = tpu.memref_squeeze %dma_wait3A_706 : memref<1x512xf32, #tpu.memory_space<vmem>> -> memref<512xf32, #tpu.memory_space<vmem>>
    %dma_wait3A_708 = arith.constant 0 : i32
    %dma_wait3A_709 = tpu.memref_slice %arg5[%dma_wait3A_703, %dma_wait3A_708] : memref<32x1000000xf32, #tpu.memory_space<hbm>> -> memref<1x1000000xf32, #tpu.memory_space<hbm>>
    %dma_wait3A_710 = tpu.memref_squeeze %dma_wait3A_709 : memref<1x1000000xf32, #tpu.memory_space<hbm>> -> memref<1000000xf32, #tpu.memory_space<hbm>>
    %dma_wait3A_711 = arith.constant 0 : i32
    %dma_wait3A_712 = tpu.memref_slice %dma_wait3A_710[%dma_wait3A_711] : memref<1000000xf32, #tpu.memory_space<hbm>> -> memref<1000000xf32, #tpu.memory_space<hbm>>
    tpu.wait_indirect_dma semaphore(%arg19 : memref<!tpu.dma_semaphore, #tpu.memory_space<semaphore_mem>>) src(%dma_wait3A_712 : memref<1000000xf32, #tpu.memory_space<hbm>>) dst(%dma_wait3A_707 : memref<512xf32, #tpu.memory_space<vmem>>)
    %dma_wait3A_713 = arith.constant 3 : i32
    %dma_wait3A_714 = arith.constant 3 : i32
    %dma_wait3A_715 = arith.constant 0 : i32
    %dma_wait3A_716 = tpu.memref_slice %arg12[%dma_wait3A_714, %dma_wait3A_715] : memref<32x512xf32, #tpu.memory_space<vmem>> -> memref<1x512xf32, #tpu.memory_space<vmem>>
    %dma_wait3A_717 = tpu.memref_squeeze %dma_wait3A_716 : memref<1x512xf32, #tpu.memory_space<vmem>> -> memref<512xf32, #tpu.memory_space<vmem>>
    %dma_wait3A_718 = arith.constant 0 : i32
    %dma_wait3A_719 = tpu.memref_slice %arg4[%dma_wait3A_713, %dma_wait3A_718] : memref<32x1000000xf32, #tpu.memory_space<hbm>> -> memref<1x1000000xf32, #tpu.memory_space<hbm>>
    %dma_wait3A_720 = tpu.memref_squeeze %dma_wait3A_719 : memref<1x1000000xf32, #tpu.memory_space<hbm>> -> memref<1000000xf32, #tpu.memory_space<hbm>>
    %dma_wait3A_721 = arith.constant 0 : i32
    %dma_wait3A_722 = tpu.memref_slice %dma_wait3A_720[%dma_wait3A_721] : memref<1000000xf32, #tpu.memory_space<hbm>> -> memref<1000000xf32, #tpu.memory_space<hbm>>
    tpu.wait_indirect_dma semaphore(%arg19 : memref<!tpu.dma_semaphore, #tpu.memory_space<semaphore_mem>>) src(%dma_wait3A_722 : memref<1000000xf32, #tpu.memory_space<hbm>>) dst(%dma_wait3A_717 : memref<512xf32, #tpu.memory_space<vmem>>)
    %dma_wait3A_723 = arith.constant 3 : i32
    %dma_wait3A_724 = arith.constant 3 : i32
    %dma_wait3A_725 = arith.constant 0 : i32
    %dma_wait3A_726 = tpu.memref_slice %arg13[%dma_wait3A_724, %dma_wait3A_725] : memref<32x512xf32, #tpu.memory_space<vmem>> -> memref<1x512xf32, #tpu.memory_space<vmem>>
    %dma_wait3A_727 = tpu.memref_squeeze %dma_wait3A_726 : memref<1x512xf32, #tpu.memory_space<vmem>> -> memref<512xf32, #tpu.memory_space<vmem>>
    %dma_wait3A_728 = arith.constant 0 : i32
    %dma_wait3A_729 = tpu.memref_slice %arg5[%dma_wait3A_723, %dma_wait3A_728] : memref<32x1000000xf32, #tpu.memory_space<hbm>> -> memref<1x1000000xf32, #tpu.memory_space<hbm>>
    %dma_wait3A_730 = tpu.memref_squeeze %dma_wait3A_729 : memref<1x1000000xf32, #tpu.memory_space<hbm>> -> memref<1000000xf32, #tpu.memory_space<hbm>>
    %dma_wait3A_731 = arith.constant 0 : i32
    %dma_wait3A_732 = tpu.memref_slice %dma_wait3A_730[%dma_wait3A_731] : memref<1000000xf32, #tpu.memory_space<hbm>> -> memref<1000000xf32, #tpu.memory_space<hbm>>
    tpu.wait_indirect_dma semaphore(%arg19 : memref<!tpu.dma_semaphore, #tpu.memory_space<semaphore_mem>>) src(%dma_wait3A_732 : memref<1000000xf32, #tpu.memory_space<hbm>>) dst(%dma_wait3A_727 : memref<512xf32, #tpu.memory_space<vmem>>)
    %dma_wait3A_733 = arith.constant 4 : i32
    %dma_wait3A_734 = arith.constant 4 : i32
    %dma_wait3A_735 = arith.constant 0 : i32
    %dma_wait3A_736 = tpu.memref_slice %arg12[%dma_wait3A_734, %dma_wait3A_735] : memref<32x512xf32, #tpu.memory_space<vmem>> -> memref<1x512xf32, #tpu.memory_space<vmem>>
    %dma_wait3A_737 = tpu.memref_squeeze %dma_wait3A_736 : memref<1x512xf32, #tpu.memory_space<vmem>> -> memref<512xf32, #tpu.memory_space<vmem>>
    %dma_wait3A_738 = arith.constant 0 : i32
    %dma_wait3A_739 = tpu.memref_slice %arg4[%dma_wait3A_733, %dma_wait3A_738] : memref<32x1000000xf32, #tpu.memory_space<hbm>> -> memref<1x1000000xf32, #tpu.memory_space<hbm>>
    %dma_wait3A_740 = tpu.memref_squeeze %dma_wait3A_739 : memref<1x1000000xf32, #tpu.memory_space<hbm>> -> memref<1000000xf32, #tpu.memory_space<hbm>>
    %dma_wait3A_741 = arith.constant 0 : i32
    %dma_wait3A_742 = tpu.memref_slice %dma_wait3A_740[%dma_wait3A_741] : memref<1000000xf32, #tpu.memory_space<hbm>> -> memref<1000000xf32, #tpu.memory_space<hbm>>
    tpu.wait_indirect_dma semaphore(%arg19 : memref<!tpu.dma_semaphore, #tpu.memory_space<semaphore_mem>>) src(%dma_wait3A_742 : memref<1000000xf32, #tpu.memory_space<hbm>>) dst(%dma_wait3A_737 : memref<512xf32, #tpu.memory_space<vmem>>)
    %dma_wait3A_743 = arith.constant 4 : i32
    %dma_wait3A_744 = arith.constant 4 : i32
    %dma_wait3A_745 = arith.constant 0 : i32
    %dma_wait3A_746 = tpu.memref_slice %arg13[%dma_wait3A_744, %dma_wait3A_745] : memref<32x512xf32, #tpu.memory_space<vmem>> -> memref<1x512xf32, #tpu.memory_space<vmem>>
    %dma_wait3A_747 = tpu.memref_squeeze %dma_wait3A_746 : memref<1x512xf32, #tpu.memory_space<vmem>> -> memref<512xf32, #tpu.memory_space<vmem>>
    %dma_wait3A_748 = arith.constant 0 : i32
    %dma_wait3A_749 = tpu.memref_slice %arg5[%dma_wait3A_743, %dma_wait3A_748] : memref<32x1000000xf32, #tpu.memory_space<hbm>> -> memref<1x1000000xf32, #tpu.memory_space<hbm>>
    %dma_wait3A_750 = tpu.memref_squeeze %dma_wait3A_749 : memref<1x1000000xf32, #tpu.memory_space<hbm>> -> memref<1000000xf32, #tpu.memory_space<hbm>>
    %dma_wait3A_751 = arith.constant 0 : i32
    %dma_wait3A_752 = tpu.memref_slice %dma_wait3A_750[%dma_wait3A_751] : memref<1000000xf32, #tpu.memory_space<hbm>> -> memref<1000000xf32, #tpu.memory_space<hbm>>
    tpu.wait_indirect_dma semaphore(%arg19 : memref<!tpu.dma_semaphore, #tpu.memory_space<semaphore_mem>>) src(%dma_wait3A_752 : memref<1000000xf32, #tpu.memory_space<hbm>>) dst(%dma_wait3A_747 : memref<512xf32, #tpu.memory_space<vmem>>)
    %dma_wait3A_753 = arith.constant 5 : i32
    %dma_wait3A_754 = arith.constant 5 : i32
    %dma_wait3A_755 = arith.constant 0 : i32
    %dma_wait3A_756 = tpu.memref_slice %arg12[%dma_wait3A_754, %dma_wait3A_755] : memref<32x512xf32, #tpu.memory_space<vmem>> -> memref<1x512xf32, #tpu.memory_space<vmem>>
    %dma_wait3A_757 = tpu.memref_squeeze %dma_wait3A_756 : memref<1x512xf32, #tpu.memory_space<vmem>> -> memref<512xf32, #tpu.memory_space<vmem>>
    %dma_wait3A_758 = arith.constant 0 : i32
    %dma_wait3A_759 = tpu.memref_slice %arg4[%dma_wait3A_753, %dma_wait3A_758] : memref<32x1000000xf32, #tpu.memory_space<hbm>> -> memref<1x1000000xf32, #tpu.memory_space<hbm>>
    %dma_wait3A_760 = tpu.memref_squeeze %dma_wait3A_759 : memref<1x1000000xf32, #tpu.memory_space<hbm>> -> memref<1000000xf32, #tpu.memory_space<hbm>>
    %dma_wait3A_761 = arith.constant 0 : i32
    %dma_wait3A_762 = tpu.memref_slice %dma_wait3A_760[%dma_wait3A_761] : memref<1000000xf32, #tpu.memory_space<hbm>> -> memref<1000000xf32, #tpu.memory_space<hbm>>
    tpu.wait_indirect_dma semaphore(%arg19 : memref<!tpu.dma_semaphore, #tpu.memory_space<semaphore_mem>>) src(%dma_wait3A_762 : memref<1000000xf32, #tpu.memory_space<hbm>>) dst(%dma_wait3A_757 : memref<512xf32, #tpu.memory_space<vmem>>)
    %dma_wait3A_763 = arith.constant 5 : i32
    %dma_wait3A_764 = arith.constant 5 : i32
    %dma_wait3A_765 = arith.constant 0 : i32
    %dma_wait3A_766 = tpu.memref_slice %arg13[%dma_wait3A_764, %dma_wait3A_765] : memref<32x512xf32, #tpu.memory_space<vmem>> -> memref<1x512xf32, #tpu.memory_space<vmem>>
    %dma_wait3A_767 = tpu.memref_squeeze %dma_wait3A_766 : memref<1x512xf32, #tpu.memory_space<vmem>> -> memref<512xf32, #tpu.memory_space<vmem>>
    %dma_wait3A_768 = arith.constant 0 : i32
    %dma_wait3A_769 = tpu.memref_slice %arg5[%dma_wait3A_763, %dma_wait3A_768] : memref<32x1000000xf32, #tpu.memory_space<hbm>> -> memref<1x1000000xf32, #tpu.memory_space<hbm>>
    %dma_wait3A_770 = tpu.memref_squeeze %dma_wait3A_769 : memref<1x1000000xf32, #tpu.memory_space<hbm>> -> memref<1000000xf32, #tpu.memory_space<hbm>>
    %dma_wait3A_771 = arith.constant 0 : i32
    %dma_wait3A_772 = tpu.memref_slice %dma_wait3A_770[%dma_wait3A_771] : memref<1000000xf32, #tpu.memory_space<hbm>> -> memref<1000000xf32, #tpu.memory_space<hbm>>
    tpu.wait_indirect_dma semaphore(%arg19 : memref<!tpu.dma_semaphore, #tpu.memory_space<semaphore_mem>>) src(%dma_wait3A_772 : memref<1000000xf32, #tpu.memory_space<hbm>>) dst(%dma_wait3A_767 : memref<512xf32, #tpu.memory_space<vmem>>)
    %dma_wait3A_773 = arith.constant 6 : i32
    %dma_wait3A_774 = arith.constant 6 : i32
    %dma_wait3A_775 = arith.constant 0 : i32
    %dma_wait3A_776 = tpu.memref_slice %arg12[%dma_wait3A_774, %dma_wait3A_775] : memref<32x512xf32, #tpu.memory_space<vmem>> -> memref<1x512xf32, #tpu.memory_space<vmem>>
    %dma_wait3A_777 = tpu.memref_squeeze %dma_wait3A_776 : memref<1x512xf32, #tpu.memory_space<vmem>> -> memref<512xf32, #tpu.memory_space<vmem>>
    %dma_wait3A_778 = arith.constant 0 : i32
    %dma_wait3A_779 = tpu.memref_slice %arg4[%dma_wait3A_773, %dma_wait3A_778] : memref<32x1000000xf32, #tpu.memory_space<hbm>> -> memref<1x1000000xf32, #tpu.memory_space<hbm>>
    %dma_wait3A_780 = tpu.memref_squeeze %dma_wait3A_779 : memref<1x1000000xf32, #tpu.memory_space<hbm>> -> memref<1000000xf32, #tpu.memory_space<hbm>>
    %dma_wait3A_781 = arith.constant 0 : i32
    %dma_wait3A_782 = tpu.memref_slice %dma_wait3A_780[%dma_wait3A_781] : memref<1000000xf32, #tpu.memory_space<hbm>> -> memref<1000000xf32, #tpu.memory_space<hbm>>
    tpu.wait_indirect_dma semaphore(%arg19 : memref<!tpu.dma_semaphore, #tpu.memory_space<semaphore_mem>>) src(%dma_wait3A_782 : memref<1000000xf32, #tpu.memory_space<hbm>>) dst(%dma_wait3A_777 : memref<512xf32, #tpu.memory_space<vmem>>)
    %dma_wait3A_783 = arith.constant 6 : i32
    %dma_wait3A_784 = arith.constant 6 : i32
    %dma_wait3A_785 = arith.constant 0 : i32
    %dma_wait3A_786 = tpu.memref_slice %arg13[%dma_wait3A_784, %dma_wait3A_785] : memref<32x512xf32, #tpu.memory_space<vmem>> -> memref<1x512xf32, #tpu.memory_space<vmem>>
    %dma_wait3A_787 = tpu.memref_squeeze %dma_wait3A_786 : memref<1x512xf32, #tpu.memory_space<vmem>> -> memref<512xf32, #tpu.memory_space<vmem>>
    %dma_wait3A_788 = arith.constant 0 : i32
    %dma_wait3A_789 = tpu.memref_slice %arg5[%dma_wait3A_783, %dma_wait3A_788] : memref<32x1000000xf32, #tpu.memory_space<hbm>> -> memref<1x1000000xf32, #tpu.memory_space<hbm>>
    %dma_wait3A_790 = tpu.memref_squeeze %dma_wait3A_789 : memref<1x1000000xf32, #tpu.memory_space<hbm>> -> memref<1000000xf32, #tpu.memory_space<hbm>>
    %dma_wait3A_791 = arith.constant 0 : i32
    %dma_wait3A_792 = tpu.memref_slice %dma_wait3A_790[%dma_wait3A_791] : memref<1000000xf32, #tpu.memory_space<hbm>> -> memref<1000000xf32, #tpu.memory_space<hbm>>
    tpu.wait_indirect_dma semaphore(%arg19 : memref<!tpu.dma_semaphore, #tpu.memory_space<semaphore_mem>>) src(%dma_wait3A_792 : memref<1000000xf32, #tpu.memory_space<hbm>>) dst(%dma_wait3A_787 : memref<512xf32, #tpu.memory_space<vmem>>)
    %dma_wait3A_793 = arith.constant 7 : i32
    %dma_wait3A_794 = arith.constant 7 : i32
    %dma_wait3A_795 = arith.constant 0 : i32
    %dma_wait3A_796 = tpu.memref_slice %arg12[%dma_wait3A_794, %dma_wait3A_795] : memref<32x512xf32, #tpu.memory_space<vmem>> -> memref<1x512xf32, #tpu.memory_space<vmem>>
    %dma_wait3A_797 = tpu.memref_squeeze %dma_wait3A_796 : memref<1x512xf32, #tpu.memory_space<vmem>> -> memref<512xf32, #tpu.memory_space<vmem>>
    %dma_wait3A_798 = arith.constant 0 : i32
    %dma_wait3A_799 = tpu.memref_slice %arg4[%dma_wait3A_793, %dma_wait3A_798] : memref<32x1000000xf32, #tpu.memory_space<hbm>> -> memref<1x1000000xf32, #tpu.memory_space<hbm>>
    %dma_wait3A_800 = tpu.memref_squeeze %dma_wait3A_799 : memref<1x1000000xf32, #tpu.memory_space<hbm>> -> memref<1000000xf32, #tpu.memory_space<hbm>>
    %dma_wait3A_801 = arith.constant 0 : i32
    %dma_wait3A_802 = tpu.memref_slice %dma_wait3A_800[%dma_wait3A_801] : memref<1000000xf32, #tpu.memory_space<hbm>> -> memref<1000000xf32, #tpu.memory_space<hbm>>
    tpu.wait_indirect_dma semaphore(%arg19 : memref<!tpu.dma_semaphore, #tpu.memory_space<semaphore_mem>>) src(%dma_wait3A_802 : memref<1000000xf32, #tpu.memory_space<hbm>>) dst(%dma_wait3A_797 : memref<512xf32, #tpu.memory_space<vmem>>)
    %dma_wait3A_803 = arith.constant 7 : i32
    %dma_wait3A_804 = arith.constant 7 : i32
    %dma_wait3A_805 = arith.constant 0 : i32
    %dma_wait3A_806 = tpu.memref_slice %arg13[%dma_wait3A_804, %dma_wait3A_805] : memref<32x512xf32, #tpu.memory_space<vmem>> -> memref<1x512xf32, #tpu.memory_space<vmem>>
    %dma_wait3A_807 = tpu.memref_squeeze %dma_wait3A_806 : memref<1x512xf32, #tpu.memory_space<vmem>> -> memref<512xf32, #tpu.memory_space<vmem>>
    %dma_wait3A_808 = arith.constant 0 : i32
    %dma_wait3A_809 = tpu.memref_slice %arg5[%dma_wait3A_803, %dma_wait3A_808] : memref<32x1000000xf32, #tpu.memory_space<hbm>> -> memref<1x1000000xf32, #tpu.memory_space<hbm>>
    %dma_wait3A_810 = tpu.memref_squeeze %dma_wait3A_809 : memref<1x1000000xf32, #tpu.memory_space<hbm>> -> memref<1000000xf32, #tpu.memory_space<hbm>>
    %dma_wait3A_811 = arith.constant 0 : i32
    %dma_wait3A_812 = tpu.memref_slice %dma_wait3A_810[%dma_wait3A_811] : memref<1000000xf32, #tpu.memory_space<hbm>> -> memref<1000000xf32, #tpu.memory_space<hbm>>
    tpu.wait_indirect_dma semaphore(%arg19 : memref<!tpu.dma_semaphore, #tpu.memory_space<semaphore_mem>>) src(%dma_wait3A_812 : memref<1000000xf32, #tpu.memory_space<hbm>>) dst(%dma_wait3A_807 : memref<512xf32, #tpu.memory_space<vmem>>)
    %dma_wait3A_813 = arith.constant 8 : i32
    %dma_wait3A_814 = arith.constant 8 : i32
    %dma_wait3A_815 = arith.constant 0 : i32
    %dma_wait3A_816 = tpu.memref_slice %arg12[%dma_wait3A_814, %dma_wait3A_815] : memref<32x512xf32, #tpu.memory_space<vmem>> -> memref<1x512xf32, #tpu.memory_space<vmem>>
    %dma_wait3A_817 = tpu.memref_squeeze %dma_wait3A_816 : memref<1x512xf32, #tpu.memory_space<vmem>> -> memref<512xf32, #tpu.memory_space<vmem>>
    %dma_wait3A_818 = arith.constant 0 : i32
    %dma_wait3A_819 = tpu.memref_slice %arg4[%dma_wait3A_813, %dma_wait3A_818] : memref<32x1000000xf32, #tpu.memory_space<hbm>> -> memref<1x1000000xf32, #tpu.memory_space<hbm>>
    %dma_wait3A_820 = tpu.memref_squeeze %dma_wait3A_819 : memref<1x1000000xf32, #tpu.memory_space<hbm>> -> memref<1000000xf32, #tpu.memory_space<hbm>>
    %dma_wait3A_821 = arith.constant 0 : i32
    %dma_wait3A_822 = tpu.memref_slice %dma_wait3A_820[%dma_wait3A_821] : memref<1000000xf32, #tpu.memory_space<hbm>> -> memref<1000000xf32, #tpu.memory_space<hbm>>
    tpu.wait_indirect_dma semaphore(%arg19 : memref<!tpu.dma_semaphore, #tpu.memory_space<semaphore_mem>>) src(%dma_wait3A_822 : memref<1000000xf32, #tpu.memory_space<hbm>>) dst(%dma_wait3A_817 : memref<512xf32, #tpu.memory_space<vmem>>)
    %dma_wait3A_823 = arith.constant 8 : i32
    %dma_wait3A_824 = arith.constant 8 : i32
    %dma_wait3A_825 = arith.constant 0 : i32
    %dma_wait3A_826 = tpu.memref_slice %arg13[%dma_wait3A_824, %dma_wait3A_825] : memref<32x512xf32, #tpu.memory_space<vmem>> -> memref<1x512xf32, #tpu.memory_space<vmem>>
    %dma_wait3A_827 = tpu.memref_squeeze %dma_wait3A_826 : memref<1x512xf32, #tpu.memory_space<vmem>> -> memref<512xf32, #tpu.memory_space<vmem>>
    %dma_wait3A_828 = arith.constant 0 : i32
    %dma_wait3A_829 = tpu.memref_slice %arg5[%dma_wait3A_823, %dma_wait3A_828] : memref<32x1000000xf32, #tpu.memory_space<hbm>> -> memref<1x1000000xf32, #tpu.memory_space<hbm>>
    %dma_wait3A_830 = tpu.memref_squeeze %dma_wait3A_829 : memref<1x1000000xf32, #tpu.memory_space<hbm>> -> memref<1000000xf32, #tpu.memory_space<hbm>>
    %dma_wait3A_831 = arith.constant 0 : i32
    %dma_wait3A_832 = tpu.memref_slice %dma_wait3A_830[%dma_wait3A_831] : memref<1000000xf32, #tpu.memory_space<hbm>> -> memref<1000000xf32, #tpu.memory_space<hbm>>
    tpu.wait_indirect_dma semaphore(%arg19 : memref<!tpu.dma_semaphore, #tpu.memory_space<semaphore_mem>>) src(%dma_wait3A_832 : memref<1000000xf32, #tpu.memory_space<hbm>>) dst(%dma_wait3A_827 : memref<512xf32, #tpu.memory_space<vmem>>)
    %dma_wait3A_833 = arith.constant 9 : i32
    %dma_wait3A_834 = arith.constant 9 : i32
    %dma_wait3A_835 = arith.constant 0 : i32
    %dma_wait3A_836 = tpu.memref_slice %arg12[%dma_wait3A_834, %dma_wait3A_835] : memref<32x512xf32, #tpu.memory_space<vmem>> -> memref<1x512xf32, #tpu.memory_space<vmem>>
    %dma_wait3A_837 = tpu.memref_squeeze %dma_wait3A_836 : memref<1x512xf32, #tpu.memory_space<vmem>> -> memref<512xf32, #tpu.memory_space<vmem>>
    %dma_wait3A_838 = arith.constant 0 : i32
    %dma_wait3A_839 = tpu.memref_slice %arg4[%dma_wait3A_833, %dma_wait3A_838] : memref<32x1000000xf32, #tpu.memory_space<hbm>> -> memref<1x1000000xf32, #tpu.memory_space<hbm>>
    %dma_wait3A_840 = tpu.memref_squeeze %dma_wait3A_839 : memref<1x1000000xf32, #tpu.memory_space<hbm>> -> memref<1000000xf32, #tpu.memory_space<hbm>>
    %dma_wait3A_841 = arith.constant 0 : i32
    %dma_wait3A_842 = tpu.memref_slice %dma_wait3A_840[%dma_wait3A_841] : memref<1000000xf32, #tpu.memory_space<hbm>> -> memref<1000000xf32, #tpu.memory_space<hbm>>
    tpu.wait_indirect_dma semaphore(%arg19 : memref<!tpu.dma_semaphore, #tpu.memory_space<semaphore_mem>>) src(%dma_wait3A_842 : memref<1000000xf32, #tpu.memory_space<hbm>>) dst(%dma_wait3A_837 : memref<512xf32, #tpu.memory_space<vmem>>)
    %dma_wait3A_843 = arith.constant 9 : i32
    %dma_wait3A_844 = arith.constant 9 : i32
    %dma_wait3A_845 = arith.constant 0 : i32
    %dma_wait3A_846 = tpu.memref_slice %arg13[%dma_wait3A_844, %dma_wait3A_845] : memref<32x512xf32, #tpu.memory_space<vmem>> -> memref<1x512xf32, #tpu.memory_space<vmem>>
    %dma_wait3A_847 = tpu.memref_squeeze %dma_wait3A_846 : memref<1x512xf32, #tpu.memory_space<vmem>> -> memref<512xf32, #tpu.memory_space<vmem>>
    %dma_wait3A_848 = arith.constant 0 : i32
    %dma_wait3A_849 = tpu.memref_slice %arg5[%dma_wait3A_843, %dma_wait3A_848] : memref<32x1000000xf32, #tpu.memory_space<hbm>> -> memref<1x1000000xf32, #tpu.memory_space<hbm>>
    %dma_wait3A_850 = tpu.memref_squeeze %dma_wait3A_849 : memref<1x1000000xf32, #tpu.memory_space<hbm>> -> memref<1000000xf32, #tpu.memory_space<hbm>>
    %dma_wait3A_851 = arith.constant 0 : i32
    %dma_wait3A_852 = tpu.memref_slice %dma_wait3A_850[%dma_wait3A_851] : memref<1000000xf32, #tpu.memory_space<hbm>> -> memref<1000000xf32, #tpu.memory_space<hbm>>
    tpu.wait_indirect_dma semaphore(%arg19 : memref<!tpu.dma_semaphore, #tpu.memory_space<semaphore_mem>>) src(%dma_wait3A_852 : memref<1000000xf32, #tpu.memory_space<hbm>>) dst(%dma_wait3A_847 : memref<512xf32, #tpu.memory_space<vmem>>)
    %dma_wait3A_853 = arith.constant 10 : i32
    %dma_wait3A_854 = arith.constant 10 : i32
    %dma_wait3A_855 = arith.constant 0 : i32
    %dma_wait3A_856 = tpu.memref_slice %arg12[%dma_wait3A_854, %dma_wait3A_855] : memref<32x512xf32, #tpu.memory_space<vmem>> -> memref<1x512xf32, #tpu.memory_space<vmem>>
    %dma_wait3A_857 = tpu.memref_squeeze %dma_wait3A_856 : memref<1x512xf32, #tpu.memory_space<vmem>> -> memref<512xf32, #tpu.memory_space<vmem>>
    %dma_wait3A_858 = arith.constant 0 : i32
    %dma_wait3A_859 = tpu.memref_slice %arg4[%dma_wait3A_853, %dma_wait3A_858] : memref<32x1000000xf32, #tpu.memory_space<hbm>> -> memref<1x1000000xf32, #tpu.memory_space<hbm>>
    %dma_wait3A_860 = tpu.memref_squeeze %dma_wait3A_859 : memref<1x1000000xf32, #tpu.memory_space<hbm>> -> memref<1000000xf32, #tpu.memory_space<hbm>>
    %dma_wait3A_861 = arith.constant 0 : i32
    %dma_wait3A_862 = tpu.memref_slice %dma_wait3A_860[%dma_wait3A_861] : memref<1000000xf32, #tpu.memory_space<hbm>> -> memref<1000000xf32, #tpu.memory_space<hbm>>
    tpu.wait_indirect_dma semaphore(%arg19 : memref<!tpu.dma_semaphore, #tpu.memory_space<semaphore_mem>>) src(%dma_wait3A_862 : memref<1000000xf32, #tpu.memory_space<hbm>>) dst(%dma_wait3A_857 : memref<512xf32, #tpu.memory_space<vmem>>)
    %dma_wait3A_863 = arith.constant 10 : i32
    %dma_wait3A_864 = arith.constant 10 : i32
    %dma_wait3A_865 = arith.constant 0 : i32
    %dma_wait3A_866 = tpu.memref_slice %arg13[%dma_wait3A_864, %dma_wait3A_865] : memref<32x512xf32, #tpu.memory_space<vmem>> -> memref<1x512xf32, #tpu.memory_space<vmem>>
    %dma_wait3A_867 = tpu.memref_squeeze %dma_wait3A_866 : memref<1x512xf32, #tpu.memory_space<vmem>> -> memref<512xf32, #tpu.memory_space<vmem>>
    %dma_wait3A_868 = arith.constant 0 : i32
    %dma_wait3A_869 = tpu.memref_slice %arg5[%dma_wait3A_863, %dma_wait3A_868] : memref<32x1000000xf32, #tpu.memory_space<hbm>> -> memref<1x1000000xf32, #tpu.memory_space<hbm>>
    %dma_wait3A_870 = tpu.memref_squeeze %dma_wait3A_869 : memref<1x1000000xf32, #tpu.memory_space<hbm>> -> memref<1000000xf32, #tpu.memory_space<hbm>>
    %dma_wait3A_871 = arith.constant 0 : i32
    %dma_wait3A_872 = tpu.memref_slice %dma_wait3A_870[%dma_wait3A_871] : memref<1000000xf32, #tpu.memory_space<hbm>> -> memref<1000000xf32, #tpu.memory_space<hbm>>
    tpu.wait_indirect_dma semaphore(%arg19 : memref<!tpu.dma_semaphore, #tpu.memory_space<semaphore_mem>>) src(%dma_wait3A_872 : memref<1000000xf32, #tpu.memory_space<hbm>>) dst(%dma_wait3A_867 : memref<512xf32, #tpu.memory_space<vmem>>)
    %dma_wait3A_873 = arith.constant 11 : i32
    %dma_wait3A_874 = arith.constant 11 : i32
    %dma_wait3A_875 = arith.constant 0 : i32
    %dma_wait3A_876 = tpu.memref_slice %arg12[%dma_wait3A_874, %dma_wait3A_875] : memref<32x512xf32, #tpu.memory_space<vmem>> -> memref<1x512xf32, #tpu.memory_space<vmem>>
    %dma_wait3A_877 = tpu.memref_squeeze %dma_wait3A_876 : memref<1x512xf32, #tpu.memory_space<vmem>> -> memref<512xf32, #tpu.memory_space<vmem>>
    %dma_wait3A_878 = arith.constant 0 : i32
    %dma_wait3A_879 = tpu.memref_slice %arg4[%dma_wait3A_873, %dma_wait3A_878] : memref<32x1000000xf32, #tpu.memory_space<hbm>> -> memref<1x1000000xf32, #tpu.memory_space<hbm>>
    %dma_wait3A_880 = tpu.memref_squeeze %dma_wait3A_879 : memref<1x1000000xf32, #tpu.memory_space<hbm>> -> memref<1000000xf32, #tpu.memory_space<hbm>>
    %dma_wait3A_881 = arith.constant 0 : i32
    %dma_wait3A_882 = tpu.memref_slice %dma_wait3A_880[%dma_wait3A_881] : memref<1000000xf32, #tpu.memory_space<hbm>> -> memref<1000000xf32, #tpu.memory_space<hbm>>
    tpu.wait_indirect_dma semaphore(%arg19 : memref<!tpu.dma_semaphore, #tpu.memory_space<semaphore_mem>>) src(%dma_wait3A_882 : memref<1000000xf32, #tpu.memory_space<hbm>>) dst(%dma_wait3A_877 : memref<512xf32, #tpu.memory_space<vmem>>)
    %dma_wait3A_883 = arith.constant 11 : i32
    %dma_wait3A_884 = arith.constant 11 : i32
    %dma_wait3A_885 = arith.constant 0 : i32
    %dma_wait3A_886 = tpu.memref_slice %arg13[%dma_wait3A_884, %dma_wait3A_885] : memref<32x512xf32, #tpu.memory_space<vmem>> -> memref<1x512xf32, #tpu.memory_space<vmem>>
    %dma_wait3A_887 = tpu.memref_squeeze %dma_wait3A_886 : memref<1x512xf32, #tpu.memory_space<vmem>> -> memref<512xf32, #tpu.memory_space<vmem>>
    %dma_wait3A_888 = arith.constant 0 : i32
    %dma_wait3A_889 = tpu.memref_slice %arg5[%dma_wait3A_883, %dma_wait3A_888] : memref<32x1000000xf32, #tpu.memory_space<hbm>> -> memref<1x1000000xf32, #tpu.memory_space<hbm>>
    %dma_wait3A_890 = tpu.memref_squeeze %dma_wait3A_889 : memref<1x1000000xf32, #tpu.memory_space<hbm>> -> memref<1000000xf32, #tpu.memory_space<hbm>>
    %dma_wait3A_891 = arith.constant 0 : i32
    %dma_wait3A_892 = tpu.memref_slice %dma_wait3A_890[%dma_wait3A_891] : memref<1000000xf32, #tpu.memory_space<hbm>> -> memref<1000000xf32, #tpu.memory_space<hbm>>
    tpu.wait_indirect_dma semaphore(%arg19 : memref<!tpu.dma_semaphore, #tpu.memory_space<semaphore_mem>>) src(%dma_wait3A_892 : memref<1000000xf32, #tpu.memory_space<hbm>>) dst(%dma_wait3A_887 : memref<512xf32, #tpu.memory_space<vmem>>)
    %dma_wait3A_893 = arith.constant 12 : i32
    %dma_wait3A_894 = arith.constant 12 : i32
    %dma_wait3A_895 = arith.constant 0 : i32
    %dma_wait3A_896 = tpu.memref_slice %arg12[%dma_wait3A_894, %dma_wait3A_895] : memref<32x512xf32, #tpu.memory_space<vmem>> -> memref<1x512xf32, #tpu.memory_space<vmem>>
    %dma_wait3A_897 = tpu.memref_squeeze %dma_wait3A_896 : memref<1x512xf32, #tpu.memory_space<vmem>> -> memref<512xf32, #tpu.memory_space<vmem>>
    %dma_wait3A_898 = arith.constant 0 : i32
    %dma_wait3A_899 = tpu.memref_slice %arg4[%dma_wait3A_893, %dma_wait3A_898] : memref<32x1000000xf32, #tpu.memory_space<hbm>> -> memref<1x1000000xf32, #tpu.memory_space<hbm>>
    %dma_wait3A_900 = tpu.memref_squeeze %dma_wait3A_899 : memref<1x1000000xf32, #tpu.memory_space<hbm>> -> memref<1000000xf32, #tpu.memory_space<hbm>>
    %dma_wait3A_901 = arith.constant 0 : i32
    %dma_wait3A_902 = tpu.memref_slice %dma_wait3A_900[%dma_wait3A_901] : memref<1000000xf32, #tpu.memory_space<hbm>> -> memref<1000000xf32, #tpu.memory_space<hbm>>
    tpu.wait_indirect_dma semaphore(%arg19 : memref<!tpu.dma_semaphore, #tpu.memory_space<semaphore_mem>>) src(%dma_wait3A_902 : memref<1000000xf32, #tpu.memory_space<hbm>>) dst(%dma_wait3A_897 : memref<512xf32, #tpu.memory_space<vmem>>)
    %dma_wait3A_903 = arith.constant 12 : i32
    %dma_wait3A_904 = arith.constant 12 : i32
    %dma_wait3A_905 = arith.constant 0 : i32
    %dma_wait3A_906 = tpu.memref_slice %arg13[%dma_wait3A_904, %dma_wait3A_905] : memref<32x512xf32, #tpu.memory_space<vmem>> -> memref<1x512xf32, #tpu.memory_space<vmem>>
    %dma_wait3A_907 = tpu.memref_squeeze %dma_wait3A_906 : memref<1x512xf32, #tpu.memory_space<vmem>> -> memref<512xf32, #tpu.memory_space<vmem>>
    %dma_wait3A_908 = arith.constant 0 : i32
    %dma_wait3A_909 = tpu.memref_slice %arg5[%dma_wait3A_903, %dma_wait3A_908] : memref<32x1000000xf32, #tpu.memory_space<hbm>> -> memref<1x1000000xf32, #tpu.memory_space<hbm>>
    %dma_wait3A_910 = tpu.memref_squeeze %dma_wait3A_909 : memref<1x1000000xf32, #tpu.memory_space<hbm>> -> memref<1000000xf32, #tpu.memory_space<hbm>>
    %dma_wait3A_911 = arith.constant 0 : i32
    %dma_wait3A_912 = tpu.memref_slice %dma_wait3A_910[%dma_wait3A_911] : memref<1000000xf32, #tpu.memory_space<hbm>> -> memref<1000000xf32, #tpu.memory_space<hbm>>
    tpu.wait_indirect_dma semaphore(%arg19 : memref<!tpu.dma_semaphore, #tpu.memory_space<semaphore_mem>>) src(%dma_wait3A_912 : memref<1000000xf32, #tpu.memory_space<hbm>>) dst(%dma_wait3A_907 : memref<512xf32, #tpu.memory_space<vmem>>)
    %dma_wait3A_913 = arith.constant 13 : i32
    %dma_wait3A_914 = arith.constant 13 : i32
    %dma_wait3A_915 = arith.constant 0 : i32
    %dma_wait3A_916 = tpu.memref_slice %arg12[%dma_wait3A_914, %dma_wait3A_915] : memref<32x512xf32, #tpu.memory_space<vmem>> -> memref<1x512xf32, #tpu.memory_space<vmem>>
    %dma_wait3A_917 = tpu.memref_squeeze %dma_wait3A_916 : memref<1x512xf32, #tpu.memory_space<vmem>> -> memref<512xf32, #tpu.memory_space<vmem>>
    %dma_wait3A_918 = arith.constant 0 : i32
    %dma_wait3A_919 = tpu.memref_slice %arg4[%dma_wait3A_913, %dma_wait3A_918] : memref<32x1000000xf32, #tpu.memory_space<hbm>> -> memref<1x1000000xf32, #tpu.memory_space<hbm>>
    %dma_wait3A_920 = tpu.memref_squeeze %dma_wait3A_919 : memref<1x1000000xf32, #tpu.memory_space<hbm>> -> memref<1000000xf32, #tpu.memory_space<hbm>>
    %dma_wait3A_921 = arith.constant 0 : i32
    %dma_wait3A_922 = tpu.memref_slice %dma_wait3A_920[%dma_wait3A_921] : memref<1000000xf32, #tpu.memory_space<hbm>> -> memref<1000000xf32, #tpu.memory_space<hbm>>
    tpu.wait_indirect_dma semaphore(%arg19 : memref<!tpu.dma_semaphore, #tpu.memory_space<semaphore_mem>>) src(%dma_wait3A_922 : memref<1000000xf32, #tpu.memory_space<hbm>>) dst(%dma_wait3A_917 : memref<512xf32, #tpu.memory_space<vmem>>)
    %dma_wait3A_923 = arith.constant 13 : i32
    %dma_wait3A_924 = arith.constant 13 : i32
    %dma_wait3A_925 = arith.constant 0 : i32
    %dma_wait3A_926 = tpu.memref_slice %arg13[%dma_wait3A_924, %dma_wait3A_925] : memref<32x512xf32, #tpu.memory_space<vmem>> -> memref<1x512xf32, #tpu.memory_space<vmem>>
    %dma_wait3A_927 = tpu.memref_squeeze %dma_wait3A_926 : memref<1x512xf32, #tpu.memory_space<vmem>> -> memref<512xf32, #tpu.memory_space<vmem>>
    %dma_wait3A_928 = arith.constant 0 : i32
    %dma_wait3A_929 = tpu.memref_slice %arg5[%dma_wait3A_923, %dma_wait3A_928] : memref<32x1000000xf32, #tpu.memory_space<hbm>> -> memref<1x1000000xf32, #tpu.memory_space<hbm>>
    %dma_wait3A_930 = tpu.memref_squeeze %dma_wait3A_929 : memref<1x1000000xf32, #tpu.memory_space<hbm>> -> memref<1000000xf32, #tpu.memory_space<hbm>>
    %dma_wait3A_931 = arith.constant 0 : i32
    %dma_wait3A_932 = tpu.memref_slice %dma_wait3A_930[%dma_wait3A_931] : memref<1000000xf32, #tpu.memory_space<hbm>> -> memref<1000000xf32, #tpu.memory_space<hbm>>
    tpu.wait_indirect_dma semaphore(%arg19 : memref<!tpu.dma_semaphore, #tpu.memory_space<semaphore_mem>>) src(%dma_wait3A_932 : memref<1000000xf32, #tpu.memory_space<hbm>>) dst(%dma_wait3A_927 : memref<512xf32, #tpu.memory_space<vmem>>)
    %dma_wait3A_933 = arith.constant 14 : i32
    %dma_wait3A_934 = arith.constant 14 : i32
    %dma_wait3A_935 = arith.constant 0 : i32
    %dma_wait3A_936 = tpu.memref_slice %arg12[%dma_wait3A_934, %dma_wait3A_935] : memref<32x512xf32, #tpu.memory_space<vmem>> -> memref<1x512xf32, #tpu.memory_space<vmem>>
    %dma_wait3A_937 = tpu.memref_squeeze %dma_wait3A_936 : memref<1x512xf32, #tpu.memory_space<vmem>> -> memref<512xf32, #tpu.memory_space<vmem>>
    %dma_wait3A_938 = arith.constant 0 : i32
    %dma_wait3A_939 = tpu.memref_slice %arg4[%dma_wait3A_933, %dma_wait3A_938] : memref<32x1000000xf32, #tpu.memory_space<hbm>> -> memref<1x1000000xf32, #tpu.memory_space<hbm>>
    %dma_wait3A_940 = tpu.memref_squeeze %dma_wait3A_939 : memref<1x1000000xf32, #tpu.memory_space<hbm>> -> memref<1000000xf32, #tpu.memory_space<hbm>>
    %dma_wait3A_941 = arith.constant 0 : i32
    %dma_wait3A_942 = tpu.memref_slice %dma_wait3A_940[%dma_wait3A_941] : memref<1000000xf32, #tpu.memory_space<hbm>> -> memref<1000000xf32, #tpu.memory_space<hbm>>
    tpu.wait_indirect_dma semaphore(%arg19 : memref<!tpu.dma_semaphore, #tpu.memory_space<semaphore_mem>>) src(%dma_wait3A_942 : memref<1000000xf32, #tpu.memory_space<hbm>>) dst(%dma_wait3A_937 : memref<512xf32, #tpu.memory_space<vmem>>)
    %dma_wait3A_943 = arith.constant 14 : i32
    %dma_wait3A_944 = arith.constant 14 : i32
    %dma_wait3A_945 = arith.constant 0 : i32
    %dma_wait3A_946 = tpu.memref_slice %arg13[%dma_wait3A_944, %dma_wait3A_945] : memref<32x512xf32, #tpu.memory_space<vmem>> -> memref<1x512xf32, #tpu.memory_space<vmem>>
    %dma_wait3A_947 = tpu.memref_squeeze %dma_wait3A_946 : memref<1x512xf32, #tpu.memory_space<vmem>> -> memref<512xf32, #tpu.memory_space<vmem>>
    %dma_wait3A_948 = arith.constant 0 : i32
    %dma_wait3A_949 = tpu.memref_slice %arg5[%dma_wait3A_943, %dma_wait3A_948] : memref<32x1000000xf32, #tpu.memory_space<hbm>> -> memref<1x1000000xf32, #tpu.memory_space<hbm>>
    %dma_wait3A_950 = tpu.memref_squeeze %dma_wait3A_949 : memref<1x1000000xf32, #tpu.memory_space<hbm>> -> memref<1000000xf32, #tpu.memory_space<hbm>>
    %dma_wait3A_951 = arith.constant 0 : i32
    %dma_wait3A_952 = tpu.memref_slice %dma_wait3A_950[%dma_wait3A_951] : memref<1000000xf32, #tpu.memory_space<hbm>> -> memref<1000000xf32, #tpu.memory_space<hbm>>
    tpu.wait_indirect_dma semaphore(%arg19 : memref<!tpu.dma_semaphore, #tpu.memory_space<semaphore_mem>>) src(%dma_wait3A_952 : memref<1000000xf32, #tpu.memory_space<hbm>>) dst(%dma_wait3A_947 : memref<512xf32, #tpu.memory_space<vmem>>)
    %dma_wait3A_953 = arith.constant 15 : i32
    %dma_wait3A_954 = arith.constant 15 : i32
    %dma_wait3A_955 = arith.constant 0 : i32
    %dma_wait3A_956 = tpu.memref_slice %arg12[%dma_wait3A_954, %dma_wait3A_955] : memref<32x512xf32, #tpu.memory_space<vmem>> -> memref<1x512xf32, #tpu.memory_space<vmem>>
    %dma_wait3A_957 = tpu.memref_squeeze %dma_wait3A_956 : memref<1x512xf32, #tpu.memory_space<vmem>> -> memref<512xf32, #tpu.memory_space<vmem>>
    %dma_wait3A_958 = arith.constant 0 : i32
    %dma_wait3A_959 = tpu.memref_slice %arg4[%dma_wait3A_953, %dma_wait3A_958] : memref<32x1000000xf32, #tpu.memory_space<hbm>> -> memref<1x1000000xf32, #tpu.memory_space<hbm>>
    %dma_wait3A_960 = tpu.memref_squeeze %dma_wait3A_959 : memref<1x1000000xf32, #tpu.memory_space<hbm>> -> memref<1000000xf32, #tpu.memory_space<hbm>>
    %dma_wait3A_961 = arith.constant 0 : i32
    %dma_wait3A_962 = tpu.memref_slice %dma_wait3A_960[%dma_wait3A_961] : memref<1000000xf32, #tpu.memory_space<hbm>> -> memref<1000000xf32, #tpu.memory_space<hbm>>
    tpu.wait_indirect_dma semaphore(%arg19 : memref<!tpu.dma_semaphore, #tpu.memory_space<semaphore_mem>>) src(%dma_wait3A_962 : memref<1000000xf32, #tpu.memory_space<hbm>>) dst(%dma_wait3A_957 : memref<512xf32, #tpu.memory_space<vmem>>)
    %dma_wait3A_963 = arith.constant 15 : i32
    %dma_wait3A_964 = arith.constant 15 : i32
    %dma_wait3A_965 = arith.constant 0 : i32
    %dma_wait3A_966 = tpu.memref_slice %arg13[%dma_wait3A_964, %dma_wait3A_965] : memref<32x512xf32, #tpu.memory_space<vmem>> -> memref<1x512xf32, #tpu.memory_space<vmem>>
    %dma_wait3A_967 = tpu.memref_squeeze %dma_wait3A_966 : memref<1x512xf32, #tpu.memory_space<vmem>> -> memref<512xf32, #tpu.memory_space<vmem>>
    %dma_wait3A_968 = arith.constant 0 : i32
    %dma_wait3A_969 = tpu.memref_slice %arg5[%dma_wait3A_963, %dma_wait3A_968] : memref<32x1000000xf32, #tpu.memory_space<hbm>> -> memref<1x1000000xf32, #tpu.memory_space<hbm>>
    %dma_wait3A_970 = tpu.memref_squeeze %dma_wait3A_969 : memref<1x1000000xf32, #tpu.memory_space<hbm>> -> memref<1000000xf32, #tpu.memory_space<hbm>>
    %dma_wait3A_971 = arith.constant 0 : i32
    %dma_wait3A_972 = tpu.memref_slice %dma_wait3A_970[%dma_wait3A_971] : memref<1000000xf32, #tpu.memory_space<hbm>> -> memref<1000000xf32, #tpu.memory_space<hbm>>
    tpu.wait_indirect_dma semaphore(%arg19 : memref<!tpu.dma_semaphore, #tpu.memory_space<semaphore_mem>>) src(%dma_wait3A_972 : memref<1000000xf32, #tpu.memory_space<hbm>>) dst(%dma_wait3A_967 : memref<512xf32, #tpu.memory_space<vmem>>)
    %dma_wait3A_973 = arith.constant 16 : i32
    %dma_wait3A_974 = arith.constant 16 : i32
    %dma_wait3A_975 = arith.constant 0 : i32
    %dma_wait3A_976 = tpu.memref_slice %arg12[%dma_wait3A_974, %dma_wait3A_975] : memref<32x512xf32, #tpu.memory_space<vmem>> -> memref<1x512xf32, #tpu.memory_space<vmem>>
    %dma_wait3A_977 = tpu.memref_squeeze %dma_wait3A_976 : memref<1x512xf32, #tpu.memory_space<vmem>> -> memref<512xf32, #tpu.memory_space<vmem>>
    %dma_wait3A_978 = arith.constant 0 : i32
    %dma_wait3A_979 = tpu.memref_slice %arg4[%dma_wait3A_973, %dma_wait3A_978] : memref<32x1000000xf32, #tpu.memory_space<hbm>> -> memref<1x1000000xf32, #tpu.memory_space<hbm>>
    %dma_wait3A_980 = tpu.memref_squeeze %dma_wait3A_979 : memref<1x1000000xf32, #tpu.memory_space<hbm>> -> memref<1000000xf32, #tpu.memory_space<hbm>>
    %dma_wait3A_981 = arith.constant 0 : i32
    %dma_wait3A_982 = tpu.memref_slice %dma_wait3A_980[%dma_wait3A_981] : memref<1000000xf32, #tpu.memory_space<hbm>> -> memref<1000000xf32, #tpu.memory_space<hbm>>
    tpu.wait_indirect_dma semaphore(%arg19 : memref<!tpu.dma_semaphore, #tpu.memory_space<semaphore_mem>>) src(%dma_wait3A_982 : memref<1000000xf32, #tpu.memory_space<hbm>>) dst(%dma_wait3A_977 : memref<512xf32, #tpu.memory_space<vmem>>)
    %dma_wait3A_983 = arith.constant 16 : i32
    %dma_wait3A_984 = arith.constant 16 : i32
    %dma_wait3A_985 = arith.constant 0 : i32
    %dma_wait3A_986 = tpu.memref_slice %arg13[%dma_wait3A_984, %dma_wait3A_985] : memref<32x512xf32, #tpu.memory_space<vmem>> -> memref<1x512xf32, #tpu.memory_space<vmem>>
    %dma_wait3A_987 = tpu.memref_squeeze %dma_wait3A_986 : memref<1x512xf32, #tpu.memory_space<vmem>> -> memref<512xf32, #tpu.memory_space<vmem>>
    %dma_wait3A_988 = arith.constant 0 : i32
    %dma_wait3A_989 = tpu.memref_slice %arg5[%dma_wait3A_983, %dma_wait3A_988] : memref<32x1000000xf32, #tpu.memory_space<hbm>> -> memref<1x1000000xf32, #tpu.memory_space<hbm>>
    %dma_wait3A_990 = tpu.memref_squeeze %dma_wait3A_989 : memref<1x1000000xf32, #tpu.memory_space<hbm>> -> memref<1000000xf32, #tpu.memory_space<hbm>>
    %dma_wait3A_991 = arith.constant 0 : i32
    %dma_wait3A_992 = tpu.memref_slice %dma_wait3A_990[%dma_wait3A_991] : memref<1000000xf32, #tpu.memory_space<hbm>> -> memref<1000000xf32, #tpu.memory_space<hbm>>
    tpu.wait_indirect_dma semaphore(%arg19 : memref<!tpu.dma_semaphore, #tpu.memory_space<semaphore_mem>>) src(%dma_wait3A_992 : memref<1000000xf32, #tpu.memory_space<hbm>>) dst(%dma_wait3A_987 : memref<512xf32, #tpu.memory_space<vmem>>)
    %dma_wait3A_993 = arith.constant 17 : i32
    %dma_wait3A_994 = arith.constant 17 : i32
    %dma_wait3A_995 = arith.constant 0 : i32
    %dma_wait3A_996 = tpu.memref_slice %arg12[%dma_wait3A_994, %dma_wait3A_995] : memref<32x512xf32, #tpu.memory_space<vmem>> -> memref<1x512xf32, #tpu.memory_space<vmem>>
    %dma_wait3A_997 = tpu.memref_squeeze %dma_wait3A_996 : memref<1x512xf32, #tpu.memory_space<vmem>> -> memref<512xf32, #tpu.memory_space<vmem>>
    %dma_wait3A_998 = arith.constant 0 : i32
    %dma_wait3A_999 = tpu.memref_slice %arg4[%dma_wait3A_993, %dma_wait3A_998] : memref<32x1000000xf32, #tpu.memory_space<hbm>> -> memref<1x1000000xf32, #tpu.memory_space<hbm>>
    %dma_wait3A_1000 = tpu.memref_squeeze %dma_wait3A_999 : memref<1x1000000xf32, #tpu.memory_space<hbm>> -> memref<1000000xf32, #tpu.memory_space<hbm>>
    %dma_wait3A_1001 = arith.constant 0 : i32
    %dma_wait3A_1002 = tpu.memref_slice %dma_wait3A_1000[%dma_wait3A_1001] : memref<1000000xf32, #tpu.memory_space<hbm>> -> memref<1000000xf32, #tpu.memory_space<hbm>>
    tpu.wait_indirect_dma semaphore(%arg19 : memref<!tpu.dma_semaphore, #tpu.memory_space<semaphore_mem>>) src(%dma_wait3A_1002 : memref<1000000xf32, #tpu.memory_space<hbm>>) dst(%dma_wait3A_997 : memref<512xf32, #tpu.memory_space<vmem>>)
    %dma_wait3A_1003 = arith.constant 17 : i32
    %dma_wait3A_1004 = arith.constant 17 : i32
    %dma_wait3A_1005 = arith.constant 0 : i32
    %dma_wait3A_1006 = tpu.memref_slice %arg13[%dma_wait3A_1004, %dma_wait3A_1005] : memref<32x512xf32, #tpu.memory_space<vmem>> -> memref<1x512xf32, #tpu.memory_space<vmem>>
    %dma_wait3A_1007 = tpu.memref_squeeze %dma_wait3A_1006 : memref<1x512xf32, #tpu.memory_space<vmem>> -> memref<512xf32, #tpu.memory_space<vmem>>
    %dma_wait3A_1008 = arith.constant 0 : i32
    %dma_wait3A_1009 = tpu.memref_slice %arg5[%dma_wait3A_1003, %dma_wait3A_1008] : memref<32x1000000xf32, #tpu.memory_space<hbm>> -> memref<1x1000000xf32, #tpu.memory_space<hbm>>
    %dma_wait3A_1010 = tpu.memref_squeeze %dma_wait3A_1009 : memref<1x1000000xf32, #tpu.memory_space<hbm>> -> memref<1000000xf32, #tpu.memory_space<hbm>>
    %dma_wait3A_1011 = arith.constant 0 : i32
    %dma_wait3A_1012 = tpu.memref_slice %dma_wait3A_1010[%dma_wait3A_1011] : memref<1000000xf32, #tpu.memory_space<hbm>> -> memref<1000000xf32, #tpu.memory_space<hbm>>
    tpu.wait_indirect_dma semaphore(%arg19 : memref<!tpu.dma_semaphore, #tpu.memory_space<semaphore_mem>>) src(%dma_wait3A_1012 : memref<1000000xf32, #tpu.memory_space<hbm>>) dst(%dma_wait3A_1007 : memref<512xf32, #tpu.memory_space<vmem>>)
    %dma_wait3A_1013 = arith.constant 18 : i32
    %dma_wait3A_1014 = arith.constant 18 : i32
    %dma_wait3A_1015 = arith.constant 0 : i32
    %dma_wait3A_1016 = tpu.memref_slice %arg12[%dma_wait3A_1014, %dma_wait3A_1015] : memref<32x512xf32, #tpu.memory_space<vmem>> -> memref<1x512xf32, #tpu.memory_space<vmem>>
    %dma_wait3A_1017 = tpu.memref_squeeze %dma_wait3A_1016 : memref<1x512xf32, #tpu.memory_space<vmem>> -> memref<512xf32, #tpu.memory_space<vmem>>
    %dma_wait3A_1018 = arith.constant 0 : i32
    %dma_wait3A_1019 = tpu.memref_slice %arg4[%dma_wait3A_1013, %dma_wait3A_1018] : memref<32x1000000xf32, #tpu.memory_space<hbm>> -> memref<1x1000000xf32, #tpu.memory_space<hbm>>
    %dma_wait3A_1020 = tpu.memref_squeeze %dma_wait3A_1019 : memref<1x1000000xf32, #tpu.memory_space<hbm>> -> memref<1000000xf32, #tpu.memory_space<hbm>>
    %dma_wait3A_1021 = arith.constant 0 : i32
    %dma_wait3A_1022 = tpu.memref_slice %dma_wait3A_1020[%dma_wait3A_1021] : memref<1000000xf32, #tpu.memory_space<hbm>> -> memref<1000000xf32, #tpu.memory_space<hbm>>
    tpu.wait_indirect_dma semaphore(%arg19 : memref<!tpu.dma_semaphore, #tpu.memory_space<semaphore_mem>>) src(%dma_wait3A_1022 : memref<1000000xf32, #tpu.memory_space<hbm>>) dst(%dma_wait3A_1017 : memref<512xf32, #tpu.memory_space<vmem>>)
    %dma_wait3A_1023 = arith.constant 18 : i32
    %dma_wait3A_1024 = arith.constant 18 : i32
    %dma_wait3A_1025 = arith.constant 0 : i32
    %dma_wait3A_1026 = tpu.memref_slice %arg13[%dma_wait3A_1024, %dma_wait3A_1025] : memref<32x512xf32, #tpu.memory_space<vmem>> -> memref<1x512xf32, #tpu.memory_space<vmem>>
    %dma_wait3A_1027 = tpu.memref_squeeze %dma_wait3A_1026 : memref<1x512xf32, #tpu.memory_space<vmem>> -> memref<512xf32, #tpu.memory_space<vmem>>
    %dma_wait3A_1028 = arith.constant 0 : i32
    %dma_wait3A_1029 = tpu.memref_slice %arg5[%dma_wait3A_1023, %dma_wait3A_1028] : memref<32x1000000xf32, #tpu.memory_space<hbm>> -> memref<1x1000000xf32, #tpu.memory_space<hbm>>
    %dma_wait3A_1030 = tpu.memref_squeeze %dma_wait3A_1029 : memref<1x1000000xf32, #tpu.memory_space<hbm>> -> memref<1000000xf32, #tpu.memory_space<hbm>>
    %dma_wait3A_1031 = arith.constant 0 : i32
    %dma_wait3A_1032 = tpu.memref_slice %dma_wait3A_1030[%dma_wait3A_1031] : memref<1000000xf32, #tpu.memory_space<hbm>> -> memref<1000000xf32, #tpu.memory_space<hbm>>
    tpu.wait_indirect_dma semaphore(%arg19 : memref<!tpu.dma_semaphore, #tpu.memory_space<semaphore_mem>>) src(%dma_wait3A_1032 : memref<1000000xf32, #tpu.memory_space<hbm>>) dst(%dma_wait3A_1027 : memref<512xf32, #tpu.memory_space<vmem>>)
    %dma_wait3A_1033 = arith.constant 19 : i32
    %dma_wait3A_1034 = arith.constant 19 : i32
    %dma_wait3A_1035 = arith.constant 0 : i32
    %dma_wait3A_1036 = tpu.memref_slice %arg12[%dma_wait3A_1034, %dma_wait3A_1035] : memref<32x512xf32, #tpu.memory_space<vmem>> -> memref<1x512xf32, #tpu.memory_space<vmem>>
    %dma_wait3A_1037 = tpu.memref_squeeze %dma_wait3A_1036 : memref<1x512xf32, #tpu.memory_space<vmem>> -> memref<512xf32, #tpu.memory_space<vmem>>
    %dma_wait3A_1038 = arith.constant 0 : i32
    %dma_wait3A_1039 = tpu.memref_slice %arg4[%dma_wait3A_1033, %dma_wait3A_1038] : memref<32x1000000xf32, #tpu.memory_space<hbm>> -> memref<1x1000000xf32, #tpu.memory_space<hbm>>
    %dma_wait3A_1040 = tpu.memref_squeeze %dma_wait3A_1039 : memref<1x1000000xf32, #tpu.memory_space<hbm>> -> memref<1000000xf32, #tpu.memory_space<hbm>>
    %dma_wait3A_1041 = arith.constant 0 : i32
    %dma_wait3A_1042 = tpu.memref_slice %dma_wait3A_1040[%dma_wait3A_1041] : memref<1000000xf32, #tpu.memory_space<hbm>> -> memref<1000000xf32, #tpu.memory_space<hbm>>
    tpu.wait_indirect_dma semaphore(%arg19 : memref<!tpu.dma_semaphore, #tpu.memory_space<semaphore_mem>>) src(%dma_wait3A_1042 : memref<1000000xf32, #tpu.memory_space<hbm>>) dst(%dma_wait3A_1037 : memref<512xf32, #tpu.memory_space<vmem>>)
    %dma_wait3A_1043 = arith.constant 19 : i32
    %dma_wait3A_1044 = arith.constant 19 : i32
    %dma_wait3A_1045 = arith.constant 0 : i32
    %dma_wait3A_1046 = tpu.memref_slice %arg13[%dma_wait3A_1044, %dma_wait3A_1045] : memref<32x512xf32, #tpu.memory_space<vmem>> -> memref<1x512xf32, #tpu.memory_space<vmem>>
    %dma_wait3A_1047 = tpu.memref_squeeze %dma_wait3A_1046 : memref<1x512xf32, #tpu.memory_space<vmem>> -> memref<512xf32, #tpu.memory_space<vmem>>
    %dma_wait3A_1048 = arith.constant 0 : i32
    %dma_wait3A_1049 = tpu.memref_slice %arg5[%dma_wait3A_1043, %dma_wait3A_1048] : memref<32x1000000xf32, #tpu.memory_space<hbm>> -> memref<1x1000000xf32, #tpu.memory_space<hbm>>
    %dma_wait3A_1050 = tpu.memref_squeeze %dma_wait3A_1049 : memref<1x1000000xf32, #tpu.memory_space<hbm>> -> memref<1000000xf32, #tpu.memory_space<hbm>>
    %dma_wait3A_1051 = arith.constant 0 : i32
    %dma_wait3A_1052 = tpu.memref_slice %dma_wait3A_1050[%dma_wait3A_1051] : memref<1000000xf32, #tpu.memory_space<hbm>> -> memref<1000000xf32, #tpu.memory_space<hbm>>
    tpu.wait_indirect_dma semaphore(%arg19 : memref<!tpu.dma_semaphore, #tpu.memory_space<semaphore_mem>>) src(%dma_wait3A_1052 : memref<1000000xf32, #tpu.memory_space<hbm>>) dst(%dma_wait3A_1047 : memref<512xf32, #tpu.memory_space<vmem>>)
    %dma_wait3A_1053 = arith.constant 20 : i32
    %dma_wait3A_1054 = arith.constant 20 : i32
    %dma_wait3A_1055 = arith.constant 0 : i32
    %dma_wait3A_1056 = tpu.memref_slice %arg12[%dma_wait3A_1054, %dma_wait3A_1055] : memref<32x512xf32, #tpu.memory_space<vmem>> -> memref<1x512xf32, #tpu.memory_space<vmem>>
    %dma_wait3A_1057 = tpu.memref_squeeze %dma_wait3A_1056 : memref<1x512xf32, #tpu.memory_space<vmem>> -> memref<512xf32, #tpu.memory_space<vmem>>
    %dma_wait3A_1058 = arith.constant 0 : i32
    %dma_wait3A_1059 = tpu.memref_slice %arg4[%dma_wait3A_1053, %dma_wait3A_1058] : memref<32x1000000xf32, #tpu.memory_space<hbm>> -> memref<1x1000000xf32, #tpu.memory_space<hbm>>
    %dma_wait3A_1060 = tpu.memref_squeeze %dma_wait3A_1059 : memref<1x1000000xf32, #tpu.memory_space<hbm>> -> memref<1000000xf32, #tpu.memory_space<hbm>>
    %dma_wait3A_1061 = arith.constant 0 : i32
    %dma_wait3A_1062 = tpu.memref_slice %dma_wait3A_1060[%dma_wait3A_1061] : memref<1000000xf32, #tpu.memory_space<hbm>> -> memref<1000000xf32, #tpu.memory_space<hbm>>
    tpu.wait_indirect_dma semaphore(%arg19 : memref<!tpu.dma_semaphore, #tpu.memory_space<semaphore_mem>>) src(%dma_wait3A_1062 : memref<1000000xf32, #tpu.memory_space<hbm>>) dst(%dma_wait3A_1057 : memref<512xf32, #tpu.memory_space<vmem>>)
    %dma_wait3A_1063 = arith.constant 20 : i32
    %dma_wait3A_1064 = arith.constant 20 : i32
    %dma_wait3A_1065 = arith.constant 0 : i32
    %dma_wait3A_1066 = tpu.memref_slice %arg13[%dma_wait3A_1064, %dma_wait3A_1065] : memref<32x512xf32, #tpu.memory_space<vmem>> -> memref<1x512xf32, #tpu.memory_space<vmem>>
    %dma_wait3A_1067 = tpu.memref_squeeze %dma_wait3A_1066 : memref<1x512xf32, #tpu.memory_space<vmem>> -> memref<512xf32, #tpu.memory_space<vmem>>
    %dma_wait3A_1068 = arith.constant 0 : i32
    %dma_wait3A_1069 = tpu.memref_slice %arg5[%dma_wait3A_1063, %dma_wait3A_1068] : memref<32x1000000xf32, #tpu.memory_space<hbm>> -> memref<1x1000000xf32, #tpu.memory_space<hbm>>
    %dma_wait3A_1070 = tpu.memref_squeeze %dma_wait3A_1069 : memref<1x1000000xf32, #tpu.memory_space<hbm>> -> memref<1000000xf32, #tpu.memory_space<hbm>>
    %dma_wait3A_1071 = arith.constant 0 : i32
    %dma_wait3A_1072 = tpu.memref_slice %dma_wait3A_1070[%dma_wait3A_1071] : memref<1000000xf32, #tpu.memory_space<hbm>> -> memref<1000000xf32, #tpu.memory_space<hbm>>
    tpu.wait_indirect_dma semaphore(%arg19 : memref<!tpu.dma_semaphore, #tpu.memory_space<semaphore_mem>>) src(%dma_wait3A_1072 : memref<1000000xf32, #tpu.memory_space<hbm>>) dst(%dma_wait3A_1067 : memref<512xf32, #tpu.memory_space<vmem>>)
    %dma_wait3A_1073 = arith.constant 21 : i32
    %dma_wait3A_1074 = arith.constant 21 : i32
    %dma_wait3A_1075 = arith.constant 0 : i32
    %dma_wait3A_1076 = tpu.memref_slice %arg12[%dma_wait3A_1074, %dma_wait3A_1075] : memref<32x512xf32, #tpu.memory_space<vmem>> -> memref<1x512xf32, #tpu.memory_space<vmem>>
    %dma_wait3A_1077 = tpu.memref_squeeze %dma_wait3A_1076 : memref<1x512xf32, #tpu.memory_space<vmem>> -> memref<512xf32, #tpu.memory_space<vmem>>
    %dma_wait3A_1078 = arith.constant 0 : i32
    %dma_wait3A_1079 = tpu.memref_slice %arg4[%dma_wait3A_1073, %dma_wait3A_1078] : memref<32x1000000xf32, #tpu.memory_space<hbm>> -> memref<1x1000000xf32, #tpu.memory_space<hbm>>
    %dma_wait3A_1080 = tpu.memref_squeeze %dma_wait3A_1079 : memref<1x1000000xf32, #tpu.memory_space<hbm>> -> memref<1000000xf32, #tpu.memory_space<hbm>>
    %dma_wait3A_1081 = arith.constant 0 : i32
    %dma_wait3A_1082 = tpu.memref_slice %dma_wait3A_1080[%dma_wait3A_1081] : memref<1000000xf32, #tpu.memory_space<hbm>> -> memref<1000000xf32, #tpu.memory_space<hbm>>
    tpu.wait_indirect_dma semaphore(%arg19 : memref<!tpu.dma_semaphore, #tpu.memory_space<semaphore_mem>>) src(%dma_wait3A_1082 : memref<1000000xf32, #tpu.memory_space<hbm>>) dst(%dma_wait3A_1077 : memref<512xf32, #tpu.memory_space<vmem>>)
    %dma_wait3A_1083 = arith.constant 21 : i32
    %dma_wait3A_1084 = arith.constant 21 : i32
    %dma_wait3A_1085 = arith.constant 0 : i32
    %dma_wait3A_1086 = tpu.memref_slice %arg13[%dma_wait3A_1084, %dma_wait3A_1085] : memref<32x512xf32, #tpu.memory_space<vmem>> -> memref<1x512xf32, #tpu.memory_space<vmem>>
    %dma_wait3A_1087 = tpu.memref_squeeze %dma_wait3A_1086 : memref<1x512xf32, #tpu.memory_space<vmem>> -> memref<512xf32, #tpu.memory_space<vmem>>
    %dma_wait3A_1088 = arith.constant 0 : i32
    %dma_wait3A_1089 = tpu.memref_slice %arg5[%dma_wait3A_1083, %dma_wait3A_1088] : memref<32x1000000xf32, #tpu.memory_space<hbm>> -> memref<1x1000000xf32, #tpu.memory_space<hbm>>
    %dma_wait3A_1090 = tpu.memref_squeeze %dma_wait3A_1089 : memref<1x1000000xf32, #tpu.memory_space<hbm>> -> memref<1000000xf32, #tpu.memory_space<hbm>>
    %dma_wait3A_1091 = arith.constant 0 : i32
    %dma_wait3A_1092 = tpu.memref_slice %dma_wait3A_1090[%dma_wait3A_1091] : memref<1000000xf32, #tpu.memory_space<hbm>> -> memref<1000000xf32, #tpu.memory_space<hbm>>
    tpu.wait_indirect_dma semaphore(%arg19 : memref<!tpu.dma_semaphore, #tpu.memory_space<semaphore_mem>>) src(%dma_wait3A_1092 : memref<1000000xf32, #tpu.memory_space<hbm>>) dst(%dma_wait3A_1087 : memref<512xf32, #tpu.memory_space<vmem>>)
    %dma_wait3A_1093 = arith.constant 22 : i32
    %dma_wait3A_1094 = arith.constant 22 : i32
    %dma_wait3A_1095 = arith.constant 0 : i32
    %dma_wait3A_1096 = tpu.memref_slice %arg12[%dma_wait3A_1094, %dma_wait3A_1095] : memref<32x512xf32, #tpu.memory_space<vmem>> -> memref<1x512xf32, #tpu.memory_space<vmem>>
    %dma_wait3A_1097 = tpu.memref_squeeze %dma_wait3A_1096 : memref<1x512xf32, #tpu.memory_space<vmem>> -> memref<512xf32, #tpu.memory_space<vmem>>
    %dma_wait3A_1098 = arith.constant 0 : i32
    %dma_wait3A_1099 = tpu.memref_slice %arg4[%dma_wait3A_1093, %dma_wait3A_1098] : memref<32x1000000xf32, #tpu.memory_space<hbm>> -> memref<1x1000000xf32, #tpu.memory_space<hbm>>
    %dma_wait3A_1100 = tpu.memref_squeeze %dma_wait3A_1099 : memref<1x1000000xf32, #tpu.memory_space<hbm>> -> memref<1000000xf32, #tpu.memory_space<hbm>>
    %dma_wait3A_1101 = arith.constant 0 : i32
    %dma_wait3A_1102 = tpu.memref_slice %dma_wait3A_1100[%dma_wait3A_1101] : memref<1000000xf32, #tpu.memory_space<hbm>> -> memref<1000000xf32, #tpu.memory_space<hbm>>
    tpu.wait_indirect_dma semaphore(%arg19 : memref<!tpu.dma_semaphore, #tpu.memory_space<semaphore_mem>>) src(%dma_wait3A_1102 : memref<1000000xf32, #tpu.memory_space<hbm>>) dst(%dma_wait3A_1097 : memref<512xf32, #tpu.memory_space<vmem>>)
    %dma_wait3A_1103 = arith.constant 22 : i32
    %dma_wait3A_1104 = arith.constant 22 : i32
    %dma_wait3A_1105 = arith.constant 0 : i32
    %dma_wait3A_1106 = tpu.memref_slice %arg13[%dma_wait3A_1104, %dma_wait3A_1105] : memref<32x512xf32, #tpu.memory_space<vmem>> -> memref<1x512xf32, #tpu.memory_space<vmem>>
    %dma_wait3A_1107 = tpu.memref_squeeze %dma_wait3A_1106 : memref<1x512xf32, #tpu.memory_space<vmem>> -> memref<512xf32, #tpu.memory_space<vmem>>
    %dma_wait3A_1108 = arith.constant 0 : i32
    %dma_wait3A_1109 = tpu.memref_slice %arg5[%dma_wait3A_1103, %dma_wait3A_1108] : memref<32x1000000xf32, #tpu.memory_space<hbm>> -> memref<1x1000000xf32, #tpu.memory_space<hbm>>
    %dma_wait3A_1110 = tpu.memref_squeeze %dma_wait3A_1109 : memref<1x1000000xf32, #tpu.memory_space<hbm>> -> memref<1000000xf32, #tpu.memory_space<hbm>>
    %dma_wait3A_1111 = arith.constant 0 : i32
    %dma_wait3A_1112 = tpu.memref_slice %dma_wait3A_1110[%dma_wait3A_1111] : memref<1000000xf32, #tpu.memory_space<hbm>> -> memref<1000000xf32, #tpu.memory_space<hbm>>
    tpu.wait_indirect_dma semaphore(%arg19 : memref<!tpu.dma_semaphore, #tpu.memory_space<semaphore_mem>>) src(%dma_wait3A_1112 : memref<1000000xf32, #tpu.memory_space<hbm>>) dst(%dma_wait3A_1107 : memref<512xf32, #tpu.memory_space<vmem>>)
    %dma_wait3A_1113 = arith.constant 23 : i32
    %dma_wait3A_1114 = arith.constant 23 : i32
    %dma_wait3A_1115 = arith.constant 0 : i32
    %dma_wait3A_1116 = tpu.memref_slice %arg12[%dma_wait3A_1114, %dma_wait3A_1115] : memref<32x512xf32, #tpu.memory_space<vmem>> -> memref<1x512xf32, #tpu.memory_space<vmem>>
    %dma_wait3A_1117 = tpu.memref_squeeze %dma_wait3A_1116 : memref<1x512xf32, #tpu.memory_space<vmem>> -> memref<512xf32, #tpu.memory_space<vmem>>
    %dma_wait3A_1118 = arith.constant 0 : i32
    %dma_wait3A_1119 = tpu.memref_slice %arg4[%dma_wait3A_1113, %dma_wait3A_1118] : memref<32x1000000xf32, #tpu.memory_space<hbm>> -> memref<1x1000000xf32, #tpu.memory_space<hbm>>
    %dma_wait3A_1120 = tpu.memref_squeeze %dma_wait3A_1119 : memref<1x1000000xf32, #tpu.memory_space<hbm>> -> memref<1000000xf32, #tpu.memory_space<hbm>>
    %dma_wait3A_1121 = arith.constant 0 : i32
    %dma_wait3A_1122 = tpu.memref_slice %dma_wait3A_1120[%dma_wait3A_1121] : memref<1000000xf32, #tpu.memory_space<hbm>> -> memref<1000000xf32, #tpu.memory_space<hbm>>
    tpu.wait_indirect_dma semaphore(%arg19 : memref<!tpu.dma_semaphore, #tpu.memory_space<semaphore_mem>>) src(%dma_wait3A_1122 : memref<1000000xf32, #tpu.memory_space<hbm>>) dst(%dma_wait3A_1117 : memref<512xf32, #tpu.memory_space<vmem>>)
    %dma_wait3A_1123 = arith.constant 23 : i32
    %dma_wait3A_1124 = arith.constant 23 : i32
    %dma_wait3A_1125 = arith.constant 0 : i32
    %dma_wait3A_1126 = tpu.memref_slice %arg13[%dma_wait3A_1124, %dma_wait3A_1125] : memref<32x512xf32, #tpu.memory_space<vmem>> -> memref<1x512xf32, #tpu.memory_space<vmem>>
    %dma_wait3A_1127 = tpu.memref_squeeze %dma_wait3A_1126 : memref<1x512xf32, #tpu.memory_space<vmem>> -> memref<512xf32, #tpu.memory_space<vmem>>
    %dma_wait3A_1128 = arith.constant 0 : i32
    %dma_wait3A_1129 = tpu.memref_slice %arg5[%dma_wait3A_1123, %dma_wait3A_1128] : memref<32x1000000xf32, #tpu.memory_space<hbm>> -> memref<1x1000000xf32, #tpu.memory_space<hbm>>
    %dma_wait3A_1130 = tpu.memref_squeeze %dma_wait3A_1129 : memref<1x1000000xf32, #tpu.memory_space<hbm>> -> memref<1000000xf32, #tpu.memory_space<hbm>>
    %dma_wait3A_1131 = arith.constant 0 : i32
    %dma_wait3A_1132 = tpu.memref_slice %dma_wait3A_1130[%dma_wait3A_1131] : memref<1000000xf32, #tpu.memory_space<hbm>> -> memref<1000000xf32, #tpu.memory_space<hbm>>
    tpu.wait_indirect_dma semaphore(%arg19 : memref<!tpu.dma_semaphore, #tpu.memory_space<semaphore_mem>>) src(%dma_wait3A_1132 : memref<1000000xf32, #tpu.memory_space<hbm>>) dst(%dma_wait3A_1127 : memref<512xf32, #tpu.memory_space<vmem>>)
    %dma_wait3A_1133 = arith.constant 24 : i32
    %dma_wait3A_1134 = arith.constant 24 : i32
    %dma_wait3A_1135 = arith.constant 0 : i32
    %dma_wait3A_1136 = tpu.memref_slice %arg12[%dma_wait3A_1134, %dma_wait3A_1135] : memref<32x512xf32, #tpu.memory_space<vmem>> -> memref<1x512xf32, #tpu.memory_space<vmem>>
    %dma_wait3A_1137 = tpu.memref_squeeze %dma_wait3A_1136 : memref<1x512xf32, #tpu.memory_space<vmem>> -> memref<512xf32, #tpu.memory_space<vmem>>
    %dma_wait3A_1138 = arith.constant 0 : i32
    %dma_wait3A_1139 = tpu.memref_slice %arg4[%dma_wait3A_1133, %dma_wait3A_1138] : memref<32x1000000xf32, #tpu.memory_space<hbm>> -> memref<1x1000000xf32, #tpu.memory_space<hbm>>
    %dma_wait3A_1140 = tpu.memref_squeeze %dma_wait3A_1139 : memref<1x1000000xf32, #tpu.memory_space<hbm>> -> memref<1000000xf32, #tpu.memory_space<hbm>>
    %dma_wait3A_1141 = arith.constant 0 : i32
    %dma_wait3A_1142 = tpu.memref_slice %dma_wait3A_1140[%dma_wait3A_1141] : memref<1000000xf32, #tpu.memory_space<hbm>> -> memref<1000000xf32, #tpu.memory_space<hbm>>
    tpu.wait_indirect_dma semaphore(%arg19 : memref<!tpu.dma_semaphore, #tpu.memory_space<semaphore_mem>>) src(%dma_wait3A_1142 : memref<1000000xf32, #tpu.memory_space<hbm>>) dst(%dma_wait3A_1137 : memref<512xf32, #tpu.memory_space<vmem>>)
    %dma_wait3A_1143 = arith.constant 24 : i32
    %dma_wait3A_1144 = arith.constant 24 : i32
    %dma_wait3A_1145 = arith.constant 0 : i32
    %dma_wait3A_1146 = tpu.memref_slice %arg13[%dma_wait3A_1144, %dma_wait3A_1145] : memref<32x512xf32, #tpu.memory_space<vmem>> -> memref<1x512xf32, #tpu.memory_space<vmem>>
    %dma_wait3A_1147 = tpu.memref_squeeze %dma_wait3A_1146 : memref<1x512xf32, #tpu.memory_space<vmem>> -> memref<512xf32, #tpu.memory_space<vmem>>
    %dma_wait3A_1148 = arith.constant 0 : i32
    %dma_wait3A_1149 = tpu.memref_slice %arg5[%dma_wait3A_1143, %dma_wait3A_1148] : memref<32x1000000xf32, #tpu.memory_space<hbm>> -> memref<1x1000000xf32, #tpu.memory_space<hbm>>
    %dma_wait3A_1150 = tpu.memref_squeeze %dma_wait3A_1149 : memref<1x1000000xf32, #tpu.memory_space<hbm>> -> memref<1000000xf32, #tpu.memory_space<hbm>>
    %dma_wait3A_1151 = arith.constant 0 : i32
    %dma_wait3A_1152 = tpu.memref_slice %dma_wait3A_1150[%dma_wait3A_1151] : memref<1000000xf32, #tpu.memory_space<hbm>> -> memref<1000000xf32, #tpu.memory_space<hbm>>
    tpu.wait_indirect_dma semaphore(%arg19 : memref<!tpu.dma_semaphore, #tpu.memory_space<semaphore_mem>>) src(%dma_wait3A_1152 : memref<1000000xf32, #tpu.memory_space<hbm>>) dst(%dma_wait3A_1147 : memref<512xf32, #tpu.memory_space<vmem>>)
    %dma_wait3A_1153 = arith.constant 25 : i32
    %dma_wait3A_1154 = arith.constant 25 : i32
    %dma_wait3A_1155 = arith.constant 0 : i32
    %dma_wait3A_1156 = tpu.memref_slice %arg12[%dma_wait3A_1154, %dma_wait3A_1155] : memref<32x512xf32, #tpu.memory_space<vmem>> -> memref<1x512xf32, #tpu.memory_space<vmem>>
    %dma_wait3A_1157 = tpu.memref_squeeze %dma_wait3A_1156 : memref<1x512xf32, #tpu.memory_space<vmem>> -> memref<512xf32, #tpu.memory_space<vmem>>
    %dma_wait3A_1158 = arith.constant 0 : i32
    %dma_wait3A_1159 = tpu.memref_slice %arg4[%dma_wait3A_1153, %dma_wait3A_1158] : memref<32x1000000xf32, #tpu.memory_space<hbm>> -> memref<1x1000000xf32, #tpu.memory_space<hbm>>
    %dma_wait3A_1160 = tpu.memref_squeeze %dma_wait3A_1159 : memref<1x1000000xf32, #tpu.memory_space<hbm>> -> memref<1000000xf32, #tpu.memory_space<hbm>>
    %dma_wait3A_1161 = arith.constant 0 : i32
    %dma_wait3A_1162 = tpu.memref_slice %dma_wait3A_1160[%dma_wait3A_1161] : memref<1000000xf32, #tpu.memory_space<hbm>> -> memref<1000000xf32, #tpu.memory_space<hbm>>
    tpu.wait_indirect_dma semaphore(%arg19 : memref<!tpu.dma_semaphore, #tpu.memory_space<semaphore_mem>>) src(%dma_wait3A_1162 : memref<1000000xf32, #tpu.memory_space<hbm>>) dst(%dma_wait3A_1157 : memref<512xf32, #tpu.memory_space<vmem>>)
    %dma_wait3A_1163 = arith.constant 25 : i32
    %dma_wait3A_1164 = arith.constant 25 : i32
    %dma_wait3A_1165 = arith.constant 0 : i32
    %dma_wait3A_1166 = tpu.memref_slice %arg13[%dma_wait3A_1164, %dma_wait3A_1165] : memref<32x512xf32, #tpu.memory_space<vmem>> -> memref<1x512xf32, #tpu.memory_space<vmem>>
    %dma_wait3A_1167 = tpu.memref_squeeze %dma_wait3A_1166 : memref<1x512xf32, #tpu.memory_space<vmem>> -> memref<512xf32, #tpu.memory_space<vmem>>
    %dma_wait3A_1168 = arith.constant 0 : i32
    %dma_wait3A_1169 = tpu.memref_slice %arg5[%dma_wait3A_1163, %dma_wait3A_1168] : memref<32x1000000xf32, #tpu.memory_space<hbm>> -> memref<1x1000000xf32, #tpu.memory_space<hbm>>
    %dma_wait3A_1170 = tpu.memref_squeeze %dma_wait3A_1169 : memref<1x1000000xf32, #tpu.memory_space<hbm>> -> memref<1000000xf32, #tpu.memory_space<hbm>>
    %dma_wait3A_1171 = arith.constant 0 : i32
    %dma_wait3A_1172 = tpu.memref_slice %dma_wait3A_1170[%dma_wait3A_1171] : memref<1000000xf32, #tpu.memory_space<hbm>> -> memref<1000000xf32, #tpu.memory_space<hbm>>
    tpu.wait_indirect_dma semaphore(%arg19 : memref<!tpu.dma_semaphore, #tpu.memory_space<semaphore_mem>>) src(%dma_wait3A_1172 : memref<1000000xf32, #tpu.memory_space<hbm>>) dst(%dma_wait3A_1167 : memref<512xf32, #tpu.memory_space<vmem>>)
    %dma_wait3A_1173 = arith.constant 26 : i32
    %dma_wait3A_1174 = arith.constant 26 : i32
    %dma_wait3A_1175 = arith.constant 0 : i32
    %dma_wait3A_1176 = tpu.memref_slice %arg12[%dma_wait3A_1174, %dma_wait3A_1175] : memref<32x512xf32, #tpu.memory_space<vmem>> -> memref<1x512xf32, #tpu.memory_space<vmem>>
    %dma_wait3A_1177 = tpu.memref_squeeze %dma_wait3A_1176 : memref<1x512xf32, #tpu.memory_space<vmem>> -> memref<512xf32, #tpu.memory_space<vmem>>
    %dma_wait3A_1178 = arith.constant 0 : i32
    %dma_wait3A_1179 = tpu.memref_slice %arg4[%dma_wait3A_1173, %dma_wait3A_1178] : memref<32x1000000xf32, #tpu.memory_space<hbm>> -> memref<1x1000000xf32, #tpu.memory_space<hbm>>
    %dma_wait3A_1180 = tpu.memref_squeeze %dma_wait3A_1179 : memref<1x1000000xf32, #tpu.memory_space<hbm>> -> memref<1000000xf32, #tpu.memory_space<hbm>>
    %dma_wait3A_1181 = arith.constant 0 : i32
    %dma_wait3A_1182 = tpu.memref_slice %dma_wait3A_1180[%dma_wait3A_1181] : memref<1000000xf32, #tpu.memory_space<hbm>> -> memref<1000000xf32, #tpu.memory_space<hbm>>
    tpu.wait_indirect_dma semaphore(%arg19 : memref<!tpu.dma_semaphore, #tpu.memory_space<semaphore_mem>>) src(%dma_wait3A_1182 : memref<1000000xf32, #tpu.memory_space<hbm>>) dst(%dma_wait3A_1177 : memref<512xf32, #tpu.memory_space<vmem>>)
    %dma_wait3A_1183 = arith.constant 26 : i32
    %dma_wait3A_1184 = arith.constant 26 : i32
    %dma_wait3A_1185 = arith.constant 0 : i32
    %dma_wait3A_1186 = tpu.memref_slice %arg13[%dma_wait3A_1184, %dma_wait3A_1185] : memref<32x512xf32, #tpu.memory_space<vmem>> -> memref<1x512xf32, #tpu.memory_space<vmem>>
    %dma_wait3A_1187 = tpu.memref_squeeze %dma_wait3A_1186 : memref<1x512xf32, #tpu.memory_space<vmem>> -> memref<512xf32, #tpu.memory_space<vmem>>
    %dma_wait3A_1188 = arith.constant 0 : i32
    %dma_wait3A_1189 = tpu.memref_slice %arg5[%dma_wait3A_1183, %dma_wait3A_1188] : memref<32x1000000xf32, #tpu.memory_space<hbm>> -> memref<1x1000000xf32, #tpu.memory_space<hbm>>
    %dma_wait3A_1190 = tpu.memref_squeeze %dma_wait3A_1189 : memref<1x1000000xf32, #tpu.memory_space<hbm>> -> memref<1000000xf32, #tpu.memory_space<hbm>>
    %dma_wait3A_1191 = arith.constant 0 : i32
    %dma_wait3A_1192 = tpu.memref_slice %dma_wait3A_1190[%dma_wait3A_1191] : memref<1000000xf32, #tpu.memory_space<hbm>> -> memref<1000000xf32, #tpu.memory_space<hbm>>
    tpu.wait_indirect_dma semaphore(%arg19 : memref<!tpu.dma_semaphore, #tpu.memory_space<semaphore_mem>>) src(%dma_wait3A_1192 : memref<1000000xf32, #tpu.memory_space<hbm>>) dst(%dma_wait3A_1187 : memref<512xf32, #tpu.memory_space<vmem>>)
    %dma_wait3A_1193 = arith.constant 27 : i32
    %dma_wait3A_1194 = arith.constant 27 : i32
    %dma_wait3A_1195 = arith.constant 0 : i32
    %dma_wait3A_1196 = tpu.memref_slice %arg12[%dma_wait3A_1194, %dma_wait3A_1195] : memref<32x512xf32, #tpu.memory_space<vmem>> -> memref<1x512xf32, #tpu.memory_space<vmem>>
    %dma_wait3A_1197 = tpu.memref_squeeze %dma_wait3A_1196 : memref<1x512xf32, #tpu.memory_space<vmem>> -> memref<512xf32, #tpu.memory_space<vmem>>
    %dma_wait3A_1198 = arith.constant 0 : i32
    %dma_wait3A_1199 = tpu.memref_slice %arg4[%dma_wait3A_1193, %dma_wait3A_1198] : memref<32x1000000xf32, #tpu.memory_space<hbm>> -> memref<1x1000000xf32, #tpu.memory_space<hbm>>
    %dma_wait3A_1200 = tpu.memref_squeeze %dma_wait3A_1199 : memref<1x1000000xf32, #tpu.memory_space<hbm>> -> memref<1000000xf32, #tpu.memory_space<hbm>>
    %dma_wait3A_1201 = arith.constant 0 : i32
    %dma_wait3A_1202 = tpu.memref_slice %dma_wait3A_1200[%dma_wait3A_1201] : memref<1000000xf32, #tpu.memory_space<hbm>> -> memref<1000000xf32, #tpu.memory_space<hbm>>
    tpu.wait_indirect_dma semaphore(%arg19 : memref<!tpu.dma_semaphore, #tpu.memory_space<semaphore_mem>>) src(%dma_wait3A_1202 : memref<1000000xf32, #tpu.memory_space<hbm>>) dst(%dma_wait3A_1197 : memref<512xf32, #tpu.memory_space<vmem>>)
    %dma_wait3A_1203 = arith.constant 27 : i32
    %dma_wait3A_1204 = arith.constant 27 : i32
    %dma_wait3A_1205 = arith.constant 0 : i32
    %dma_wait3A_1206 = tpu.memref_slice %arg13[%dma_wait3A_1204, %dma_wait3A_1205] : memref<32x512xf32, #tpu.memory_space<vmem>> -> memref<1x512xf32, #tpu.memory_space<vmem>>
    %dma_wait3A_1207 = tpu.memref_squeeze %dma_wait3A_1206 : memref<1x512xf32, #tpu.memory_space<vmem>> -> memref<512xf32, #tpu.memory_space<vmem>>
    %dma_wait3A_1208 = arith.constant 0 : i32
    %dma_wait3A_1209 = tpu.memref_slice %arg5[%dma_wait3A_1203, %dma_wait3A_1208] : memref<32x1000000xf32, #tpu.memory_space<hbm>> -> memref<1x1000000xf32, #tpu.memory_space<hbm>>
    %dma_wait3A_1210 = tpu.memref_squeeze %dma_wait3A_1209 : memref<1x1000000xf32, #tpu.memory_space<hbm>> -> memref<1000000xf32, #tpu.memory_space<hbm>>
    %dma_wait3A_1211 = arith.constant 0 : i32
    %dma_wait3A_1212 = tpu.memref_slice %dma_wait3A_1210[%dma_wait3A_1211] : memref<1000000xf32, #tpu.memory_space<hbm>> -> memref<1000000xf32, #tpu.memory_space<hbm>>
    tpu.wait_indirect_dma semaphore(%arg19 : memref<!tpu.dma_semaphore, #tpu.memory_space<semaphore_mem>>) src(%dma_wait3A_1212 : memref<1000000xf32, #tpu.memory_space<hbm>>) dst(%dma_wait3A_1207 : memref<512xf32, #tpu.memory_space<vmem>>)
    %dma_wait3A_1213 = arith.constant 28 : i32
    %dma_wait3A_1214 = arith.constant 28 : i32
    %dma_wait3A_1215 = arith.constant 0 : i32
    %dma_wait3A_1216 = tpu.memref_slice %arg12[%dma_wait3A_1214, %dma_wait3A_1215] : memref<32x512xf32, #tpu.memory_space<vmem>> -> memref<1x512xf32, #tpu.memory_space<vmem>>
    %dma_wait3A_1217 = tpu.memref_squeeze %dma_wait3A_1216 : memref<1x512xf32, #tpu.memory_space<vmem>> -> memref<512xf32, #tpu.memory_space<vmem>>
    %dma_wait3A_1218 = arith.constant 0 : i32
    %dma_wait3A_1219 = tpu.memref_slice %arg4[%dma_wait3A_1213, %dma_wait3A_1218] : memref<32x1000000xf32, #tpu.memory_space<hbm>> -> memref<1x1000000xf32, #tpu.memory_space<hbm>>
    %dma_wait3A_1220 = tpu.memref_squeeze %dma_wait3A_1219 : memref<1x1000000xf32, #tpu.memory_space<hbm>> -> memref<1000000xf32, #tpu.memory_space<hbm>>
    %dma_wait3A_1221 = arith.constant 0 : i32
    %dma_wait3A_1222 = tpu.memref_slice %dma_wait3A_1220[%dma_wait3A_1221] : memref<1000000xf32, #tpu.memory_space<hbm>> -> memref<1000000xf32, #tpu.memory_space<hbm>>
    tpu.wait_indirect_dma semaphore(%arg19 : memref<!tpu.dma_semaphore, #tpu.memory_space<semaphore_mem>>) src(%dma_wait3A_1222 : memref<1000000xf32, #tpu.memory_space<hbm>>) dst(%dma_wait3A_1217 : memref<512xf32, #tpu.memory_space<vmem>>)
    %dma_wait3A_1223 = arith.constant 28 : i32
    %dma_wait3A_1224 = arith.constant 28 : i32
    %dma_wait3A_1225 = arith.constant 0 : i32
    %dma_wait3A_1226 = tpu.memref_slice %arg13[%dma_wait3A_1224, %dma_wait3A_1225] : memref<32x512xf32, #tpu.memory_space<vmem>> -> memref<1x512xf32, #tpu.memory_space<vmem>>
    %dma_wait3A_1227 = tpu.memref_squeeze %dma_wait3A_1226 : memref<1x512xf32, #tpu.memory_space<vmem>> -> memref<512xf32, #tpu.memory_space<vmem>>
    %dma_wait3A_1228 = arith.constant 0 : i32
    %dma_wait3A_1229 = tpu.memref_slice %arg5[%dma_wait3A_1223, %dma_wait3A_1228] : memref<32x1000000xf32, #tpu.memory_space<hbm>> -> memref<1x1000000xf32, #tpu.memory_space<hbm>>
    %dma_wait3A_1230 = tpu.memref_squeeze %dma_wait3A_1229 : memref<1x1000000xf32, #tpu.memory_space<hbm>> -> memref<1000000xf32, #tpu.memory_space<hbm>>
    %dma_wait3A_1231 = arith.constant 0 : i32
    %dma_wait3A_1232 = tpu.memref_slice %dma_wait3A_1230[%dma_wait3A_1231] : memref<1000000xf32, #tpu.memory_space<hbm>> -> memref<1000000xf32, #tpu.memory_space<hbm>>
    tpu.wait_indirect_dma semaphore(%arg19 : memref<!tpu.dma_semaphore, #tpu.memory_space<semaphore_mem>>) src(%dma_wait3A_1232 : memref<1000000xf32, #tpu.memory_space<hbm>>) dst(%dma_wait3A_1227 : memref<512xf32, #tpu.memory_space<vmem>>)
    %dma_wait3A_1233 = arith.constant 29 : i32
    %dma_wait3A_1234 = arith.constant 29 : i32
    %dma_wait3A_1235 = arith.constant 0 : i32
    %dma_wait3A_1236 = tpu.memref_slice %arg12[%dma_wait3A_1234, %dma_wait3A_1235] : memref<32x512xf32, #tpu.memory_space<vmem>> -> memref<1x512xf32, #tpu.memory_space<vmem>>
    %dma_wait3A_1237 = tpu.memref_squeeze %dma_wait3A_1236 : memref<1x512xf32, #tpu.memory_space<vmem>> -> memref<512xf32, #tpu.memory_space<vmem>>
    %dma_wait3A_1238 = arith.constant 0 : i32
    %dma_wait3A_1239 = tpu.memref_slice %arg4[%dma_wait3A_1233, %dma_wait3A_1238] : memref<32x1000000xf32, #tpu.memory_space<hbm>> -> memref<1x1000000xf32, #tpu.memory_space<hbm>>
    %dma_wait3A_1240 = tpu.memref_squeeze %dma_wait3A_1239 : memref<1x1000000xf32, #tpu.memory_space<hbm>> -> memref<1000000xf32, #tpu.memory_space<hbm>>
    %dma_wait3A_1241 = arith.constant 0 : i32
    %dma_wait3A_1242 = tpu.memref_slice %dma_wait3A_1240[%dma_wait3A_1241] : memref<1000000xf32, #tpu.memory_space<hbm>> -> memref<1000000xf32, #tpu.memory_space<hbm>>
    tpu.wait_indirect_dma semaphore(%arg19 : memref<!tpu.dma_semaphore, #tpu.memory_space<semaphore_mem>>) src(%dma_wait3A_1242 : memref<1000000xf32, #tpu.memory_space<hbm>>) dst(%dma_wait3A_1237 : memref<512xf32, #tpu.memory_space<vmem>>)
    %dma_wait3A_1243 = arith.constant 29 : i32
    %dma_wait3A_1244 = arith.constant 29 : i32
    %dma_wait3A_1245 = arith.constant 0 : i32
    %dma_wait3A_1246 = tpu.memref_slice %arg13[%dma_wait3A_1244, %dma_wait3A_1245] : memref<32x512xf32, #tpu.memory_space<vmem>> -> memref<1x512xf32, #tpu.memory_space<vmem>>
    %dma_wait3A_1247 = tpu.memref_squeeze %dma_wait3A_1246 : memref<1x512xf32, #tpu.memory_space<vmem>> -> memref<512xf32, #tpu.memory_space<vmem>>
    %dma_wait3A_1248 = arith.constant 0 : i32
    %dma_wait3A_1249 = tpu.memref_slice %arg5[%dma_wait3A_1243, %dma_wait3A_1248] : memref<32x1000000xf32, #tpu.memory_space<hbm>> -> memref<1x1000000xf32, #tpu.memory_space<hbm>>
    %dma_wait3A_1250 = tpu.memref_squeeze %dma_wait3A_1249 : memref<1x1000000xf32, #tpu.memory_space<hbm>> -> memref<1000000xf32, #tpu.memory_space<hbm>>
    %dma_wait3A_1251 = arith.constant 0 : i32
    %dma_wait3A_1252 = tpu.memref_slice %dma_wait3A_1250[%dma_wait3A_1251] : memref<1000000xf32, #tpu.memory_space<hbm>> -> memref<1000000xf32, #tpu.memory_space<hbm>>
    tpu.wait_indirect_dma semaphore(%arg19 : memref<!tpu.dma_semaphore, #tpu.memory_space<semaphore_mem>>) src(%dma_wait3A_1252 : memref<1000000xf32, #tpu.memory_space<hbm>>) dst(%dma_wait3A_1247 : memref<512xf32, #tpu.memory_space<vmem>>)
    %dma_wait3A_1253 = arith.constant 30 : i32
    %dma_wait3A_1254 = arith.constant 30 : i32
    %dma_wait3A_1255 = arith.constant 0 : i32
    %dma_wait3A_1256 = tpu.memref_slice %arg12[%dma_wait3A_1254, %dma_wait3A_1255] : memref<32x512xf32, #tpu.memory_space<vmem>> -> memref<1x512xf32, #tpu.memory_space<vmem>>
    %dma_wait3A_1257 = tpu.memref_squeeze %dma_wait3A_1256 : memref<1x512xf32, #tpu.memory_space<vmem>> -> memref<512xf32, #tpu.memory_space<vmem>>
    %dma_wait3A_1258 = arith.constant 0 : i32
    %dma_wait3A_1259 = tpu.memref_slice %arg4[%dma_wait3A_1253, %dma_wait3A_1258] : memref<32x1000000xf32, #tpu.memory_space<hbm>> -> memref<1x1000000xf32, #tpu.memory_space<hbm>>
    %dma_wait3A_1260 = tpu.memref_squeeze %dma_wait3A_1259 : memref<1x1000000xf32, #tpu.memory_space<hbm>> -> memref<1000000xf32, #tpu.memory_space<hbm>>
    %dma_wait3A_1261 = arith.constant 0 : i32
    %dma_wait3A_1262 = tpu.memref_slice %dma_wait3A_1260[%dma_wait3A_1261] : memref<1000000xf32, #tpu.memory_space<hbm>> -> memref<1000000xf32, #tpu.memory_space<hbm>>
    tpu.wait_indirect_dma semaphore(%arg19 : memref<!tpu.dma_semaphore, #tpu.memory_space<semaphore_mem>>) src(%dma_wait3A_1262 : memref<1000000xf32, #tpu.memory_space<hbm>>) dst(%dma_wait3A_1257 : memref<512xf32, #tpu.memory_space<vmem>>)
    %dma_wait3A_1263 = arith.constant 30 : i32
    %dma_wait3A_1264 = arith.constant 30 : i32
    %dma_wait3A_1265 = arith.constant 0 : i32
    %dma_wait3A_1266 = tpu.memref_slice %arg13[%dma_wait3A_1264, %dma_wait3A_1265] : memref<32x512xf32, #tpu.memory_space<vmem>> -> memref<1x512xf32, #tpu.memory_space<vmem>>
    %dma_wait3A_1267 = tpu.memref_squeeze %dma_wait3A_1266 : memref<1x512xf32, #tpu.memory_space<vmem>> -> memref<512xf32, #tpu.memory_space<vmem>>
    %dma_wait3A_1268 = arith.constant 0 : i32
    %dma_wait3A_1269 = tpu.memref_slice %arg5[%dma_wait3A_1263, %dma_wait3A_1268] : memref<32x1000000xf32, #tpu.memory_space<hbm>> -> memref<1x1000000xf32, #tpu.memory_space<hbm>>
    %dma_wait3A_1270 = tpu.memref_squeeze %dma_wait3A_1269 : memref<1x1000000xf32, #tpu.memory_space<hbm>> -> memref<1000000xf32, #tpu.memory_space<hbm>>
    %dma_wait3A_1271 = arith.constant 0 : i32
    %dma_wait3A_1272 = tpu.memref_slice %dma_wait3A_1270[%dma_wait3A_1271] : memref<1000000xf32, #tpu.memory_space<hbm>> -> memref<1000000xf32, #tpu.memory_space<hbm>>
    tpu.wait_indirect_dma semaphore(%arg19 : memref<!tpu.dma_semaphore, #tpu.memory_space<semaphore_mem>>) src(%dma_wait3A_1272 : memref<1000000xf32, #tpu.memory_space<hbm>>) dst(%dma_wait3A_1267 : memref<512xf32, #tpu.memory_space<vmem>>)
    %dma_wait3A_1273 = arith.constant 31 : i32
    %dma_wait3A_1274 = arith.constant 31 : i32
    %dma_wait3A_1275 = arith.constant 0 : i32
    %dma_wait3A_1276 = tpu.memref_slice %arg12[%dma_wait3A_1274, %dma_wait3A_1275] : memref<32x512xf32, #tpu.memory_space<vmem>> -> memref<1x512xf32, #tpu.memory_space<vmem>>
    %dma_wait3A_1277 = tpu.memref_squeeze %dma_wait3A_1276 : memref<1x512xf32, #tpu.memory_space<vmem>> -> memref<512xf32, #tpu.memory_space<vmem>>
    %dma_wait3A_1278 = arith.constant 0 : i32
    %dma_wait3A_1279 = tpu.memref_slice %arg4[%dma_wait3A_1273, %dma_wait3A_1278] : memref<32x1000000xf32, #tpu.memory_space<hbm>> -> memref<1x1000000xf32, #tpu.memory_space<hbm>>
    %dma_wait3A_1280 = tpu.memref_squeeze %dma_wait3A_1279 : memref<1x1000000xf32, #tpu.memory_space<hbm>> -> memref<1000000xf32, #tpu.memory_space<hbm>>
    %dma_wait3A_1281 = arith.constant 0 : i32
    %dma_wait3A_1282 = tpu.memref_slice %dma_wait3A_1280[%dma_wait3A_1281] : memref<1000000xf32, #tpu.memory_space<hbm>> -> memref<1000000xf32, #tpu.memory_space<hbm>>
    tpu.wait_indirect_dma semaphore(%arg19 : memref<!tpu.dma_semaphore, #tpu.memory_space<semaphore_mem>>) src(%dma_wait3A_1282 : memref<1000000xf32, #tpu.memory_space<hbm>>) dst(%dma_wait3A_1277 : memref<512xf32, #tpu.memory_space<vmem>>)
    %dma_wait3A_1283 = arith.constant 31 : i32
    %dma_wait3A_1284 = arith.constant 31 : i32
    %dma_wait3A_1285 = arith.constant 0 : i32
    %dma_wait3A_1286 = tpu.memref_slice %arg13[%dma_wait3A_1284, %dma_wait3A_1285] : memref<32x512xf32, #tpu.memory_space<vmem>> -> memref<1x512xf32, #tpu.memory_space<vmem>>
    %dma_wait3A_1287 = tpu.memref_squeeze %dma_wait3A_1286 : memref<1x512xf32, #tpu.memory_space<vmem>> -> memref<512xf32, #tpu.memory_space<vmem>>
    %dma_wait3A_1288 = arith.constant 0 : i32
    %dma_wait3A_1289 = tpu.memref_slice %arg5[%dma_wait3A_1283, %dma_wait3A_1288] : memref<32x1000000xf32, #tpu.memory_space<hbm>> -> memref<1x1000000xf32, #tpu.memory_space<hbm>>
    %dma_wait3A_1290 = tpu.memref_squeeze %dma_wait3A_1289 : memref<1x1000000xf32, #tpu.memory_space<hbm>> -> memref<1000000xf32, #tpu.memory_space<hbm>>
    %dma_wait3A_1291 = arith.constant 0 : i32
    %dma_wait3A_1292 = tpu.memref_slice %dma_wait3A_1290[%dma_wait3A_1291] : memref<1000000xf32, #tpu.memory_space<hbm>> -> memref<1000000xf32, #tpu.memory_space<hbm>>
    tpu.wait_indirect_dma semaphore(%arg19 : memref<!tpu.dma_semaphore, #tpu.memory_space<semaphore_mem>>) src(%dma_wait3A_1292 : memref<1000000xf32, #tpu.memory_space<hbm>>) dst(%dma_wait3A_1287 : memref<512xf32, #tpu.memory_space<vmem>>)
    %dma_wait3A_1293 = arith.constant 0 : i32
    %dma_wait3A_1294 = tpu.memref_slice %arg6[%dma_wait3A_1293] : memref<1000000xf32, #tpu.memory_space<hbm>> -> memref<1000000xf32, #tpu.memory_space<hbm>>
    tpu.wait_indirect_dma semaphore(%arg19 : memref<!tpu.dma_semaphore, #tpu.memory_space<semaphore_mem>>) src(%dma_wait3A_1294 : memref<1000000xf32, #tpu.memory_space<hbm>>) dst(%arg14 : memref<512xf32, #tpu.memory_space<vmem>>)
    %dma_wait3A_1295 = arith.constant 0 : i32
    %dma_wait3A_1296 = tpu.memref_slice %arg7[%dma_wait3A_1295] : memref<1000000xf32, #tpu.memory_space<hbm>> -> memref<1000000xf32, #tpu.memory_space<hbm>>
    tpu.wait_indirect_dma semaphore(%arg19 : memref<!tpu.dma_semaphore, #tpu.memory_space<semaphore_mem>>) src(%dma_wait3A_1296 : memref<1000000xf32, #tpu.memory_space<hbm>>) dst(%arg15 : memref<512xf32, #tpu.memory_space<vmem>>)
    %scan3A = arith.constant 0 : i32
    %scan3A_1297 = arith.constant 0 : i32
    %scan3A_1298 = arith.constant 32 : i32
    %scan3A_1299 = arith.addi %scan3A_1297, %scan3A_1298 : i32
    %scan3A_1300 = arith.constant 1 : i32
    scf.for %scan3A_1302 = %scan3A_1297 to %scan3A_1299 step %scan3A_1300  : i32 {
      %mul3A_1303 = arith.constant 16 : i32
      %mul3A_1304 = arith.muli %scan3A_1302, %mul3A_1303 : i32
      %broadcast_in_dim3A = arith.constant 0.000000e+00 : f32
      %broadcast_in_dim3A_1305 = vector.broadcast %broadcast_in_dim3A : f32 to vector<16xf32>
      %get3A = arith.constant 0 : i32
      %get3A_1306 = arith.index_cast %get3A : i32 to index
      %get3A_1307 = arith.index_cast %mul3A_1304 : i32 to index
      %get3A_1308 = tpu.vector_load %arg12[%get3A_1306, %get3A_1307] {strides = array<i32>} : memref<32x512xf32, #tpu.memory_space<vmem>>, vector<16xf32>,
      %get3A_1309 = arith.constant 0 : i32
      %get3A_1310 = arith.index_cast %get3A_1309 : i32 to index
      %get3A_1311 = arith.index_cast %mul3A_1304 : i32 to index
      %get3A_1312 = tpu.vector_load %arg13[%get3A_1310, %get3A_1311] {strides = array<i32>} : memref<32x512xf32, #tpu.memory_space<vmem>>, vector<16xf32>,
      %mul3A_1313 = arith.mulf %get3A_1308, %get3A_1312 : vector<16xf32>
      %get3A_1314 = arith.constant 0 : i32
      %get3A_1315 = arith.index_cast %get3A_1314 : i32 to index
      %get3A_1316 = arith.constant 0 : index
      %get3A_1317 = tpu.vector_load %arg16[%get3A_1315, %get3A_1316] {strides = array<i32>} : memref<32x16xf32, #tpu.memory_space<vmem>>, vector<16xf32>,
      %mul3A_1318 = arith.mulf %mul3A_1313, %get3A_1317 : vector<16xf32>
      %add3A_1319 = arith.addf %broadcast_in_dim3A_1305, %mul3A_1318 : vector<16xf32>
      %get3A_1320 = arith.constant 1 : i32
      %get3A_1321 = arith.index_cast %get3A_1320 : i32 to index
      %get3A_1322 = arith.index_cast %mul3A_1304 : i32 to index
      %get3A_1323 = tpu.vector_load %arg12[%get3A_1321, %get3A_1322] {strides = array<i32>} : memref<32x512xf32, #tpu.memory_space<vmem>>, vector<16xf32>,
      %get3A_1324 = arith.constant 1 : i32
      %get3A_1325 = arith.index_cast %get3A_1324 : i32 to index
      %get3A_1326 = arith.index_cast %mul3A_1304 : i32 to index
      %get3A_1327 = tpu.vector_load %arg13[%get3A_1325, %get3A_1326] {strides = array<i32>} : memref<32x512xf32, #tpu.memory_space<vmem>>, vector<16xf32>,
      %mul3A_1328 = arith.mulf %get3A_1323, %get3A_1327 : vector<16xf32>
      %get3A_1329 = arith.constant 1 : i32
      %get3A_1330 = arith.index_cast %get3A_1329 : i32 to index
      %get3A_1331 = arith.constant 0 : index
      %get3A_1332 = tpu.vector_load %arg16[%get3A_1330, %get3A_1331] {strides = array<i32>} : memref<32x16xf32, #tpu.memory_space<vmem>>, vector<16xf32>,
      %mul3A_1333 = arith.mulf %mul3A_1328, %get3A_1332 : vector<16xf32>
      %add3A_1334 = arith.addf %add3A_1319, %mul3A_1333 : vector<16xf32>
      %get3A_1335 = arith.constant 2 : i32
      %get3A_1336 = arith.index_cast %get3A_1335 : i32 to index
      %get3A_1337 = arith.index_cast %mul3A_1304 : i32 to index
      %get3A_1338 = tpu.vector_load %arg12[%get3A_1336, %get3A_1337] {strides = array<i32>} : memref<32x512xf32, #tpu.memory_space<vmem>>, vector<16xf32>,
      %get3A_1339 = arith.constant 2 : i32
      %get3A_1340 = arith.index_cast %get3A_1339 : i32 to index
      %get3A_1341 = arith.index_cast %mul3A_1304 : i32 to index
      %get3A_1342 = tpu.vector_load %arg13[%get3A_1340, %get3A_1341] {strides = array<i32>} : memref<32x512xf32, #tpu.memory_space<vmem>>, vector<16xf32>,
      %mul3A_1343 = arith.mulf %get3A_1338, %get3A_1342 : vector<16xf32>
      %get3A_1344 = arith.constant 2 : i32
      %get3A_1345 = arith.index_cast %get3A_1344 : i32 to index
      %get3A_1346 = arith.constant 0 : index
      %get3A_1347 = tpu.vector_load %arg16[%get3A_1345, %get3A_1346] {strides = array<i32>} : memref<32x16xf32, #tpu.memory_space<vmem>>, vector<16xf32>,
      %mul3A_1348 = arith.mulf %mul3A_1343, %get3A_1347 : vector<16xf32>
      %add3A_1349 = arith.addf %add3A_1334, %mul3A_1348 : vector<16xf32>
      %get3A_1350 = arith.constant 3 : i32
      %get3A_1351 = arith.index_cast %get3A_1350 : i32 to index
      %get3A_1352 = arith.index_cast %mul3A_1304 : i32 to index
      %get3A_1353 = tpu.vector_load %arg12[%get3A_1351, %get3A_1352] {strides = array<i32>} : memref<32x512xf32, #tpu.memory_space<vmem>>, vector<16xf32>,
      %get3A_1354 = arith.constant 3 : i32
      %get3A_1355 = arith.index_cast %get3A_1354 : i32 to index
      %get3A_1356 = arith.index_cast %mul3A_1304 : i32 to index
      %get3A_1357 = tpu.vector_load %arg13[%get3A_1355, %get3A_1356] {strides = array<i32>} : memref<32x512xf32, #tpu.memory_space<vmem>>, vector<16xf32>,
      %mul3A_1358 = arith.mulf %get3A_1353, %get3A_1357 : vector<16xf32>
      %get3A_1359 = arith.constant 3 : i32
      %get3A_1360 = arith.index_cast %get3A_1359 : i32 to index
      %get3A_1361 = arith.constant 0 : index
      %get3A_1362 = tpu.vector_load %arg16[%get3A_1360, %get3A_1361] {strides = array<i32>} : memref<32x16xf32, #tpu.memory_space<vmem>>, vector<16xf32>,
      %mul3A_1363 = arith.mulf %mul3A_1358, %get3A_1362 : vector<16xf32>
      %add3A_1364 = arith.addf %add3A_1349, %mul3A_1363 : vector<16xf32>
      %get3A_1365 = arith.constant 4 : i32
      %get3A_1366 = arith.index_cast %get3A_1365 : i32 to index
      %get3A_1367 = arith.index_cast %mul3A_1304 : i32 to index
      %get3A_1368 = tpu.vector_load %arg12[%get3A_1366, %get3A_1367] {strides = array<i32>} : memref<32x512xf32, #tpu.memory_space<vmem>>, vector<16xf32>,
      %get3A_1369 = arith.constant 4 : i32
      %get3A_1370 = arith.index_cast %get3A_1369 : i32 to index
      %get3A_1371 = arith.index_cast %mul3A_1304 : i32 to index
      %get3A_1372 = tpu.vector_load %arg13[%get3A_1370, %get3A_1371] {strides = array<i32>} : memref<32x512xf32, #tpu.memory_space<vmem>>, vector<16xf32>,
      %mul3A_1373 = arith.mulf %get3A_1368, %get3A_1372 : vector<16xf32>
      %get3A_1374 = arith.constant 4 : i32
      %get3A_1375 = arith.index_cast %get3A_1374 : i32 to index
      %get3A_1376 = arith.constant 0 : index
      %get3A_1377 = tpu.vector_load %arg16[%get3A_1375, %get3A_1376] {strides = array<i32>} : memref<32x16xf32, #tpu.memory_space<vmem>>, vector<16xf32>,
      %mul3A_1378 = arith.mulf %mul3A_1373, %get3A_1377 : vector<16xf32>
      %add3A_1379 = arith.addf %add3A_1364, %mul3A_1378 : vector<16xf32>
      %get3A_1380 = arith.constant 5 : i32
      %get3A_1381 = arith.index_cast %get3A_1380 : i32 to index
      %get3A_1382 = arith.index_cast %mul3A_1304 : i32 to index
      %get3A_1383 = tpu.vector_load %arg12[%get3A_1381, %get3A_1382] {strides = array<i32>} : memref<32x512xf32, #tpu.memory_space<vmem>>, vector<16xf32>,
      %get3A_1384 = arith.constant 5 : i32
      %get3A_1385 = arith.index_cast %get3A_1384 : i32 to index
      %get3A_1386 = arith.index_cast %mul3A_1304 : i32 to index
      %get3A_1387 = tpu.vector_load %arg13[%get3A_1385, %get3A_1386] {strides = array<i32>} : memref<32x512xf32, #tpu.memory_space<vmem>>, vector<16xf32>,
      %mul3A_1388 = arith.mulf %get3A_1383, %get3A_1387 : vector<16xf32>
      %get3A_1389 = arith.constant 5 : i32
      %get3A_1390 = arith.index_cast %get3A_1389 : i32 to index
      %get3A_1391 = arith.constant 0 : index
      %get3A_1392 = tpu.vector_load %arg16[%get3A_1390, %get3A_1391] {strides = array<i32>} : memref<32x16xf32, #tpu.memory_space<vmem>>, vector<16xf32>,
      %mul3A_1393 = arith.mulf %mul3A_1388, %get3A_1392 : vector<16xf32>
      %add3A_1394 = arith.addf %add3A_1379, %mul3A_1393 : vector<16xf32>
      %get3A_1395 = arith.constant 6 : i32
      %get3A_1396 = arith.index_cast %get3A_1395 : i32 to index
      %get3A_1397 = arith.index_cast %mul3A_1304 : i32 to index
      %get3A_1398 = tpu.vector_load %arg12[%get3A_1396, %get3A_1397] {strides = array<i32>} : memref<32x512xf32, #tpu.memory_space<vmem>>, vector<16xf32>,
      %get3A_1399 = arith.constant 6 : i32
      %get3A_1400 = arith.index_cast %get3A_1399 : i32 to index
      %get3A_1401 = arith.index_cast %mul3A_1304 : i32 to index
      %get3A_1402 = tpu.vector_load %arg13[%get3A_1400, %get3A_1401] {strides = array<i32>} : memref<32x512xf32, #tpu.memory_space<vmem>>, vector<16xf32>,
      %mul3A_1403 = arith.mulf %get3A_1398, %get3A_1402 : vector<16xf32>
      %get3A_1404 = arith.constant 6 : i32
      %get3A_1405 = arith.index_cast %get3A_1404 : i32 to index
      %get3A_1406 = arith.constant 0 : index
      %get3A_1407 = tpu.vector_load %arg16[%get3A_1405, %get3A_1406] {strides = array<i32>} : memref<32x16xf32, #tpu.memory_space<vmem>>, vector<16xf32>,
      %mul3A_1408 = arith.mulf %mul3A_1403, %get3A_1407 : vector<16xf32>
      %add3A_1409 = arith.addf %add3A_1394, %mul3A_1408 : vector<16xf32>
      %get3A_1410 = arith.constant 7 : i32
      %get3A_1411 = arith.index_cast %get3A_1410 : i32 to index
      %get3A_1412 = arith.index_cast %mul3A_1304 : i32 to index
      %get3A_1413 = tpu.vector_load %arg12[%get3A_1411, %get3A_1412] {strides = array<i32>} : memref<32x512xf32, #tpu.memory_space<vmem>>, vector<16xf32>,
      %get3A_1414 = arith.constant 7 : i32
      %get3A_1415 = arith.index_cast %get3A_1414 : i32 to index
      %get3A_1416 = arith.index_cast %mul3A_1304 : i32 to index
      %get3A_1417 = tpu.vector_load %arg13[%get3A_1415, %get3A_1416] {strides = array<i32>} : memref<32x512xf32, #tpu.memory_space<vmem>>, vector<16xf32>,
      %mul3A_1418 = arith.mulf %get3A_1413, %get3A_1417 : vector<16xf32>
      %get3A_1419 = arith.constant 7 : i32
      %get3A_1420 = arith.index_cast %get3A_1419 : i32 to index
      %get3A_1421 = arith.constant 0 : index
      %get3A_1422 = tpu.vector_load %arg16[%get3A_1420, %get3A_1421] {strides = array<i32>} : memref<32x16xf32, #tpu.memory_space<vmem>>, vector<16xf32>,
      %mul3A_1423 = arith.mulf %mul3A_1418, %get3A_1422 : vector<16xf32>
      %add3A_1424 = arith.addf %add3A_1409, %mul3A_1423 : vector<16xf32>
      %get3A_1425 = arith.constant 8 : i32
      %get3A_1426 = arith.index_cast %get3A_1425 : i32 to index
      %get3A_1427 = arith.index_cast %mul3A_1304 : i32 to index
      %get3A_1428 = tpu.vector_load %arg12[%get3A_1426, %get3A_1427] {strides = array<i32>} : memref<32x512xf32, #tpu.memory_space<vmem>>, vector<16xf32>,
      %get3A_1429 = arith.constant 8 : i32
      %get3A_1430 = arith.index_cast %get3A_1429 : i32 to index
      %get3A_1431 = arith.index_cast %mul3A_1304 : i32 to index
      %get3A_1432 = tpu.vector_load %arg13[%get3A_1430, %get3A_1431] {strides = array<i32>} : memref<32x512xf32, #tpu.memory_space<vmem>>, vector<16xf32>,
      %mul3A_1433 = arith.mulf %get3A_1428, %get3A_1432 : vector<16xf32>
      %get3A_1434 = arith.constant 8 : i32
      %get3A_1435 = arith.index_cast %get3A_1434 : i32 to index
      %get3A_1436 = arith.constant 0 : index
      %get3A_1437 = tpu.vector_load %arg16[%get3A_1435, %get3A_1436] {strides = array<i32>} : memref<32x16xf32, #tpu.memory_space<vmem>>, vector<16xf32>,
      %mul3A_1438 = arith.mulf %mul3A_1433, %get3A_1437 : vector<16xf32>
      %add3A_1439 = arith.addf %add3A_1424, %mul3A_1438 : vector<16xf32>
      %get3A_1440 = arith.constant 9 : i32
      %get3A_1441 = arith.index_cast %get3A_1440 : i32 to index
      %get3A_1442 = arith.index_cast %mul3A_1304 : i32 to index
      %get3A_1443 = tpu.vector_load %arg12[%get3A_1441, %get3A_1442] {strides = array<i32>} : memref<32x512xf32, #tpu.memory_space<vmem>>, vector<16xf32>,
      %get3A_1444 = arith.constant 9 : i32
      %get3A_1445 = arith.index_cast %get3A_1444 : i32 to index
      %get3A_1446 = arith.index_cast %mul3A_1304 : i32 to index
      %get3A_1447 = tpu.vector_load %arg13[%get3A_1445, %get3A_1446] {strides = array<i32>} : memref<32x512xf32, #tpu.memory_space<vmem>>, vector<16xf32>,
      %mul3A_1448 = arith.mulf %get3A_1443, %get3A_1447 : vector<16xf32>
      %get3A_1449 = arith.constant 9 : i32
      %get3A_1450 = arith.index_cast %get3A_1449 : i32 to index
      %get3A_1451 = arith.constant 0 : index
      %get3A_1452 = tpu.vector_load %arg16[%get3A_1450, %get3A_1451] {strides = array<i32>} : memref<32x16xf32, #tpu.memory_space<vmem>>, vector<16xf32>,
      %mul3A_1453 = arith.mulf %mul3A_1448, %get3A_1452 : vector<16xf32>
      %add3A_1454 = arith.addf %add3A_1439, %mul3A_1453 : vector<16xf32>
      %get3A_1455 = arith.constant 10 : i32
      %get3A_1456 = arith.index_cast %get3A_1455 : i32 to index
      %get3A_1457 = arith.index_cast %mul3A_1304 : i32 to index
      %get3A_1458 = tpu.vector_load %arg12[%get3A_1456, %get3A_1457] {strides = array<i32>} : memref<32x512xf32, #tpu.memory_space<vmem>>, vector<16xf32>,
      %get3A_1459 = arith.constant 10 : i32
      %get3A_1460 = arith.index_cast %get3A_1459 : i32 to index
      %get3A_1461 = arith.index_cast %mul3A_1304 : i32 to index
      %get3A_1462 = tpu.vector_load %arg13[%get3A_1460, %get3A_1461] {strides = array<i32>} : memref<32x512xf32, #tpu.memory_space<vmem>>, vector<16xf32>,
      %mul3A_1463 = arith.mulf %get3A_1458, %get3A_1462 : vector<16xf32>
      %get3A_1464 = arith.constant 10 : i32
      %get3A_1465 = arith.index_cast %get3A_1464 : i32 to index
      %get3A_1466 = arith.constant 0 : index
      %get3A_1467 = tpu.vector_load %arg16[%get3A_1465, %get3A_1466] {strides = array<i32>} : memref<32x16xf32, #tpu.memory_space<vmem>>, vector<16xf32>,
      %mul3A_1468 = arith.mulf %mul3A_1463, %get3A_1467 : vector<16xf32>
      %add3A_1469 = arith.addf %add3A_1454, %mul3A_1468 : vector<16xf32>
      %get3A_1470 = arith.constant 11 : i32
      %get3A_1471 = arith.index_cast %get3A_1470 : i32 to index
      %get3A_1472 = arith.index_cast %mul3A_1304 : i32 to index
      %get3A_1473 = tpu.vector_load %arg12[%get3A_1471, %get3A_1472] {strides = array<i32>} : memref<32x512xf32, #tpu.memory_space<vmem>>, vector<16xf32>,
      %get3A_1474 = arith.constant 11 : i32
      %get3A_1475 = arith.index_cast %get3A_1474 : i32 to index
      %get3A_1476 = arith.index_cast %mul3A_1304 : i32 to index
      %get3A_1477 = tpu.vector_load %arg13[%get3A_1475, %get3A_1476] {strides = array<i32>} : memref<32x512xf32, #tpu.memory_space<vmem>>, vector<16xf32>,
      %mul3A_1478 = arith.mulf %get3A_1473, %get3A_1477 : vector<16xf32>
      %get3A_1479 = arith.constant 11 : i32
      %get3A_1480 = arith.index_cast %get3A_1479 : i32 to index
      %get3A_1481 = arith.constant 0 : index
      %get3A_1482 = tpu.vector_load %arg16[%get3A_1480, %get3A_1481] {strides = array<i32>} : memref<32x16xf32, #tpu.memory_space<vmem>>, vector<16xf32>,
      %mul3A_1483 = arith.mulf %mul3A_1478, %get3A_1482 : vector<16xf32>
      %add3A_1484 = arith.addf %add3A_1469, %mul3A_1483 : vector<16xf32>
      %get3A_1485 = arith.constant 12 : i32
      %get3A_1486 = arith.index_cast %get3A_1485 : i32 to index
      %get3A_1487 = arith.index_cast %mul3A_1304 : i32 to index
      %get3A_1488 = tpu.vector_load %arg12[%get3A_1486, %get3A_1487] {strides = array<i32>} : memref<32x512xf32, #tpu.memory_space<vmem>>, vector<16xf32>,
      %get3A_1489 = arith.constant 12 : i32
      %get3A_1490 = arith.index_cast %get3A_1489 : i32 to index
      %get3A_1491 = arith.index_cast %mul3A_1304 : i32 to index
      %get3A_1492 = tpu.vector_load %arg13[%get3A_1490, %get3A_1491] {strides = array<i32>} : memref<32x512xf32, #tpu.memory_space<vmem>>, vector<16xf32>,
      %mul3A_1493 = arith.mulf %get3A_1488, %get3A_1492 : vector<16xf32>
      %get3A_1494 = arith.constant 12 : i32
      %get3A_1495 = arith.index_cast %get3A_1494 : i32 to index
      %get3A_1496 = arith.constant 0 : index
      %get3A_1497 = tpu.vector_load %arg16[%get3A_1495, %get3A_1496] {strides = array<i32>} : memref<32x16xf32, #tpu.memory_space<vmem>>, vector<16xf32>,
      %mul3A_1498 = arith.mulf %mul3A_1493, %get3A_1497 : vector<16xf32>
      %add3A_1499 = arith.addf %add3A_1484, %mul3A_1498 : vector<16xf32>
      %get3A_1500 = arith.constant 13 : i32
      %get3A_1501 = arith.index_cast %get3A_1500 : i32 to index
      %get3A_1502 = arith.index_cast %mul3A_1304 : i32 to index
      %get3A_1503 = tpu.vector_load %arg12[%get3A_1501, %get3A_1502] {strides = array<i32>} : memref<32x512xf32, #tpu.memory_space<vmem>>, vector<16xf32>,
      %get3A_1504 = arith.constant 13 : i32
      %get3A_1505 = arith.index_cast %get3A_1504 : i32 to index
      %get3A_1506 = arith.index_cast %mul3A_1304 : i32 to index
      %get3A_1507 = tpu.vector_load %arg13[%get3A_1505, %get3A_1506] {strides = array<i32>} : memref<32x512xf32, #tpu.memory_space<vmem>>, vector<16xf32>,
      %mul3A_1508 = arith.mulf %get3A_1503, %get3A_1507 : vector<16xf32>
      %get3A_1509 = arith.constant 13 : i32
      %get3A_1510 = arith.index_cast %get3A_1509 : i32 to index
      %get3A_1511 = arith.constant 0 : index
      %get3A_1512 = tpu.vector_load %arg16[%get3A_1510, %get3A_1511] {strides = array<i32>} : memref<32x16xf32, #tpu.memory_space<vmem>>, vector<16xf32>,
      %mul3A_1513 = arith.mulf %mul3A_1508, %get3A_1512 : vector<16xf32>
      %add3A_1514 = arith.addf %add3A_1499, %mul3A_1513 : vector<16xf32>
      %get3A_1515 = arith.constant 14 : i32
      %get3A_1516 = arith.index_cast %get3A_1515 : i32 to index
      %get3A_1517 = arith.index_cast %mul3A_1304 : i32 to index
      %get3A_1518 = tpu.vector_load %arg12[%get3A_1516, %get3A_1517] {strides = array<i32>} : memref<32x512xf32, #tpu.memory_space<vmem>>, vector<16xf32>,
      %get3A_1519 = arith.constant 14 : i32
      %get3A_1520 = arith.index_cast %get3A_1519 : i32 to index
      %get3A_1521 = arith.index_cast %mul3A_1304 : i32 to index
      %get3A_1522 = tpu.vector_load %arg13[%get3A_1520, %get3A_1521] {strides = array<i32>} : memref<32x512xf32, #tpu.memory_space<vmem>>, vector<16xf32>,
      %mul3A_1523 = arith.mulf %get3A_1518, %get3A_1522 : vector<16xf32>
      %get3A_1524 = arith.constant 14 : i32
      %get3A_1525 = arith.index_cast %get3A_1524 : i32 to index
      %get3A_1526 = arith.constant 0 : index
      %get3A_1527 = tpu.vector_load %arg16[%get3A_1525, %get3A_1526] {strides = array<i32>} : memref<32x16xf32, #tpu.memory_space<vmem>>, vector<16xf32>,
      %mul3A_1528 = arith.mulf %mul3A_1523, %get3A_1527 : vector<16xf32>
      %add3A_1529 = arith.addf %add3A_1514, %mul3A_1528 : vector<16xf32>
      %get3A_1530 = arith.constant 15 : i32
      %get3A_1531 = arith.index_cast %get3A_1530 : i32 to index
      %get3A_1532 = arith.index_cast %mul3A_1304 : i32 to index
      %get3A_1533 = tpu.vector_load %arg12[%get3A_1531, %get3A_1532] {strides = array<i32>} : memref<32x512xf32, #tpu.memory_space<vmem>>, vector<16xf32>,
      %get3A_1534 = arith.constant 15 : i32
      %get3A_1535 = arith.index_cast %get3A_1534 : i32 to index
      %get3A_1536 = arith.index_cast %mul3A_1304 : i32 to index
      %get3A_1537 = tpu.vector_load %arg13[%get3A_1535, %get3A_1536] {strides = array<i32>} : memref<32x512xf32, #tpu.memory_space<vmem>>, vector<16xf32>,
      %mul3A_1538 = arith.mulf %get3A_1533, %get3A_1537 : vector<16xf32>
      %get3A_1539 = arith.constant 15 : i32
      %get3A_1540 = arith.index_cast %get3A_1539 : i32 to index
      %get3A_1541 = arith.constant 0 : index
      %get3A_1542 = tpu.vector_load %arg16[%get3A_1540, %get3A_1541] {strides = array<i32>} : memref<32x16xf32, #tpu.memory_space<vmem>>, vector<16xf32>,
      %mul3A_1543 = arith.mulf %mul3A_1538, %get3A_1542 : vector<16xf32>
      %add3A_1544 = arith.addf %add3A_1529, %mul3A_1543 : vector<16xf32>
      %get3A_1545 = arith.constant 16 : i32
      %get3A_1546 = arith.index_cast %get3A_1545 : i32 to index
      %get3A_1547 = arith.index_cast %mul3A_1304 : i32 to index
      %get3A_1548 = tpu.vector_load %arg12[%get3A_1546, %get3A_1547] {strides = array<i32>} : memref<32x512xf32, #tpu.memory_space<vmem>>, vector<16xf32>,
      %get3A_1549 = arith.constant 16 : i32
      %get3A_1550 = arith.index_cast %get3A_1549 : i32 to index
      %get3A_1551 = arith.index_cast %mul3A_1304 : i32 to index
      %get3A_1552 = tpu.vector_load %arg13[%get3A_1550, %get3A_1551] {strides = array<i32>} : memref<32x512xf32, #tpu.memory_space<vmem>>, vector<16xf32>,
      %mul3A_1553 = arith.mulf %get3A_1548, %get3A_1552 : vector<16xf32>
      %get3A_1554 = arith.constant 16 : i32
      %get3A_1555 = arith.index_cast %get3A_1554 : i32 to index
      %get3A_1556 = arith.constant 0 : index
      %get3A_1557 = tpu.vector_load %arg16[%get3A_1555, %get3A_1556] {strides = array<i32>} : memref<32x16xf32, #tpu.memory_space<vmem>>, vector<16xf32>,
      %mul3A_1558 = arith.mulf %mul3A_1553, %get3A_1557 : vector<16xf32>
      %add3A_1559 = arith.addf %add3A_1544, %mul3A_1558 : vector<16xf32>
      %get3A_1560 = arith.constant 17 : i32
      %get3A_1561 = arith.index_cast %get3A_1560 : i32 to index
      %get3A_1562 = arith.index_cast %mul3A_1304 : i32 to index
      %get3A_1563 = tpu.vector_load %arg12[%get3A_1561, %get3A_1562] {strides = array<i32>} : memref<32x512xf32, #tpu.memory_space<vmem>>, vector<16xf32>,
      %get3A_1564 = arith.constant 17 : i32
      %get3A_1565 = arith.index_cast %get3A_1564 : i32 to index
      %get3A_1566 = arith.index_cast %mul3A_1304 : i32 to index
      %get3A_1567 = tpu.vector_load %arg13[%get3A_1565, %get3A_1566] {strides = array<i32>} : memref<32x512xf32, #tpu.memory_space<vmem>>, vector<16xf32>,
      %mul3A_1568 = arith.mulf %get3A_1563, %get3A_1567 : vector<16xf32>
      %get3A_1569 = arith.constant 17 : i32
      %get3A_1570 = arith.index_cast %get3A_1569 : i32 to index
      %get3A_1571 = arith.constant 0 : index
      %get3A_1572 = tpu.vector_load %arg16[%get3A_1570, %get3A_1571] {strides = array<i32>} : memref<32x16xf32, #tpu.memory_space<vmem>>, vector<16xf32>,
      %mul3A_1573 = arith.mulf %mul3A_1568, %get3A_1572 : vector<16xf32>
      %add3A_1574 = arith.addf %add3A_1559, %mul3A_1573 : vector<16xf32>
      %get3A_1575 = arith.constant 18 : i32
      %get3A_1576 = arith.index_cast %get3A_1575 : i32 to index
      %get3A_1577 = arith.index_cast %mul3A_1304 : i32 to index
      %get3A_1578 = tpu.vector_load %arg12[%get3A_1576, %get3A_1577] {strides = array<i32>} : memref<32x512xf32, #tpu.memory_space<vmem>>, vector<16xf32>,
      %get3A_1579 = arith.constant 18 : i32
      %get3A_1580 = arith.index_cast %get3A_1579 : i32 to index
      %get3A_1581 = arith.index_cast %mul3A_1304 : i32 to index
      %get3A_1582 = tpu.vector_load %arg13[%get3A_1580, %get3A_1581] {strides = array<i32>} : memref<32x512xf32, #tpu.memory_space<vmem>>, vector<16xf32>,
      %mul3A_1583 = arith.mulf %get3A_1578, %get3A_1582 : vector<16xf32>
      %get3A_1584 = arith.constant 18 : i32
      %get3A_1585 = arith.index_cast %get3A_1584 : i32 to index
      %get3A_1586 = arith.constant 0 : index
      %get3A_1587 = tpu.vector_load %arg16[%get3A_1585, %get3A_1586] {strides = array<i32>} : memref<32x16xf32, #tpu.memory_space<vmem>>, vector<16xf32>,
      %mul3A_1588 = arith.mulf %mul3A_1583, %get3A_1587 : vector<16xf32>
      %add3A_1589 = arith.addf %add3A_1574, %mul3A_1588 : vector<16xf32>
      %get3A_1590 = arith.constant 19 : i32
      %get3A_1591 = arith.index_cast %get3A_1590 : i32 to index
      %get3A_1592 = arith.index_cast %mul3A_1304 : i32 to index
      %get3A_1593 = tpu.vector_load %arg12[%get3A_1591, %get3A_1592] {strides = array<i32>} : memref<32x512xf32, #tpu.memory_space<vmem>>, vector<16xf32>,
      %get3A_1594 = arith.constant 19 : i32
      %get3A_1595 = arith.index_cast %get3A_1594 : i32 to index
      %get3A_1596 = arith.index_cast %mul3A_1304 : i32 to index
      %get3A_1597 = tpu.vector_load %arg13[%get3A_1595, %get3A_1596] {strides = array<i32>} : memref<32x512xf32, #tpu.memory_space<vmem>>, vector<16xf32>,
      %mul3A_1598 = arith.mulf %get3A_1593, %get3A_1597 : vector<16xf32>
      %get3A_1599 = arith.constant 19 : i32
      %get3A_1600 = arith.index_cast %get3A_1599 : i32 to index
      %get3A_1601 = arith.constant 0 : index
      %get3A_1602 = tpu.vector_load %arg16[%get3A_1600, %get3A_1601] {strides = array<i32>} : memref<32x16xf32, #tpu.memory_space<vmem>>, vector<16xf32>,
      %mul3A_1603 = arith.mulf %mul3A_1598, %get3A_1602 : vector<16xf32>
      %add3A_1604 = arith.addf %add3A_1589, %mul3A_1603 : vector<16xf32>
      %get3A_1605 = arith.constant 20 : i32
      %get3A_1606 = arith.index_cast %get3A_1605 : i32 to index
      %get3A_1607 = arith.index_cast %mul3A_1304 : i32 to index
      %get3A_1608 = tpu.vector_load %arg12[%get3A_1606, %get3A_1607] {strides = array<i32>} : memref<32x512xf32, #tpu.memory_space<vmem>>, vector<16xf32>,
      %get3A_1609 = arith.constant 20 : i32
      %get3A_1610 = arith.index_cast %get3A_1609 : i32 to index
      %get3A_1611 = arith.index_cast %mul3A_1304 : i32 to index
      %get3A_1612 = tpu.vector_load %arg13[%get3A_1610, %get3A_1611] {strides = array<i32>} : memref<32x512xf32, #tpu.memory_space<vmem>>, vector<16xf32>,
      %mul3A_1613 = arith.mulf %get3A_1608, %get3A_1612 : vector<16xf32>
      %get3A_1614 = arith.constant 20 : i32
      %get3A_1615 = arith.index_cast %get3A_1614 : i32 to index
      %get3A_1616 = arith.constant 0 : index
      %get3A_1617 = tpu.vector_load %arg16[%get3A_1615, %get3A_1616] {strides = array<i32>} : memref<32x16xf32, #tpu.memory_space<vmem>>, vector<16xf32>,
      %mul3A_1618 = arith.mulf %mul3A_1613, %get3A_1617 : vector<16xf32>
      %add3A_1619 = arith.addf %add3A_1604, %mul3A_1618 : vector<16xf32>
      %get3A_1620 = arith.constant 21 : i32
      %get3A_1621 = arith.index_cast %get3A_1620 : i32 to index
      %get3A_1622 = arith.index_cast %mul3A_1304 : i32 to index
      %get3A_1623 = tpu.vector_load %arg12[%get3A_1621, %get3A_1622] {strides = array<i32>} : memref<32x512xf32, #tpu.memory_space<vmem>>, vector<16xf32>,
      %get3A_1624 = arith.constant 21 : i32
      %get3A_1625 = arith.index_cast %get3A_1624 : i32 to index
      %get3A_1626 = arith.index_cast %mul3A_1304 : i32 to index
      %get3A_1627 = tpu.vector_load %arg13[%get3A_1625, %get3A_1626] {strides = array<i32>} : memref<32x512xf32, #tpu.memory_space<vmem>>, vector<16xf32>,
      %mul3A_1628 = arith.mulf %get3A_1623, %get3A_1627 : vector<16xf32>
      %get3A_1629 = arith.constant 21 : i32
      %get3A_1630 = arith.index_cast %get3A_1629 : i32 to index
      %get3A_1631 = arith.constant 0 : index
      %get3A_1632 = tpu.vector_load %arg16[%get3A_1630, %get3A_1631] {strides = array<i32>} : memref<32x16xf32, #tpu.memory_space<vmem>>, vector<16xf32>,
      %mul3A_1633 = arith.mulf %mul3A_1628, %get3A_1632 : vector<16xf32>
      %add3A_1634 = arith.addf %add3A_1619, %mul3A_1633 : vector<16xf32>
      %get3A_1635 = arith.constant 22 : i32
      %get3A_1636 = arith.index_cast %get3A_1635 : i32 to index
      %get3A_1637 = arith.index_cast %mul3A_1304 : i32 to index
      %get3A_1638 = tpu.vector_load %arg12[%get3A_1636, %get3A_1637] {strides = array<i32>} : memref<32x512xf32, #tpu.memory_space<vmem>>, vector<16xf32>,
      %get3A_1639 = arith.constant 22 : i32
      %get3A_1640 = arith.index_cast %get3A_1639 : i32 to index
      %get3A_1641 = arith.index_cast %mul3A_1304 : i32 to index
      %get3A_1642 = tpu.vector_load %arg13[%get3A_1640, %get3A_1641] {strides = array<i32>} : memref<32x512xf32, #tpu.memory_space<vmem>>, vector<16xf32>,
      %mul3A_1643 = arith.mulf %get3A_1638, %get3A_1642 : vector<16xf32>
      %get3A_1644 = arith.constant 22 : i32
      %get3A_1645 = arith.index_cast %get3A_1644 : i32 to index
      %get3A_1646 = arith.constant 0 : index
      %get3A_1647 = tpu.vector_load %arg16[%get3A_1645, %get3A_1646] {strides = array<i32>} : memref<32x16xf32, #tpu.memory_space<vmem>>, vector<16xf32>,
      %mul3A_1648 = arith.mulf %mul3A_1643, %get3A_1647 : vector<16xf32>
      %add3A_1649 = arith.addf %add3A_1634, %mul3A_1648 : vector<16xf32>
      %get3A_1650 = arith.constant 23 : i32
      %get3A_1651 = arith.index_cast %get3A_1650 : i32 to index
      %get3A_1652 = arith.index_cast %mul3A_1304 : i32 to index
      %get3A_1653 = tpu.vector_load %arg12[%get3A_1651, %get3A_1652] {strides = array<i32>} : memref<32x512xf32, #tpu.memory_space<vmem>>, vector<16xf32>,
      %get3A_1654 = arith.constant 23 : i32
      %get3A_1655 = arith.index_cast %get3A_1654 : i32 to index
      %get3A_1656 = arith.index_cast %mul3A_1304 : i32 to index
      %get3A_1657 = tpu.vector_load %arg13[%get3A_1655, %get3A_1656] {strides = array<i32>} : memref<32x512xf32, #tpu.memory_space<vmem>>, vector<16xf32>,
      %mul3A_1658 = arith.mulf %get3A_1653, %get3A_1657 : vector<16xf32>
      %get3A_1659 = arith.constant 23 : i32
      %get3A_1660 = arith.index_cast %get3A_1659 : i32 to index
      %get3A_1661 = arith.constant 0 : index
      %get3A_1662 = tpu.vector_load %arg16[%get3A_1660, %get3A_1661] {strides = array<i32>} : memref<32x16xf32, #tpu.memory_space<vmem>>, vector<16xf32>,
      %mul3A_1663 = arith.mulf %mul3A_1658, %get3A_1662 : vector<16xf32>
      %add3A_1664 = arith.addf %add3A_1649, %mul3A_1663 : vector<16xf32>
      %get3A_1665 = arith.constant 24 : i32
      %get3A_1666 = arith.index_cast %get3A_1665 : i32 to index
      %get3A_1667 = arith.index_cast %mul3A_1304 : i32 to index
      %get3A_1668 = tpu.vector_load %arg12[%get3A_1666, %get3A_1667] {strides = array<i32>} : memref<32x512xf32, #tpu.memory_space<vmem>>, vector<16xf32>,
      %get3A_1669 = arith.constant 24 : i32
      %get3A_1670 = arith.index_cast %get3A_1669 : i32 to index
      %get3A_1671 = arith.index_cast %mul3A_1304 : i32 to index
      %get3A_1672 = tpu.vector_load %arg13[%get3A_1670, %get3A_1671] {strides = array<i32>} : memref<32x512xf32, #tpu.memory_space<vmem>>, vector<16xf32>,
      %mul3A_1673 = arith.mulf %get3A_1668, %get3A_1672 : vector<16xf32>
      %get3A_1674 = arith.constant 24 : i32
      %get3A_1675 = arith.index_cast %get3A_1674 : i32 to index
      %get3A_1676 = arith.constant 0 : index
      %get3A_1677 = tpu.vector_load %arg16[%get3A_1675, %get3A_1676] {strides = array<i32>} : memref<32x16xf32, #tpu.memory_space<vmem>>, vector<16xf32>,
      %mul3A_1678 = arith.mulf %mul3A_1673, %get3A_1677 : vector<16xf32>
      %add3A_1679 = arith.addf %add3A_1664, %mul3A_1678 : vector<16xf32>
      %get3A_1680 = arith.constant 25 : i32
      %get3A_1681 = arith.index_cast %get3A_1680 : i32 to index
      %get3A_1682 = arith.index_cast %mul3A_1304 : i32 to index
      %get3A_1683 = tpu.vector_load %arg12[%get3A_1681, %get3A_1682] {strides = array<i32>} : memref<32x512xf32, #tpu.memory_space<vmem>>, vector<16xf32>,
      %get3A_1684 = arith.constant 25 : i32
      %get3A_1685 = arith.index_cast %get3A_1684 : i32 to index
      %get3A_1686 = arith.index_cast %mul3A_1304 : i32 to index
      %get3A_1687 = tpu.vector_load %arg13[%get3A_1685, %get3A_1686] {strides = array<i32>} : memref<32x512xf32, #tpu.memory_space<vmem>>, vector<16xf32>,
      %mul3A_1688 = arith.mulf %get3A_1683, %get3A_1687 : vector<16xf32>
      %get3A_1689 = arith.constant 25 : i32
      %get3A_1690 = arith.index_cast %get3A_1689 : i32 to index
      %get3A_1691 = arith.constant 0 : index
      %get3A_1692 = tpu.vector_load %arg16[%get3A_1690, %get3A_1691] {strides = array<i32>} : memref<32x16xf32, #tpu.memory_space<vmem>>, vector<16xf32>,
      %mul3A_1693 = arith.mulf %mul3A_1688, %get3A_1692 : vector<16xf32>
      %add3A_1694 = arith.addf %add3A_1679, %mul3A_1693 : vector<16xf32>
      %get3A_1695 = arith.constant 26 : i32
      %get3A_1696 = arith.index_cast %get3A_1695 : i32 to index
      %get3A_1697 = arith.index_cast %mul3A_1304 : i32 to index
      %get3A_1698 = tpu.vector_load %arg12[%get3A_1696, %get3A_1697] {strides = array<i32>} : memref<32x512xf32, #tpu.memory_space<vmem>>, vector<16xf32>,
      %get3A_1699 = arith.constant 26 : i32
      %get3A_1700 = arith.index_cast %get3A_1699 : i32 to index
      %get3A_1701 = arith.index_cast %mul3A_1304 : i32 to index
      %get3A_1702 = tpu.vector_load %arg13[%get3A_1700, %get3A_1701] {strides = array<i32>} : memref<32x512xf32, #tpu.memory_space<vmem>>, vector<16xf32>,
      %mul3A_1703 = arith.mulf %get3A_1698, %get3A_1702 : vector<16xf32>
      %get3A_1704 = arith.constant 26 : i32
      %get3A_1705 = arith.index_cast %get3A_1704 : i32 to index
      %get3A_1706 = arith.constant 0 : index
      %get3A_1707 = tpu.vector_load %arg16[%get3A_1705, %get3A_1706] {strides = array<i32>} : memref<32x16xf32, #tpu.memory_space<vmem>>, vector<16xf32>,
      %mul3A_1708 = arith.mulf %mul3A_1703, %get3A_1707 : vector<16xf32>
      %add3A_1709 = arith.addf %add3A_1694, %mul3A_1708 : vector<16xf32>
      %get3A_1710 = arith.constant 27 : i32
      %get3A_1711 = arith.index_cast %get3A_1710 : i32 to index
      %get3A_1712 = arith.index_cast %mul3A_1304 : i32 to index
      %get3A_1713 = tpu.vector_load %arg12[%get3A_1711, %get3A_1712] {strides = array<i32>} : memref<32x512xf32, #tpu.memory_space<vmem>>, vector<16xf32>,
      %get3A_1714 = arith.constant 27 : i32
      %get3A_1715 = arith.index_cast %get3A_1714 : i32 to index
      %get3A_1716 = arith.index_cast %mul3A_1304 : i32 to index
      %get3A_1717 = tpu.vector_load %arg13[%get3A_1715, %get3A_1716] {strides = array<i32>} : memref<32x512xf32, #tpu.memory_space<vmem>>, vector<16xf32>,
      %mul3A_1718 = arith.mulf %get3A_1713, %get3A_1717 : vector<16xf32>
      %get3A_1719 = arith.constant 27 : i32
      %get3A_1720 = arith.index_cast %get3A_1719 : i32 to index
      %get3A_1721 = arith.constant 0 : index
      %get3A_1722 = tpu.vector_load %arg16[%get3A_1720, %get3A_1721] {strides = array<i32>} : memref<32x16xf32, #tpu.memory_space<vmem>>, vector<16xf32>,
      %mul3A_1723 = arith.mulf %mul3A_1718, %get3A_1722 : vector<16xf32>
      %add3A_1724 = arith.addf %add3A_1709, %mul3A_1723 : vector<16xf32>
      %get3A_1725 = arith.constant 28 : i32
      %get3A_1726 = arith.index_cast %get3A_1725 : i32 to index
      %get3A_1727 = arith.index_cast %mul3A_1304 : i32 to index
      %get3A_1728 = tpu.vector_load %arg12[%get3A_1726, %get3A_1727] {strides = array<i32>} : memref<32x512xf32, #tpu.memory_space<vmem>>, vector<16xf32>,
      %get3A_1729 = arith.constant 28 : i32
      %get3A_1730 = arith.index_cast %get3A_1729 : i32 to index
      %get3A_1731 = arith.index_cast %mul3A_1304 : i32 to index
      %get3A_1732 = tpu.vector_load %arg13[%get3A_1730, %get3A_1731] {strides = array<i32>} : memref<32x512xf32, #tpu.memory_space<vmem>>, vector<16xf32>,
      %mul3A_1733 = arith.mulf %get3A_1728, %get3A_1732 : vector<16xf32>
      %get3A_1734 = arith.constant 28 : i32
      %get3A_1735 = arith.index_cast %get3A_1734 : i32 to index
      %get3A_1736 = arith.constant 0 : index
      %get3A_1737 = tpu.vector_load %arg16[%get3A_1735, %get3A_1736] {strides = array<i32>} : memref<32x16xf32, #tpu.memory_space<vmem>>, vector<16xf32>,
      %mul3A_1738 = arith.mulf %mul3A_1733, %get3A_1737 : vector<16xf32>
      %add3A_1739 = arith.addf %add3A_1724, %mul3A_1738 : vector<16xf32>
      %get3A_1740 = arith.constant 29 : i32
      %get3A_1741 = arith.index_cast %get3A_1740 : i32 to index
      %get3A_1742 = arith.index_cast %mul3A_1304 : i32 to index
      %get3A_1743 = tpu.vector_load %arg12[%get3A_1741, %get3A_1742] {strides = array<i32>} : memref<32x512xf32, #tpu.memory_space<vmem>>, vector<16xf32>,
      %get3A_1744 = arith.constant 29 : i32
      %get3A_1745 = arith.index_cast %get3A_1744 : i32 to index
      %get3A_1746 = arith.index_cast %mul3A_1304 : i32 to index
      %get3A_1747 = tpu.vector_load %arg13[%get3A_1745, %get3A_1746] {strides = array<i32>} : memref<32x512xf32, #tpu.memory_space<vmem>>, vector<16xf32>,
      %mul3A_1748 = arith.mulf %get3A_1743, %get3A_1747 : vector<16xf32>
      %get3A_1749 = arith.constant 29 : i32
      %get3A_1750 = arith.index_cast %get3A_1749 : i32 to index
      %get3A_1751 = arith.constant 0 : index
      %get3A_1752 = tpu.vector_load %arg16[%get3A_1750, %get3A_1751] {strides = array<i32>} : memref<32x16xf32, #tpu.memory_space<vmem>>, vector<16xf32>,
      %mul3A_1753 = arith.mulf %mul3A_1748, %get3A_1752 : vector<16xf32>
      %add3A_1754 = arith.addf %add3A_1739, %mul3A_1753 : vector<16xf32>
      %get3A_1755 = arith.constant 30 : i32
      %get3A_1756 = arith.index_cast %get3A_1755 : i32 to index
      %get3A_1757 = arith.index_cast %mul3A_1304 : i32 to index
      %get3A_1758 = tpu.vector_load %arg12[%get3A_1756, %get3A_1757] {strides = array<i32>} : memref<32x512xf32, #tpu.memory_space<vmem>>, vector<16xf32>,
      %get3A_1759 = arith.constant 30 : i32
      %get3A_1760 = arith.index_cast %get3A_1759 : i32 to index
      %get3A_1761 = arith.index_cast %mul3A_1304 : i32 to index
      %get3A_1762 = tpu.vector_load %arg13[%get3A_1760, %get3A_1761] {strides = array<i32>} : memref<32x512xf32, #tpu.memory_space<vmem>>, vector<16xf32>,
      %mul3A_1763 = arith.mulf %get3A_1758, %get3A_1762 : vector<16xf32>
      %get3A_1764 = arith.constant 30 : i32
      %get3A_1765 = arith.index_cast %get3A_1764 : i32 to index
      %get3A_1766 = arith.constant 0 : index
      %get3A_1767 = tpu.vector_load %arg16[%get3A_1765, %get3A_1766] {strides = array<i32>} : memref<32x16xf32, #tpu.memory_space<vmem>>, vector<16xf32>,
      %mul3A_1768 = arith.mulf %mul3A_1763, %get3A_1767 : vector<16xf32>
      %add3A_1769 = arith.addf %add3A_1754, %mul3A_1768 : vector<16xf32>
      %get3A_1770 = arith.constant 31 : i32
      %get3A_1771 = arith.index_cast %get3A_1770 : i32 to index
      %get3A_1772 = arith.index_cast %mul3A_1304 : i32 to index
      %get3A_1773 = tpu.vector_load %arg12[%get3A_1771, %get3A_1772] {strides = array<i32>} : memref<32x512xf32, #tpu.memory_space<vmem>>, vector<16xf32>,
      %get3A_1774 = arith.constant 31 : i32
      %get3A_1775 = arith.index_cast %get3A_1774 : i32 to index
      %get3A_1776 = arith.index_cast %mul3A_1304 : i32 to index
      %get3A_1777 = tpu.vector_load %arg13[%get3A_1775, %get3A_1776] {strides = array<i32>} : memref<32x512xf32, #tpu.memory_space<vmem>>, vector<16xf32>,
      %mul3A_1778 = arith.mulf %get3A_1773, %get3A_1777 : vector<16xf32>
      %get3A_1779 = arith.constant 31 : i32
      %get3A_1780 = arith.index_cast %get3A_1779 : i32 to index
      %get3A_1781 = arith.constant 0 : index
      %get3A_1782 = tpu.vector_load %arg16[%get3A_1780, %get3A_1781] {strides = array<i32>} : memref<32x16xf32, #tpu.memory_space<vmem>>, vector<16xf32>,
      %mul3A_1783 = arith.mulf %mul3A_1778, %get3A_1782 : vector<16xf32>
      %add3A_1784 = arith.addf %add3A_1769, %mul3A_1783 : vector<16xf32>
      %get3A_1785 = arith.index_cast %mul3A_1304 : i32 to index
      %get3A_1786 = tpu.vector_load %arg14[%get3A_1785] {strides = array<i32>} : memref<512xf32, #tpu.memory_space<vmem>>, vector<16xf32>,
      %add3A_1787 = arith.addf %add3A_1784, %get3A_1786 : vector<16xf32>
      %get3A_1788 = arith.index_cast %mul3A_1304 : i32 to index
      %get3A_1789 = tpu.vector_load %arg15[%get3A_1788] {strides = array<i32>} : memref<512xf32, #tpu.memory_space<vmem>>, vector<16xf32>,
      %add3A_1790 = arith.addf %add3A_1787, %get3A_1789 : vector<16xf32>
      %add3A_1791 = arith.constant 3.500000e+00 : f32
      %add3A_1792 = vector.broadcast %add3A_1791 : f32 to vector<16xf32>
      %add3A_1793 = arith.addf %add3A_1790, %add3A_1792 : vector<16xf32>
      %swap3A = arith.index_cast %mul3A_1304 : i32 to index
      %swap3A_1794 = tpu.vector_load %arg17[%swap3A] {strides = array<i32>} : memref<512xf32, #tpu.memory_space<vmem>>, vector<16xf32>,
      tpu.vector_store %arg17[%swap3A], %add3A_1793 {strides = array<i32>} : memref<512xf32, #tpu.memory_space<vmem>>, vector<16xf32>,
    }
    %scan3A_1301 = arith.constant 32 : i32
    "tpu.region"() ({
      %run_scoped3A = tpu.sem_alloc : memref<!tpu.dma_semaphore, #tpu.memory_space<semaphore_mem>>
      %dma_start3A_1302 = tpu.memref_slice %arg9[%mul3A_2] : memref<16384xf32, #tpu.memory_space<hbm>> -> memref<512xf32, #tpu.memory_space<hbm>>
      %dma_start3A_1303 = tpu.memref_slice %arg9[%mul3A_2] : memref<16384xf32, #tpu.memory_space<hbm>> -> memref<512xf32, #tpu.memory_space<hbm>>
      tpu.enqueue_dma source(%arg17 : memref<512xf32, #tpu.memory_space<vmem>>) target(%dma_start3A_1303 : memref<512xf32, #tpu.memory_space<hbm>>) target_semaphore(%run_scoped3A : memref<!tpu.dma_semaphore, #tpu.memory_space<semaphore_mem>>)
      %dma_wait3A_1304 = tpu.memref_slice %arg9[%mul3A_2] : memref<16384xf32, #tpu.memory_space<hbm>> -> memref<512xf32, #tpu.memory_space<hbm>>
      %dma_wait3A_1305 = tpu.memref_slice %arg9[%mul3A_2] : memref<16384xf32, #tpu.memory_space<hbm>> -> memref<512xf32, #tpu.memory_space<hbm>>
      tpu.wait_dma2 semaphore(%run_scoped3A : memref<!tpu.dma_semaphore, #tpu.memory_space<semaphore_mem>>) src(%arg17 : memref<512xf32, #tpu.memory_space<vmem>>) dst(%dma_wait3A_1305 : memref<512xf32, #tpu.memory_space<hbm>>)
      tpu.yield
    }) : () -> ()
    return
  }
}

</mosaic_0001>

<sc_bundles>
// kernel: _gmf_sc.3.cloned.1.call-start
scs
__scs_entry_jumppad:
0x0: {  	(pc) =	sbr.rel $0x88, $3  }
0x1: {  	(tag) =	ssettag $0x0;
	lr =	simm.s32 $0x1  }
0x2: {  	[smem:$0x3F9A] =	sst lr;
	_ =	strace $0xD0000000  }
0x3: {  	_ = 	snop  }
0x4: {  	_ = 	snop  }
0x5: {  	_ = 	snop  }
0x6: {  	_ = 	snop  }
0x7: {  	_ = 	snop  }
__scs_overlays_trampoline_lowered:
0x8: {  	[smem:$0x3FA9] =	sst s0  }
0x9: {  	[smem:$0x3FAA] =	sst s1  }
0xa: {  	[smem:$0x3FAB] =	sst s2  }
0xb: {  	[smem:$0x3FAC] =	sst s3  }
0xc: {  	[smem:$0x3FAD] =	sst s4  }
0xd: {  	[smem:$0x3FAE] =	sst s5  }
0xe: {  	[smem:$0x3FAF] =	sst s6  }
0xf: {  	[smem:$0x3FB0] =	sst s7  }
0x10: {  	[smem:$0x3FB1] =	sst s8  }
0x11: {  	[smem:$0x3FB2] =	sst s9;
	s0 =	simm.s32 @!p0 $0x0  }
0x12: {  	s1 =	sld [smem:$0x3F98];
	s0 =	simm.s32 @p0 $0x1  }
0x13: {  	[smem:$0x3FB3] =	sst s0;
	s0 =	simm.s32 @!p1 $0x0  }
0x14: {  	s2 =	sld [smem:$0x3F97];
	s0 =	simm.s32 @p1 $0x1  }
0x15: {  	[smem:$0x3FB4] =	sst s0;
	s0 =	simm.s32 @!p2 $0x0  }
0x16: {  	s3 =	sld [smem:$0x3FDB];
	s0 =	simm.s32 @p2 $0x1  }
0x17: {  	s4 =	simm.s32 $0x1BF5;
	[smem:$0x3FB6] =	sst s0  }
0x18: {  	s0 =	sld [smem:$0x3F99];
	_ =	swait.ge [sflag:s4], $0x0  }
0x19: {  	s7 =	sld [smem:$0x3F9A]  }
0x1a: {  	s8 =	sadd.s32 $0xFFFFE003, lr  }
0x1b: {  	s9 =	sadd.s32 $0xFFFFFEF7, lr;
	s5 =	simm.s32 $0xFFFFFFFF;
	p2 =	slt.u32 s8, $0xFFFFF086  }
0x1c: {  	p1 =	slt.u32 s9, $0xF7A;
	s5 =	simm.s32 @!p2 $0x0  }
0x1d: {  	s5 =	simm.s32 @p1 $0x1;
	p0 =	seq.s32 s7, s2  }
0x1e: {  	s7 =	smul.u32 @!p0 $0xF7A, s2;
	p2 =	seq.s32 @!p0 s5, $0x0  }
0x1f: {  	s9 =	smul.u32 $0xF7A, s1;
	s8 =	simm.s32 @!p0 $0x1BF5;
	p2 =	por !p2, p0  }
0x20: {  	[sflag:s8] =	ssyncset.s32 @!p0 $0xFFFFF086;
	s6 =	sadd.s32 @!p0 s3, s7;
	s7 =	simm.s32 @!p0 $0x108  }
0x21: {  	s3 =	sadd.s32 s3, s9;
	s6 =	sadd.s32 @!p0 $0x88, s6;
	s7 =	simm.s32 @p2 $0x1082  }
0x22: {  	[simem:s7], [sflag:s8] =	dma.local @!p0 [hbm:s6], $0xF7A  }
0x23: {  	s9 =	sor.u32 $0xD0000000, s2;
	s6 =	simm.s32 $0x108;
	_ =	swait.ge @!p0 [sflag:s8], $0x0  }
0x24: {  	s3 =	sadd.s32 $0x88, s3;
	s6 =	simm.s32 @!p1 $0x1082;
	[sflag:s4] =	ssyncset.s32 $0xFFFFF086  }
0x25: {  	[simem:s6], [sflag:s4] =	dma.local [hbm:s3], $0xF7A  }
0x26: {  	[smem:$0x3F9A] =	sst s1;
	(tag) =	ssettag s2;
	_ =	strace s9  }
0x27: {  	s1 =	sld [smem:$0x3FAA]  }
0x28: {  	s2 =	sld [smem:$0x3FAB]  }
0x29: {  	s4 =	sld [smem:$0x3FAD]  }
0x2a: {  	p0 =	seq.s32 s5, $0x0;
	s5 =	sld [smem:$0x3FAE]  }
0x2b: {  	s6 =	sld [smem:$0x3FAF]  }
0x2c: {  	s7 =	sld [smem:$0x3FB0]  }
0x2d: {  	s3 =	simm.s32 $0x108;
	s8 =	sld [smem:$0x3FB1]  }
0x2e: {  	s3 =	simm.s32 @!p0 $0x1082;
	s9 =	sld [smem:$0x3FB2]  }
0x2f: {  	lr =	sadd.s32 s0, s3;
	s0 =	sld [smem:$0x3FA9]  }
0x30: {  	s3 =	sld [smem:$0x3FAC]  }
0x31: {  	[smem:$0x3FB5] =	sst s10  }
0x32: {  	s10 =	sld [smem:$0x3FB3];
	_ =	sdelay $0x3  }
0x33: {  	p0 =	seq.s32 s10, $0x1;
	s10 =	sld [smem:$0x3FB5];
	_ =	sdelay $0x3  }
0x34: {  	[smem:$0x3FB5] =	sst s10  }
0x35: {  	s10 =	sld [smem:$0x3FB4];
	_ =	sdelay $0x3  }
0x36: {  	p1 =	seq.s32 s10, $0x1;
	s10 =	sld [smem:$0x3FB5];
	_ =	sdelay $0x3  }
0x37: {  	[smem:$0x3FB5] =	sst s10  }
0x38: {  	s10 =	sld [smem:$0x3FB6]  }
0x39: {  	_ = 	snop;
	(pc) =	sbr.ind lr, $3  }
0x3a: {  	_ = 	snop  }
0x3b: {  	_ = 	snop  }
0x3c: {  	p2 =	seq.s32 s10, $0x1;
	s10 =	sld [smem:$0x3FB5]  }
0x3d: {  	_ =	shalt  }
0x3e: {  	_ =	shalt  }
0x3f: {  	_ =	shalt  }
0x40: {  	_ =	shalt  }
0x41: {  	_ =	shalt  }
0x42: {  	_ =	shalt  }
0x43: {  	_ =	shalt  }
0x44: {  	_ =	shalt  }
0x45: {  	_ =	shalt  }
0x46: {  	_ =	shalt  }
0x47: {  	_ =	shalt  }
0x48: {  	_ =	shalt  }
0x49: {  	_ =	shalt  }
0x4a: {  	_ =	shalt  }
0x4b: {  	_ =	shalt  }
0x4c: {  	_ =	shalt  }
0x4d: {  	_ =	shalt  }
0x4e: {  	_ =	shalt  }
0x4f: {  	_ =	shalt  }
0x50: {  	_ =	shalt  }
0x51: {  	_ =	shalt  }
0x52: {  	_ =	shalt  }
0x53: {  	_ =	shalt  }
0x54: {  	_ =	shalt  }
0x55: {  	_ =	shalt  }
0x56: {  	_ =	shalt  }
0x57: {  	_ =	shalt  }
0x58: {  	_ =	shalt  }
0x59: {  	_ =	shalt  }
0x5a: {  	_ =	shalt  }
0x5b: {  	_ =	shalt  }
0x5c: {  	_ =	shalt  }
0x5d: {  	_ =	shalt  }
0x5e: {  	_ =	shalt  }
0x5f: {  	_ =	shalt  }
0x60: {  	_ =	shalt  }
0x61: {  	_ =	shalt  }
0x62: {  	_ =	shalt  }
0x63: {  	_ =	shalt  }
0x64: {  	_ =	shalt  }
0x65: {  	_ =	shalt  }
0x66: {  	_ =	shalt  }
0x67: {  	_ =	shalt  }
0x68: {  	_ =	shalt  }
0x69: {  	_ =	shalt  }
0x6a: {  	_ =	shalt  }
0x6b: {  	_ =	shalt  }
0x6c: {  	_ =	shalt  }
0x6d: {  	_ =	shalt  }
0x6e: {  	_ =	shalt  }
0x6f: {  	_ =	shalt  }
0x70: {  	_ =	shalt  }
0x71: {  	_ =	shalt  }
0x72: {  	_ =	shalt  }
0x73: {  	_ =	shalt  }
0x74: {  	_ =	shalt  }
0x75: {  	_ =	shalt  }
0x76: {  	_ =	shalt  }
0x77: {  	_ =	shalt  }
0x78: {  	_ =	shalt  }
0x79: {  	_ =	shalt  }
0x7a: {  	_ =	shalt  }
0x7b: {  	_ =	shalt  }
0x7c: {  	_ =	shalt  }
0x7d: {  	_ =	shalt  }
0x7e: {  	_ =	shalt  }
0x7f: {  	_ =	shalt  }
0x80: {  	_ =	shalt  }
0x81: {  	_ =	shalt  }
0x82: {  	_ =	shalt  }
0x83: {  	_ =	shalt  }
0x84: {  	_ =	shalt  }
0x85: {  	_ =	shalt  }
0x86: {  	_ =	shalt  }
0x87: {  	_ =	shalt  }
.Lfunc_end0:
.L_simem_size_0:
called_computation_lowered:
.L_overlay_start_0:
0x88: {  	s2 =	sld [smem:$0x3FD9]  }
0x89: {  	s3 =	sld [smem:$0x3FFE];
	_ =	sdelay $0x1  }
0x8a: {  	s1 =	srdreg.scid  }
0x8b: {  	s0 =	sand.u32 $0x1, s1  }
0x8c: {  	s17 =	sshll.u32 s0, $0xA;
	s2 =	sadd.s32 s3, s2  }
0x8d: {  	s2 =	sadd.s32 s2, s17  }
0x8e: {  	[smem:$0x3FC1] =	sst s2  }
0x8f: {  	_ = 	snop  }
0x90: {  	s2 =	sld [smem:$0x3FC9]  }
0x91: {  	s18 =	sld [smem:$0x3FC8]  }
0x92: {  	s4 =	sld [smem:$0x3FC5]  }
0x93: {  	s5 =	sld [smem:$0x3FC4]  }
0x94: {  	s6 =	sld [smem:$0x3FD0];
	(tm) =	ssettm $0x1  }
0x95: {  	s7 =	sld [smem:$0x3FFB];
	_ =	sdelay $0x3  }
0x96: {  	_ =	strace s7  }
0x97: {  	s7 =	sld [smem:$0x3FFC];
	_ =	sdelay $0x3  }
0x98: {  	_ =	strace s7  }
0x99: {  	s7 =	sld [smem:$0x3FFD];
	_ =	sdelay $0x3  }
0x9a: {  	_ =	strace s7  }
0x9b: {  	_ =	strace $0x8FFFFFFF  }
0x9c: {  	s19 =	sld [smem:$0x3FDB];
	_ =	sdelay $0x1  }
0x9d: {  	s8 =	simm.s32 $_scs_section_size  }
0x9e: {  	s9 =	simm.s32 $_size__tile_overlayer_lowered;
	s10 =	simm.s32 $_tile_overlayer_lowered  }
0x9f: {  	s22 =	simm.s32 $0x1BFF;
	s21 =	sshll.u32 s10, $0x1;
	s7 =	sadd.s32 s8, s19  }
0xa0: {  	s11 =	simm.s32 $0x0;
	s20 =	sshll.u32 s9, $0x1;
	s9 =	sadd.s32 s21, s7  }
0xa1: {  	[timem:s11], [sflag:s22] =	dma.local [hbm:s9], s20  }
0xa2: {  	_ =	swait.ge [sflag:s22], s20  }
0xa3: {  	s8 =	ssub.s32 $0x0, s20;
	[sflag:s22] =	ssyncset.done $0x0  }
0xa4: {  	[sflag:s22] =	ssyncadd.s32 s8;
	_ =	sdelay $0x1  }
0xa5: {  	s23 =	simm.s32 $0x1B8B  }
0xa6: {  	_ =	swait.ge [sflag:s23], $0x1  }
0xa7: {  	[sflag:s23] =	ssyncset.done $0x0  }
0xa8: {  	s25 =	simm.s32 $0x1B8E;
	s24 =	sld [smem:$0x3FFE];
	[sflag:s23] =	ssyncadd.s32 $0xFFFFFFFF  }
0xa9: {  	s26 =	simm.s32 $execute0_lowered;
	[smem:$0x3FD2] =	sst s25  }
0xaa: {  	s9 =	sshll.u32 s26, $0x1;
	_ =	strace $0x80000046;
	[dreg:$0x1] =	wrdreg $0xFFFFFFFF  }
0xab: {  	s28 =	simm.s32 $_size_execute0_lowered;
	s7 =	sadd.s32 s7, s9;
	[dreg:$0x0] =	wrdreg $0x0  }
0xac: {  	s9 =	sshll.u32 s28, $0x1;
	[dreg:$0x2] =	wrdreg s7  }
0xad: {  	[dreg:$0x3] =	wrdreg s9  }
0xae: {  	[dreg:$0x4] =	wrdreg $0xC0  }
0xaf: {  	_ =	task [dreg:s11], $0x5FFFF  }
0xb0: {  	[dreg:$0x1] =	wrdreg $0xFFFFFFFF  }
0xb1: {  	[dreg:$0x0] =	wrdreg $0x60  }
0xb2: {  	[dreg:$0x2] =	wrdreg s2  }
0xb3: {  	[dreg:$0x3] =	wrdreg s18  }
0xb4: {  	[dreg:$0x4] =	wrdreg s24  }
0xb5: {  	[dreg:$0x5] =	wrdreg s4  }
0xb6: {  	[dreg:$0x6] =	wrdreg s5  }
0xb7: {  	[dreg:$0x7] =	wrdreg s6  }
0xb8: {  	[dreg:$0x8] =	wrdreg $0x9  }
0xb9: {  	_ =	task.clear_ibuf [dreg:s11], $0x9FFFF;
	_ =	strace $0x90000046  }
0xba: {  	s29 =	simm.s32 $0x9;
	_ =	strace $0x80000048  }
0xbb: {  	_ =	swait.ge [sflag:s29], $0x1  }
0xbc: {  	[sflag:s29] =	ssyncadd.s32 $0xFFFFFFFF  }
0xbd: {  	_ =	strace $0x90000048  }
0xbe: {  	_ =	sfence  }
0xbf: {  	s30 =	sld [smem:$0x0];
	_ =	sdelay $0x2  }
0xc0: {  	s31 =	sshll.u32 s1, $0xD;
	s1 =	sshrl.u32 s1, $0x2  }
0xc1: {  	s3 =	sand.u32 $0x4000, s31;
	s1 =	sadd.s32 s1, s30  }
0xc2: {  	s0 =	sor.u32 s3, s0;
	s1 =	sshll.u32 s1, $0x11  }
0xc3: {  	s0 =	sor.u32 s1, s0  }
0xc4: {  	s0 =	sadd.s32 $0x8F2B, s0  }
0xc5: {  	[sflag:s0] =	ssyncadd.remote.s32 $0x1  }
0xc6: {  	_ =	sfence.sel $0xFFFF  }
0xc7: {  	[dreg:$0x0] =	wrdreg $0xFFFFFFFF;
	(pc) =	sbr.abs _section_cstart, $3  }
0xc8: {  	[dreg:$0x1] =	wrdreg $0xFFFFFFFF  }
0xc9: {  	_ =	task.clear_ibuf [dreg:s11], $0x2FFFF;
	_ =	strace $0x9FFFFFFF  }
0xca: {  	(tm) =	ssettm $0x7FFFFFFF  }
0xcb: {  	_ =	shalt  }
tec
execute0_lowered:
.L_overlay_start_1:
0x0: {  	(tag) =	ssettag $0x1  }
0x1: {  	s0 =	rddreg [dreg:$0x0]  }
0x2: {  	s3 =	rddreg [dreg:$0x1]  }
0x3: {  	s1 =	rddreg [dreg:$0x2]  }
0x4: {  	s7 =	rddreg [dreg:$0x5];
	s4 =	simm.s32 $0x0  }
0x5: {  	[smem:$0x7FF] =	sst s4;
	s2 =	sadd.s32 $0x3D0A00, s1  }
0x6: {  	s17 =	sadd.s32 $0x7A1400, s1;
	_ =	strace $0x80000047;
	[dreg:$0x7] =	wrdreg s2  }
0x7: {  	s18 =	sadd.s32 $0x3EF248, s1;
	[dreg:$0x8] =	wrdreg s17  }
0x8: {  	s19 =	sadd.s32 $0x1E848, s1;
	[dreg:$0x9] =	wrdreg s18  }
0x9: {  	s20 =	sadd.s32 $0x40DA90, s1;
	[dreg:$0xa] =	wrdreg s19  }
0xa: {  	s21 =	sadd.s32 $0x3D090, s1;
	[dreg:$0xb] =	wrdreg s20  }
0xb: {  	s22 =	sadd.s32 $0x42C2D8, s1;
	[dreg:$0xc] =	wrdreg s21  }
0xc: {  	s23 =	sadd.s32 $0x5B8D8, s1;
	[dreg:$0xd] =	wrdreg s22  }
0xd: {  	s24 =	sadd.s32 $0x44AB20, s1;
	[dreg:$0xe] =	wrdreg s23  }
0xe: {  	s25 =	sadd.s32 $0x469368, s1;
	[dreg:$0xf] =	wrdreg s24  }
0xf: {  	s26 =	sadd.s32 $0x7A120, s1;
	[dreg:$0x10] =	wrdreg s25  }
0x10: {  	s5 =	sadd.s32 $0x98968, s1;
	[dreg:$0x11] =	wrdreg s26  }
0x11: {  	s6 =	sadd.s32 $0x487BB0, s1;
	[dreg:$0x12] =	wrdreg s5  }
0x12: {  	s8 =	sadd.s32 $0xB71B0, s1;
	[dreg:$0x13] =	wrdreg s6  }
0x13: {  	s9 =	sadd.s32 $0x4A63F8, s1;
	[dreg:$0x14] =	wrdreg s8  }
0x14: {  	s10 =	sadd.s32 $0xD59F8, s1;
	s11 =	sadd.s32 $0x4C4C40, s1;
	[dreg:$0x15] =	wrdreg s9  }
0x15: {  	s12 =	sadd.s32 $0x4E3488, s1;
	s13 =	sadd.s32 $0x112A88, s1;
	[dreg:$0x16] =	wrdreg s10  }
0x16: {  	s14 =	sadd.s32 $0x501CD0, s1;
	s15 =	sadd.s32 $0x1312D0, s1;
	[dreg:$0x17] =	wrdreg s11  }
0x17: {  	s16 =	sadd.s32 $0x520518, s1;
	s28 =	sadd.s32 $0x6EA150, s1;
	[dreg:$0x18] =	wrdreg s12  }
0x18: {  	s29 =	sadd.s32 $0x319750, s1;
	s30 =	sadd.s32 $0x708998, s1;
	[dreg:$0x19] =	wrdreg s13  }
0x19: {  	[dreg:$0x1a] =	wrdreg s14;
	s17 =	sadd.s32 $0x14FB18, s1;
	s18 =	sadd.s32 $0x53ED60, s1  }
0x1a: {  	[dreg:$0x1b] =	wrdreg s15;
	s19 =	sadd.s32 $0x16E360, s1;
	s20 =	sadd.s32 $0x55D5A8, s1  }
0x1b: {  	s21 =	sadd.s32 $0x18CBA8, s1;
	s22 =	sadd.s32 $0x57BDF0, s1;
	[dreg:$0x1d] =	wrdreg s17  }
0x1c: {  	s23 =	sadd.s32 $0x1AB3F0, s1;
	[smem:$0x7E8] =	sst s20  }
0x1d: {  	s24 =	sadd.s32 $0x59A638, s1;
	[smem:$0x7E9] =	sst s21  }
0x1e: {  	s25 =	sadd.s32 $0x1C9C38, s1;
	[smem:$0x7EA] =	sst s22  }
0x1f: {  	s26 =	sadd.s32 $0x5B8E80, s1;
	[smem:$0x7EB] =	sst s23  }
0x20: {  	s5 =	sadd.s32 $0x1E8480, s1;
	[smem:$0x7EC] =	sst s24  }
0x21: {  	s6 =	sadd.s32 $0x5D76C8, s1;
	[smem:$0x7ED] =	sst s25  }
0x22: {  	s8 =	sadd.s32 $0x206CC8, s1;
	[smem:$0x7EE] =	sst s26  }
0x23: {  	s9 =	sadd.s32 $0x5F5F10, s1;
	[smem:$0x7EF] =	sst s5  }
0x24: {  	s11 =	sadd.s32 $0x614758, s1;
	[smem:$0x7F0] =	sst s6  }
0x25: {  	s12 =	sadd.s32 $0x243D58, s1;
	[smem:$0x7F1] =	sst s8  }
0x26: {  	s13 =	sadd.s32 $0x632FA0, s1;
	[smem:$0x7F2] =	sst s9  }
0x27: {  	s15 =	sadd.s32 $0x6517E8, s1;
	[smem:$0x7F4] =	sst s11  }
0x28: {  	s5 =	sadd.s32 $0x225510, s1;
	[smem:$0x7F5] =	sst s12  }
0x29: {  	[smem:$0x7F6] =	sst s13;
	s6 =	sadd.s32 $0x2625A0, s1  }
0x2a: {  	[smem:$0x7F8] =	sst s15;
	s8 =	sadd.s32 $0x280DE8, s1  }
0x2b: {  	[dreg:$0x1e] =	wrdreg s18;
	s17 =	sadd.s32 $0x670030, s1;
	s18 =	sadd.s32 $0x29F630, s1  }
0x2c: {  	[dreg:$0x1f] =	wrdreg s19;
	s19 =	sadd.s32 $0x68E878, s1;
	s20 =	sadd.s32 $0x2BDE78, s1  }
0x2d: {  	[dreg:$0x1c] =	wrdreg s16;
	s23 =	sadd.s32 $0x6AD0C0, s1;
	s24 =	sadd.s32 $0x2DC6C0, s1  }
0x2e: {  	s25 =	sadd.s32 $0x6CB908, s1;
	[smem:$0x7F3] =	sst s5  }
0x2f: {  	s26 =	sadd.s32 $0x2FAF08, s1;
	[smem:$0x7F7] =	sst s6  }
0x30: {  	s10 =	srdreg.scid;
	s9 =	sadd.s32 $0x764270, s1;
	[smem:$0x7F9] =	sst s8  }
0x31: {  	s2 =	sand.u32 $0x1, s10;
	s11 =	sadd.s32 $0x393870, s1;
	[smem:$0x7FA] =	sst s17  }
0x32: {  	s21 =	stileid.u32;
	s12 =	sadd.s32 $0x782AB8, s1;
	[smem:$0x7FB] =	sst s18  }
0x33: {  	s13 =	sadd.s32 $0xF4240, s1;
	s15 =	simm.s32 $0x200;
	[smem:$0x7FC] =	sst s19  }
0x34: {  	s14 =	ssub.s32 $0x2, s2;
	s2 =	sshll.u32 s2, $0x6;
	[smem:$0x7FD] =	sst s20  }
0x35: {  	s5 =	sshll.u32 s21, $0x7;
	s6 =	sadd.s32 $0x745A28, s1;
	s8 =	sadd.s32 $0x375028, s1  }
0x36: {  	s17 =	simm.s32 $0x1;
	s18 =	simm.s32 $0x2;
	s19 =	simm.s32 $0x0  }
0x37: {  	s16 =	sshrl.u32 s14, $0x1;
	s22 =	sor.u32 s2, s5;
	s2 =	sadd.s32 $0x7271E0, s1  }
0x38: {  	s5 =	sadd.s32 $0x3567E0, s1;
	s10 =	ssub.s32 s14, s16;
	s31 =	sadd.s32 s0, s22  }
0x39: {  	s0 =	sadd.s32 $0x337F98, s1;
	s3 =	sadd.s32 s3, s22;
	s7 =	sadd.s32 s7, s22  }
0x3a: {  	s14 =	sadd.s32 $0x3B20B8, s1;
	s16 =	simm.s32 $0x3;
	s10 =	smax.u32 s10, $0x1  }
.LBB2_1:
0x3b: {  	[tilespmem:s4], [sflag:$0x1] =	stream.linear.gather [hbm4b:s31+s4], $0x200, $0x38;
	[tilespmem:$0x8C00] =	vst v63  }
0x3c: {  	_ = 	snop  }
0x3d: {  	[tilespmem:s15], [sflag:$0x1] =	stream.linear.gather [hbm4b:s3+s4], $0x200, $0x38;
	[tilespmem:$0x8C00] =	vst v63  }
0x3e: {  	s20 =	rddreg [dreg:$0x8];
	s21 =	simm.s32 $0x8800  }
0x3f: {  	[tilespmem:s21], [sflag:$0x3] =	stream.linear.gather [hbm4b:s20+s4], $0x200, $0x38;
	[tilespmem:$0x8C00] =	vst v63  }
0x40: {  	_ =	swait.ge [sflag:s16], $0x200  }
0x41: {  	[sflag:s16] =	ssyncset.done $0x0  }
0x42: {  	[sflag:s16] =	ssyncadd.s32 $0xFFFFFE00  }
0x43: {  	_ =	swait.ge [sflag:s17], $0x200  }
0x44: {  	[sflag:s17] =	ssyncset.done $0x0  }
0x45: {  	[sflag:s17] =	ssyncadd.s32 $0xFFFFFE00  }
0x46: {  	_ =	swait.ge [sflag:s17], $0x200  }
0x47: {  	[sflag:s17] =	ssyncset.done $0x0  }
0x48: {  	s22 =	simm.s32 $0x400;
	s21 =	rddreg [dreg:$0x7];
	[sflag:s17] =	ssyncadd.s32 $0xFFFFFE00  }
0x49: {  	[tilespmem:s22], [sflag:$0x2] =	stream.indirect.gather [hbm4b:s21+s15], $0x1, s4, s15, $0xb8;
	[tilespmem:$0x8C00] =	vst v63  }
0x4a: {  	s22 =	simm.s32 $0x4400  }
0x4b: {  	[tilespmem:s22], [sflag:$0x2] =	stream.indirect.gather [hbm4b:s1+s15], $0x1, s15, s15, $0xb8;
	[tilespmem:$0x8C00] =	vst v63  }
0x4c: {  	s21 =	rddreg [dreg:$0x9];
	s22 =	simm.s32 $0x600  }
0x4d: {  	[tilespmem:s22], [sflag:$0x2] =	stream.indirect.gather [hbm4b:s21+s15], $0x1, s4, s15, $0xb8;
	[tilespmem:$0x8C00] =	vst v63  }
0x4e: {  	s21 =	rddreg [dreg:$0xa];
	s22 =	simm.s32 $0x4600  }
0x4f: {  	[tilespmem:s22], [sflag:$0x2] =	stream.indirect.gather [hbm4b:s21+s15], $0x1, s15, s15, $0xb8;
	[tilespmem:$0x8C00] =	vst v63  }
0x50: {  	s21 =	rddreg [dreg:$0xb];
	s22 =	simm.s32 $0x800  }
0x51: {  	[tilespmem:s22], [sflag:$0x2] =	stream.indirect.gather [hbm4b:s21+s15], $0x1, s4, s15, $0xb8;
	[tilespmem:$0x8C00] =	vst v63  }
0x52: {  	s21 =	rddreg [dreg:$0xc];
	s22 =	simm.s32 $0x4800  }
0x53: {  	[tilespmem:s22], [sflag:$0x2] =	stream.indirect.gather [hbm4b:s21+s15], $0x1, s15, s15, $0xb8;
	[tilespmem:$0x8C00] =	vst v63  }
0x54: {  	s21 =	rddreg [dreg:$0xd];
	s22 =	simm.s32 $0xA00  }
0x55: {  	[tilespmem:s22], [sflag:$0x2] =	stream.indirect.gather [hbm4b:s21+s15], $0x1, s4, s15, $0xb8;
	[tilespmem:$0x8C00] =	vst v63  }
0x56: {  	s21 =	rddreg [dreg:$0xe];
	s22 =	simm.s32 $0x4A00  }
0x57: {  	[tilespmem:s22], [sflag:$0x2] =	stream.indirect.gather [hbm4b:s21+s15], $0x1, s15, s15, $0xb8;
	[tilespmem:$0x8C00] =	vst v63  }
0x58: {  	s21 =	rddreg [dreg:$0xf];
	s22 =	simm.s32 $0xC00  }
0x59: {  	[tilespmem:s22], [sflag:$0x2] =	stream.indirect.gather [hbm4b:s21+s15], $0x1, s4, s15, $0xb8;
	[tilespmem:$0x8C00] =	vst v63  }
0x5a: {  	s21 =	rddreg [dreg:$0x11];
	s22 =	simm.s32 $0x4C00  }
0x5b: {  	[tilespmem:s22], [sflag:$0x2] =	stream.indirect.gather [hbm4b:s21+s15], $0x1, s15, s15, $0xb8;
	[tilespmem:$0x8C00] =	vst v63  }
0x5c: {  	s21 =	rddreg [dreg:$0x10];
	s22 =	simm.s32 $0xE00  }
0x5d: {  	[tilespmem:s22], [sflag:$0x2] =	stream.indirect.gather [hbm4b:s21+s15], $0x1, s4, s15, $0xb8;
	[tilespmem:$0x8C00] =	vst v63  }
0x5e: {  	s21 =	rddreg [dreg:$0x12];
	s22 =	simm.s32 $0x4E00  }
0x5f: {  	[tilespmem:s22], [sflag:$0x2] =	stream.indirect.gather [hbm4b:s21+s15], $0x1, s15, s15, $0xb8;
	[tilespmem:$0x8C00] =	vst v63  }
0x60: {  	s21 =	rddreg [dreg:$0x13];
	s22 =	simm.s32 $0x1000  }
0x61: {  	[tilespmem:s22], [sflag:$0x2] =	stream.indirect.gather [hbm4b:s21+s15], $0x1, s4, s15, $0xb8;
	[tilespmem:$0x8C00] =	vst v63  }
0x62: {  	s21 =	rddreg [dreg:$0x14];
	s22 =	simm.s32 $0x5000  }
0x63: {  	[tilespmem:s22], [sflag:$0x2] =	stream.indirect.gather [hbm4b:s21+s15], $0x1, s15, s15, $0xb8;
	[tilespmem:$0x8C00] =	vst v63  }
0x64: {  	s21 =	rddreg [dreg:$0x15];
	s22 =	simm.s32 $0x1200  }
0x65: {  	[tilespmem:s22], [sflag:$0x2] =	stream.indirect.gather [hbm4b:s21+s15], $0x1, s4, s15, $0xb8;
	[tilespmem:$0x8C00] =	vst v63  }
0x66: {  	s21 =	rddreg [dreg:$0x16];
	s22 =	simm.s32 $0x5200  }
0x67: {  	[tilespmem:s22], [sflag:$0x2] =	stream.indirect.gather [hbm4b:s21+s15], $0x1, s15, s15, $0xb8;
	[tilespmem:$0x8C00] =	vst v63  }
0x68: {  	s21 =	rddreg [dreg:$0x17];
	s22 =	simm.s32 $0x1400  }
0x69: {  	[tilespmem:s22], [sflag:$0x2] =	stream.indirect.gather [hbm4b:s21+s15], $0x1, s4, s15, $0xb8;
	[tilespmem:$0x8C00] =	vst v63  }
0x6a: {  	s22 =	simm.s32 $0x5400  }
0x6b: {  	[tilespmem:s22], [sflag:$0x2] =	stream.indirect.gather [hbm4b:s13+s15], $0x1, s15, s15, $0xb8;
	[tilespmem:$0x8C00] =	vst v63  }
0x6c: {  	s21 =	rddreg [dreg:$0x18];
	s22 =	simm.s32 $0x1600  }
0x6d: {  	[tilespmem:s22], [sflag:$0x2] =	stream.indirect.gather [hbm4b:s21+s15], $0x1, s4, s15, $0xb8;
	[tilespmem:$0x8C00] =	vst v63  }
0x6e: {  	s21 =	rddreg [dreg:$0x19];
	s22 =	simm.s32 $0x5600  }
0x6f: {  	[tilespmem:s22], [sflag:$0x2] =	stream.indirect.gather [hbm4b:s21+s15], $0x1, s15, s15, $0xb8;
	[tilespmem:$0x8C00] =	vst v63  }
0x70: {  	s21 =	rddreg [dreg:$0x1a];
	s22 =	simm.s32 $0x1800  }
0x71: {  	[tilespmem:s22], [sflag:$0x2] =	stream.indirect.gather [hbm4b:s21+s15], $0x1, s4, s15, $0xb8;
	[tilespmem:$0x8C00] =	vst v63  }
0x72: {  	s21 =	rddreg [dreg:$0x1b];
	s22 =	simm.s32 $0x5800  }
0x73: {  	[tilespmem:s22], [sflag:$0x2] =	stream.indirect.gather [hbm4b:s21+s15], $0x1, s15, s15, $0xb8;
	[tilespmem:$0x8C00] =	vst v63  }
0x74: {  	s21 =	rddreg [dreg:$0x1c];
	s22 =	simm.s32 $0x1A00  }
0x75: {  	[tilespmem:s22], [sflag:$0x2] =	stream.indirect.gather [hbm4b:s21+s15], $0x1, s4, s15, $0xb8;
	[tilespmem:$0x8C00] =	vst v63  }
0x76: {  	s21 =	rddreg [dreg:$0x1d];
	s22 =	simm.s32 $0x5A00  }
0x77: {  	[tilespmem:s22], [sflag:$0x2] =	stream.indirect.gather [hbm4b:s21+s15], $0x1, s15, s15, $0xb8;
	[tilespmem:$0x8C00] =	vst v63  }
0x78: {  	s21 =	rddreg [dreg:$0x1e];
	s22 =	simm.s32 $0x1C00  }
0x79: {  	[tilespmem:s22], [sflag:$0x2] =	stream.indirect.gather [hbm4b:s21+s15], $0x1, s4, s15, $0xb8;
	[tilespmem:$0x8C00] =	vst v63  }
0x7a: {  	s21 =	rddreg [dreg:$0x1f];
	s22 =	simm.s32 $0x5C00  }
0x7b: {  	[tilespmem:s22], [sflag:$0x2] =	stream.indirect.gather [hbm4b:s21+s15], $0x1, s15, s15, $0xb8;
	[tilespmem:$0x8C00] =	vst v63  }
0x7c: {  	s21 =	sld [smem:$0x7E8];
	_ =	sdelay $0x1  }
0x7d: {  	s22 =	simm.s32 $0x1E00  }
0x7e: {  	[tilespmem:s22], [sflag:$0x2] =	stream.indirect.gather [hbm4b:s21+s15], $0x1, s4, s15, $0xb8;
	[tilespmem:$0x8C00] =	vst v63  }
0x7f: {  	s21 =	sld [smem:$0x7E9];
	_ =	sdelay $0x1  }
0x80: {  	s22 =	simm.s32 $0x5E00  }
0x81: {  	[tilespmem:s22], [sflag:$0x2] =	stream.indirect.gather [hbm4b:s21+s15], $0x1, s15, s15, $0xb8;
	[tilespmem:$0x8C00] =	vst v63  }
0x82: {  	s21 =	sld [smem:$0x7EA];
	_ =	sdelay $0x1  }
0x83: {  	s22 =	simm.s32 $0x2000  }
0x84: {  	[tilespmem:s22], [sflag:$0x2] =	stream.indirect.gather [hbm4b:s21+s15], $0x1, s4, s15, $0xb8;
	[tilespmem:$0x8C00] =	vst v63  }
0x85: {  	s21 =	sld [smem:$0x7EB];
	_ =	sdelay $0x1  }
0x86: {  	s22 =	simm.s32 $0x6000  }
0x87: {  	[tilespmem:s22], [sflag:$0x2] =	stream.indirect.gather [hbm4b:s21+s15], $0x1, s15, s15, $0xb8;
	[tilespmem:$0x8C00] =	vst v63  }
0x88: {  	s21 =	sld [smem:$0x7EC];
	_ =	sdelay $0x1  }
0x89: {  	s22 =	simm.s32 $0x2200  }
0x8a: {  	[tilespmem:s22], [sflag:$0x2] =	stream.indirect.gather [hbm4b:s21+s15], $0x1, s4, s15, $0xb8;
	[tilespmem:$0x8C00] =	vst v63  }
0x8b: {  	s21 =	sld [smem:$0x7ED];
	_ =	sdelay $0x1  }
0x8c: {  	s22 =	simm.s32 $0x6200  }
0x8d: {  	[tilespmem:s22], [sflag:$0x2] =	stream.indirect.gather [hbm4b:s21+s15], $0x1, s15, s15, $0xb8;
	[tilespmem:$0x8C00] =	vst v63  }
0x8e: {  	s21 =	sld [smem:$0x7EE];
	_ =	sdelay $0x1  }
0x8f: {  	s22 =	simm.s32 $0x2400  }
0x90: {  	[tilespmem:s22], [sflag:$0x2] =	stream.indirect.gather [hbm4b:s21+s15], $0x1, s4, s15, $0xb8;
	[tilespmem:$0x8C00] =	vst v63  }
0x91: {  	s21 =	sld [smem:$0x7EF];
	_ =	sdelay $0x1  }
0x92: {  	s22 =	simm.s32 $0x6400  }
0x93: {  	[tilespmem:s22], [sflag:$0x2] =	stream.indirect.gather [hbm4b:s21+s15], $0x1, s15, s15, $0xb8;
	[tilespmem:$0x8C00] =	vst v63  }
0x94: {  	s21 =	sld [smem:$0x7F0];
	_ =	sdelay $0x1  }
0x95: {  	s22 =	simm.s32 $0x2600  }
0x96: {  	[tilespmem:s22], [sflag:$0x2] =	stream.indirect.gather [hbm4b:s21+s15], $0x1, s4, s15, $0xb8;
	[tilespmem:$0x8C00] =	vst v63  }
0x97: {  	s21 =	sld [smem:$0x7F1];
	_ =	sdelay $0x1  }
0x98: {  	s22 =	simm.s32 $0x6600  }
0x99: {  	[tilespmem:s22], [sflag:$0x2] =	stream.indirect.gather [hbm4b:s21+s15], $0x1, s15, s15, $0xb8;
	[tilespmem:$0x8C00] =	vst v63  }
0x9a: {  	s21 =	sld [smem:$0x7F2];
	_ =	sdelay $0x1  }
0x9b: {  	s22 =	simm.s32 $0x2800  }
0x9c: {  	[tilespmem:s22], [sflag:$0x2] =	stream.indirect.gather [hbm4b:s21+s15], $0x1, s4, s15, $0xb8;
	[tilespmem:$0x8C00] =	vst v63  }
0x9d: {  	s21 =	sld [smem:$0x7F3];
	_ =	sdelay $0x1  }
0x9e: {  	s22 =	simm.s32 $0x6800  }
0x9f: {  	[tilespmem:s22], [sflag:$0x2] =	stream.indirect.gather [hbm4b:s21+s15], $0x1, s15, s15, $0xb8;
	[tilespmem:$0x8C00] =	vst v63  }
0xa0: {  	s21 =	sld [smem:$0x7F4];
	_ =	sdelay $0x1  }
0xa1: {  	s22 =	simm.s32 $0x2A00  }
0xa2: {  	[tilespmem:s22], [sflag:$0x2] =	stream.indirect.gather [hbm4b:s21+s15], $0x1, s4, s15, $0xb8;
	[tilespmem:$0x8C00] =	vst v63  }
0xa3: {  	s21 =	sld [smem:$0x7F5];
	_ =	sdelay $0x1  }
0xa4: {  	s22 =	simm.s32 $0x6A00  }
0xa5: {  	[tilespmem:s22], [sflag:$0x2] =	stream.indirect.gather [hbm4b:s21+s15], $0x1, s15, s15, $0xb8;
	[tilespmem:$0x8C00] =	vst v63  }
0xa6: {  	s21 =	sld [smem:$0x7F6];
	_ =	sdelay $0x1  }
0xa7: {  	s22 =	simm.s32 $0x2C00  }
0xa8: {  	[tilespmem:s22], [sflag:$0x2] =	stream.indirect.gather [hbm4b:s21+s15], $0x1, s4, s15, $0xb8;
	[tilespmem:$0x8C00] =	vst v63  }
0xa9: {  	s21 =	sld [smem:$0x7F7];
	_ =	sdelay $0x1  }
0xaa: {  	s22 =	simm.s32 $0x6C00  }
0xab: {  	[tilespmem:s22], [sflag:$0x2] =	stream.indirect.gather [hbm4b:s21+s15], $0x1, s15, s15, $0xb8;
	[tilespmem:$0x8C00] =	vst v63  }
0xac: {  	s21 =	sld [smem:$0x7F8];
	_ =	sdelay $0x1  }
0xad: {  	s22 =	simm.s32 $0x2E00  }
0xae: {  	[tilespmem:s22], [sflag:$0x2] =	stream.indirect.gather [hbm4b:s21+s15], $0x1, s4, s15, $0xb8;
	[tilespmem:$0x8C00] =	vst v63  }
0xaf: {  	s21 =	sld [smem:$0x7F9];
	_ =	sdelay $0x1  }
0xb0: {  	s22 =	simm.s32 $0x6E00  }
0xb1: {  	[tilespmem:s22], [sflag:$0x2] =	stream.indirect.gather [hbm4b:s21+s15], $0x1, s15, s15, $0xb8;
	[tilespmem:$0x8C00] =	vst v63  }
0xb2: {  	s21 =	sld [smem:$0x7FA];
	_ =	sdelay $0x1  }
0xb3: {  	s22 =	simm.s32 $0x3000  }
0xb4: {  	[tilespmem:s22], [sflag:$0x2] =	stream.indirect.gather [hbm4b:s21+s15], $0x1, s4, s15, $0xb8;
	[tilespmem:$0x8C00] =	vst v63  }
0xb5: {  	s21 =	sld [smem:$0x7FB];
	_ =	sdelay $0x1  }
0xb6: {  	s22 =	simm.s32 $0x7000  }
0xb7: {  	[tilespmem:s22], [sflag:$0x2] =	stream.indirect.gather [hbm4b:s21+s15], $0x1, s15, s15, $0xb8;
	[tilespmem:$0x8C00] =	vst v63  }
0xb8: {  	s21 =	sld [smem:$0x7FC];
	_ =	sdelay $0x1  }
0xb9: {  	s22 =	simm.s32 $0x3200  }
0xba: {  	[tilespmem:s22], [sflag:$0x2] =	stream.indirect.gather [hbm4b:s21+s15], $0x1, s4, s15, $0xb8;
	[tilespmem:$0x8C00] =	vst v63  }
0xbb: {  	s21 =	sld [smem:$0x7FD];
	_ =	sdelay $0x1  }
0xbc: {  	s22 =	simm.s32 $0x7200  }
0xbd: {  	[tilespmem:s22], [sflag:$0x2] =	stream.indirect.gather [hbm4b:s21+s15], $0x1, s15, s15, $0xb8;
	[tilespmem:$0x8C00] =	vst v63  }
0xbe: {  	s21 =	simm.s32 $0x3400  }
0xbf: {  	[tilespmem:s21], [sflag:$0x2] =	stream.indirect.gather [hbm4b:s23+s15], $0x1, s4, s15, $0xb8;
	[tilespmem:$0x8C00] =	vst v63  }
0xc0: {  	s22 =	simm.s32 $0x7400  }
0xc1: {  	[tilespmem:s22], [sflag:$0x2] =	stream.indirect.gather [hbm4b:s24+s15], $0x1, s15, s15, $0xb8;
	[tilespmem:$0x8C00] =	vst v63  }
0xc2: {  	s21 =	simm.s32 $0x3600  }
0xc3: {  	[tilespmem:s21], [sflag:$0x2] =	stream.indirect.gather [hbm4b:s25+s15], $0x1, s4, s15, $0xb8;
	[tilespmem:$0x8C00] =	vst v63  }
0xc4: {  	s22 =	simm.s32 $0x7600  }
0xc5: {  	[tilespmem:s22], [sflag:$0x2] =	stream.indirect.gather [hbm4b:s26+s15], $0x1, s15, s15, $0xb8;
	[tilespmem:$0x8C00] =	vst v63  }
0xc6: {  	s21 =	simm.s32 $0x3800  }
0xc7: {  	[tilespmem:s21], [sflag:$0x2] =	stream.indirect.gather [hbm4b:s28+s15], $0x1, s4, s15, $0xb8;
	[tilespmem:$0x8C00] =	vst v63  }
0xc8: {  	s22 =	simm.s32 $0x7800  }
0xc9: {  	[tilespmem:s22], [sflag:$0x2] =	stream.indirect.gather [hbm4b:s29+s15], $0x1, s15, s15, $0xb8;
	[tilespmem:$0x8C00] =	vst v63  }
0xca: {  	s21 =	simm.s32 $0x3A00  }
0xcb: {  	[tilespmem:s21], [sflag:$0x2] =	stream.indirect.gather [hbm4b:s30+s15], $0x1, s4, s15, $0xb8;
	[tilespmem:$0x8C00] =	vst v63  }
0xcc: {  	s22 =	simm.s32 $0x7A00  }
0xcd: {  	[tilespmem:s22], [sflag:$0x2] =	stream.indirect.gather [hbm4b:s0+s15], $0x1, s15, s15, $0xb8;
	[tilespmem:$0x8C00] =	vst v63  }
0xce: {  	s21 =	simm.s32 $0x3C00  }
0xcf: {  	[tilespmem:s21], [sflag:$0x2] =	stream.indirect.gather [hbm4b:s2+s15], $0x1, s4, s15, $0xb8;
	[tilespmem:$0x8C00] =	vst v63  }
0xd0: {  	s22 =	simm.s32 $0x7C00  }
0xd1: {  	[tilespmem:s22], [sflag:$0x2] =	stream.indirect.gather [hbm4b:s5+s15], $0x1, s15, s15, $0xb8;
	[tilespmem:$0x8C00] =	vst v63  }
0xd2: {  	s21 =	simm.s32 $0x3E00  }
0xd3: {  	[tilespmem:s21], [sflag:$0x2] =	stream.indirect.gather [hbm4b:s6+s15], $0x1, s4, s15, $0xb8;
	[tilespmem:$0x8C00] =	vst v63  }
0xd4: {  	s22 =	simm.s32 $0x7E00  }
0xd5: {  	[tilespmem:s22], [sflag:$0x2] =	stream.indirect.gather [hbm4b:s8+s15], $0x1, s15, s15, $0xb8;
	[tilespmem:$0x8C00] =	vst v63  }
0xd6: {  	s21 =	simm.s32 $0x4000  }
0xd7: {  	[tilespmem:s21], [sflag:$0x2] =	stream.indirect.gather [hbm4b:s9+s15], $0x1, s4, s15, $0xb8;
	[tilespmem:$0x8C00] =	vst v63  }
0xd8: {  	s22 =	simm.s32 $0x8000  }
0xd9: {  	[tilespmem:s22], [sflag:$0x2] =	stream.indirect.gather [hbm4b:s11+s15], $0x1, s15, s15, $0xb8;
	[tilespmem:$0x8C00] =	vst v63  }
0xda: {  	s21 =	simm.s32 $0x4200  }
0xdb: {  	[tilespmem:s21], [sflag:$0x2] =	stream.indirect.gather [hbm4b:s12+s15], $0x1, s4, s15, $0xb8;
	[tilespmem:$0x8C00] =	vst v63  }
0xdc: {  	s22 =	simm.s32 $0x8200  }
0xdd: {  	[tilespmem:s22], [sflag:$0x2] =	stream.indirect.gather [hbm4b:s14+s15], $0x1, s15, s15, $0xb8;
	[tilespmem:$0x8C00] =	vst v63  }
0xde: {  	s21 =	rddreg [dreg:$0x3];
	s22 =	simm.s32 $0x8400  }
0xdf: {  	[tilespmem:s22], [sflag:$0x2] =	stream.indirect.gather [hbm4b:s21+s15], $0x1, s4, s15, $0xb8;
	[tilespmem:$0x8C00] =	vst v63  }
0xe0: {  	s21 =	rddreg [dreg:$0x4];
	s22 =	simm.s32 $0x8600  }
0xe1: {  	[tilespmem:s22], [sflag:$0x2] =	stream.indirect.gather [hbm4b:s21+s15], $0x1, s15, s15, $0xb8;
	[tilespmem:$0x8C00] =	vst v63  }
0xe2: {  	_ =	swait.ge [sflag:s18], $0x200  }
0xe3: {  	[sflag:s18] =	ssyncset.done $0x0  }
0xe4: {  	[sflag:s18] =	ssyncadd.s32 $0xFFFFFE00  }
0xe5: {  	_ =	swait.ge [sflag:s18], $0x200  }
0xe6: {  	[sflag:s18] =	ssyncset.done $0x0  }
0xe7: {  	[sflag:s18] =	ssyncadd.s32 $0xFFFFFE00  }
0xe8: {  	_ =	swait.ge [sflag:s18], $0x200  }
0xe9: {  	[sflag:s18] =	ssyncset.done $0x0  }
0xea: {  	[sflag:s18] =	ssyncadd.s32 $0xFFFFFE00  }
0xeb: {  	_ =	swait.ge [sflag:s18], $0x200  }
0xec: {  	[sflag:s18] =	ssyncset.done $0x0  }
0xed: {  	[sflag:s18] =	ssyncadd.s32 $0xFFFFFE00  }
0xee: {  	_ =	swait.ge [sflag:s18], $0x200  }
0xef: {  	[sflag:s18] =	ssyncset.done $0x0  }
0xf0: {  	[sflag:s18] =	ssyncadd.s32 $0xFFFFFE00  }
0xf1: {  	_ =	swait.ge [sflag:s18], $0x200  }
0xf2: {  	[sflag:s18] =	ssyncset.done $0x0  }
0xf3: {  	[sflag:s18] =	ssyncadd.s32 $0xFFFFFE00  }
0xf4: {  	_ =	swait.ge [sflag:s18], $0x200  }
0xf5: {  	[sflag:s18] =	ssyncset.done $0x0  }
0xf6: {  	[sflag:s18] =	ssyncadd.s32 $0xFFFFFE00  }
0xf7: {  	_ =	swait.ge [sflag:s18], $0x200  }
0xf8: {  	[sflag:s18] =	ssyncset.done $0x0  }
0xf9: {  	[sflag:s18] =	ssyncadd.s32 $0xFFFFFE00  }
0xfa: {  	_ =	swait.ge [sflag:s18], $0x200  }
0xfb: {  	[sflag:s18] =	ssyncset.done $0x0  }
0xfc: {  	[sflag:s18] =	ssyncadd.s32 $0xFFFFFE00  }
0xfd: {  	_ =	swait.ge [sflag:s18], $0x200  }
0xfe: {  	[sflag:s18] =	ssyncset.done $0x0  }
0xff: {  	[sflag:s18] =	ssyncadd.s32 $0xFFFFFE00  }
0x100: {  	_ =	swait.ge [sflag:s18], $0x200  }
0x101: {  	[sflag:s18] =	ssyncset.done $0x0  }
0x102: {  	[sflag:s18] =	ssyncadd.s32 $0xFFFFFE00  }
0x103: {  	_ =	swait.ge [sflag:s18], $0x200  }
0x104: {  	[sflag:s18] =	ssyncset.done $0x0  }
0x105: {  	[sflag:s18] =	ssyncadd.s32 $0xFFFFFE00  }
0x106: {  	_ =	swait.ge [sflag:s18], $0x200  }
0x107: {  	[sflag:s18] =	ssyncset.done $0x0  }
0x108: {  	[sflag:s18] =	ssyncadd.s32 $0xFFFFFE00  }
0x109: {  	_ =	swait.ge [sflag:s18], $0x200  }
0x10a: {  	[sflag:s18] =	ssyncset.done $0x0  }
0x10b: {  	[sflag:s18] =	ssyncadd.s32 $0xFFFFFE00  }
0x10c: {  	_ =	swait.ge [sflag:s18], $0x200  }
0x10d: {  	[sflag:s18] =	ssyncset.done $0x0  }
0x10e: {  	[sflag:s18] =	ssyncadd.s32 $0xFFFFFE00  }
0x10f: {  	_ =	swait.ge [sflag:s18], $0x200  }
0x110: {  	[sflag:s18] =	ssyncset.done $0x0  }
0x111: {  	[sflag:s18] =	ssyncadd.s32 $0xFFFFFE00  }
0x112: {  	_ =	swait.ge [sflag:s18], $0x200  }
0x113: {  	[sflag:s18] =	ssyncset.done $0x0  }
0x114: {  	[sflag:s18] =	ssyncadd.s32 $0xFFFFFE00  }
0x115: {  	_ =	swait.ge [sflag:s18], $0x200  }
0x116: {  	[sflag:s18] =	ssyncset.done $0x0  }
0x117: {  	[sflag:s18] =	ssyncadd.s32 $0xFFFFFE00  }
0x118: {  	_ =	swait.ge [sflag:s18], $0x200  }
0x119: {  	[sflag:s18] =	ssyncset.done $0x0  }
0x11a: {  	[sflag:s18] =	ssyncadd.s32 $0xFFFFFE00  }
0x11b: {  	_ =	swait.ge [sflag:s18], $0x200  }
0x11c: {  	[sflag:s18] =	ssyncset.done $0x0  }
0x11d: {  	[sflag:s18] =	ssyncadd.s32 $0xFFFFFE00  }
0x11e: {  	_ =	swait.ge [sflag:s18], $0x200  }
0x11f: {  	[sflag:s18] =	ssyncset.done $0x0  }
0x120: {  	[sflag:s18] =	ssyncadd.s32 $0xFFFFFE00  }
0x121: {  	_ =	swait.ge [sflag:s18], $0x200  }
0x122: {  	[sflag:s18] =	ssyncset.done $0x0  }
0x123: {  	[sflag:s18] =	ssyncadd.s32 $0xFFFFFE00  }
0x124: {  	_ =	swait.ge [sflag:s18], $0x200  }
0x125: {  	[sflag:s18] =	ssyncset.done $0x0  }
0x126: {  	[sflag:s18] =	ssyncadd.s32 $0xFFFFFE00  }
0x127: {  	_ =	swait.ge [sflag:s18], $0x200  }
0x128: {  	[sflag:s18] =	ssyncset.done $0x0  }
0x129: {  	[sflag:s18] =	ssyncadd.s32 $0xFFFFFE00  }
0x12a: {  	_ =	swait.ge [sflag:s18], $0x200  }
0x12b: {  	[sflag:s18] =	ssyncset.done $0x0  }
0x12c: {  	[sflag:s18] =	ssyncadd.s32 $0xFFFFFE00  }
0x12d: {  	_ =	swait.ge [sflag:s18], $0x200  }
0x12e: {  	[sflag:s18] =	ssyncset.done $0x0  }
0x12f: {  	[sflag:s18] =	ssyncadd.s32 $0xFFFFFE00  }
0x130: {  	_ =	swait.ge [sflag:s18], $0x200  }
0x131: {  	[sflag:s18] =	ssyncset.done $0x0  }
0x132: {  	[sflag:s18] =	ssyncadd.s32 $0xFFFFFE00  }
0x133: {  	_ =	swait.ge [sflag:s18], $0x200  }
0x134: {  	[sflag:s18] =	ssyncset.done $0x0  }
0x135: {  	[sflag:s18] =	ssyncadd.s32 $0xFFFFFE00  }
0x136: {  	_ =	swait.ge [sflag:s18], $0x200  }
0x137: {  	[sflag:s18] =	ssyncset.done $0x0  }
0x138: {  	[sflag:s18] =	ssyncadd.s32 $0xFFFFFE00  }
0x139: {  	_ =	swait.ge [sflag:s18], $0x200  }
0x13a: {  	[sflag:s18] =	ssyncset.done $0x0  }
0x13b: {  	[sflag:s18] =	ssyncadd.s32 $0xFFFFFE00  }
0x13c: {  	_ =	swait.ge [sflag:s18], $0x200  }
0x13d: {  	[sflag:s18] =	ssyncset.done $0x0  }
0x13e: {  	[sflag:s18] =	ssyncadd.s32 $0xFFFFFE00  }
0x13f: {  	_ =	swait.ge [sflag:s18], $0x200  }
0x140: {  	[sflag:s18] =	ssyncset.done $0x0  }
0x141: {  	[sflag:s18] =	ssyncadd.s32 $0xFFFFFE00  }
0x142: {  	_ =	swait.ge [sflag:s18], $0x200  }
0x143: {  	[sflag:s18] =	ssyncset.done $0x0  }
0x144: {  	[sflag:s18] =	ssyncadd.s32 $0xFFFFFE00  }
0x145: {  	_ =	swait.ge [sflag:s18], $0x200  }
0x146: {  	[sflag:s18] =	ssyncset.done $0x0  }
0x147: {  	[sflag:s18] =	ssyncadd.s32 $0xFFFFFE00  }
0x148: {  	_ =	swait.ge [sflag:s18], $0x200  }
0x149: {  	[sflag:s18] =	ssyncset.done $0x0  }
0x14a: {  	[sflag:s18] =	ssyncadd.s32 $0xFFFFFE00  }
0x14b: {  	_ =	swait.ge [sflag:s18], $0x200  }
0x14c: {  	[sflag:s18] =	ssyncset.done $0x0  }
0x14d: {  	[sflag:s18] =	ssyncadd.s32 $0xFFFFFE00  }
0x14e: {  	_ =	swait.ge [sflag:s18], $0x200  }
0x14f: {  	[sflag:s18] =	ssyncset.done $0x0  }
0x150: {  	[sflag:s18] =	ssyncadd.s32 $0xFFFFFE00  }
0x151: {  	_ =	swait.ge [sflag:s18], $0x200  }
0x152: {  	[sflag:s18] =	ssyncset.done $0x0  }
0x153: {  	[sflag:s18] =	ssyncadd.s32 $0xFFFFFE00  }
0x154: {  	_ =	swait.ge [sflag:s18], $0x200  }
0x155: {  	[sflag:s18] =	ssyncset.done $0x0  }
0x156: {  	[sflag:s18] =	ssyncadd.s32 $0xFFFFFE00  }
0x157: {  	_ =	swait.ge [sflag:s18], $0x200  }
0x158: {  	[sflag:s18] =	ssyncset.done $0x0  }
0x159: {  	[sflag:s18] =	ssyncadd.s32 $0xFFFFFE00  }
0x15a: {  	_ =	swait.ge [sflag:s18], $0x200  }
0x15b: {  	[sflag:s18] =	ssyncset.done $0x0  }
0x15c: {  	[sflag:s18] =	ssyncadd.s32 $0xFFFFFE00  }
0x15d: {  	_ =	swait.ge [sflag:s18], $0x200  }
0x15e: {  	[sflag:s18] =	ssyncset.done $0x0  }
0x15f: {  	[sflag:s18] =	ssyncadd.s32 $0xFFFFFE00  }
0x160: {  	_ =	swait.ge [sflag:s18], $0x200  }
0x161: {  	[sflag:s18] =	ssyncset.done $0x0  }
0x162: {  	[sflag:s18] =	ssyncadd.s32 $0xFFFFFE00  }
0x163: {  	_ =	swait.ge [sflag:s18], $0x200  }
0x164: {  	[sflag:s18] =	ssyncset.done $0x0  }
0x165: {  	[sflag:s18] =	ssyncadd.s32 $0xFFFFFE00  }
0x166: {  	_ =	swait.ge [sflag:s18], $0x200  }
0x167: {  	[sflag:s18] =	ssyncset.done $0x0  }
0x168: {  	[sflag:s18] =	ssyncadd.s32 $0xFFFFFE00  }
0x169: {  	_ =	swait.ge [sflag:s18], $0x200  }
0x16a: {  	[sflag:s18] =	ssyncset.done $0x0  }
0x16b: {  	[sflag:s18] =	ssyncadd.s32 $0xFFFFFE00  }
0x16c: {  	_ =	swait.ge [sflag:s18], $0x200  }
0x16d: {  	[sflag:s18] =	ssyncset.done $0x0  }
0x16e: {  	[sflag:s18] =	ssyncadd.s32 $0xFFFFFE00  }
0x16f: {  	_ =	swait.ge [sflag:s18], $0x200  }
0x170: {  	[sflag:s18] =	ssyncset.done $0x0  }
0x171: {  	[sflag:s18] =	ssyncadd.s32 $0xFFFFFE00  }
0x172: {  	_ =	swait.ge [sflag:s18], $0x200  }
0x173: {  	[sflag:s18] =	ssyncset.done $0x0  }
0x174: {  	[sflag:s18] =	ssyncadd.s32 $0xFFFFFE00  }
0x175: {  	_ =	swait.ge [sflag:s18], $0x200  }
0x176: {  	[sflag:s18] =	ssyncset.done $0x0  }
0x177: {  	[sflag:s18] =	ssyncadd.s32 $0xFFFFFE00  }
0x178: {  	_ =	swait.ge [sflag:s18], $0x200  }
0x179: {  	[sflag:s18] =	ssyncset.done $0x0  }
0x17a: {  	[sflag:s18] =	ssyncadd.s32 $0xFFFFFE00  }
0x17b: {  	_ =	swait.ge [sflag:s18], $0x200  }
0x17c: {  	[sflag:s18] =	ssyncset.done $0x0  }
0x17d: {  	[sflag:s18] =	ssyncadd.s32 $0xFFFFFE00  }
0x17e: {  	_ =	swait.ge [sflag:s18], $0x200  }
0x17f: {  	[sflag:s18] =	ssyncset.done $0x0  }
0x180: {  	[sflag:s18] =	ssyncadd.s32 $0xFFFFFE00  }
0x181: {  	_ =	swait.ge [sflag:s18], $0x200  }
0x182: {  	[sflag:s18] =	ssyncset.done $0x0  }
0x183: {  	[sflag:s18] =	ssyncadd.s32 $0xFFFFFE00  }
0x184: {  	_ =	swait.ge [sflag:s18], $0x200  }
0x185: {  	[sflag:s18] =	ssyncset.done $0x0  }
0x186: {  	[sflag:s18] =	ssyncadd.s32 $0xFFFFFE00  }
0x187: {  	_ =	swait.ge [sflag:s18], $0x200  }
0x188: {  	[sflag:s18] =	ssyncset.done $0x0  }
0x189: {  	[sflag:s18] =	ssyncadd.s32 $0xFFFFFE00  }
0x18a: {  	_ =	swait.ge [sflag:s18], $0x200  }
0x18b: {  	[sflag:s18] =	ssyncset.done $0x0  }
0x18c: {  	[sflag:s18] =	ssyncadd.s32 $0xFFFFFE00  }
0x18d: {  	_ =	swait.ge [sflag:s18], $0x200  }
0x18e: {  	[sflag:s18] =	ssyncset.done $0x0  }
0x18f: {  	[sflag:s18] =	ssyncadd.s32 $0xFFFFFE00  }
0x190: {  	_ =	swait.ge [sflag:s18], $0x200  }
0x191: {  	[sflag:s18] =	ssyncset.done $0x0  }
0x192: {  	[sflag:s18] =	ssyncadd.s32 $0xFFFFFE00  }
0x193: {  	_ =	swait.ge [sflag:s18], $0x200  }
0x194: {  	[sflag:s18] =	ssyncset.done $0x0  }
0x195: {  	[sflag:s18] =	ssyncadd.s32 $0xFFFFFE00  }
0x196: {  	_ =	swait.ge [sflag:s18], $0x200  }
0x197: {  	[sflag:s18] =	ssyncset.done $0x0  }
0x198: {  	[sflag:s18] =	ssyncadd.s32 $0xFFFFFE00  }
0x199: {  	_ =	swait.ge [sflag:s18], $0x200  }
0x19a: {  	[sflag:s18] =	ssyncset.done $0x0  }
0x19b: {  	[sflag:s18] =	ssyncadd.s32 $0xFFFFFE00  }
0x19c: {  	_ =	swait.ge [sflag:s18], $0x200  }
0x19d: {  	[sflag:s18] =	ssyncset.done $0x0  }
0x19e: {  	[sflag:s18] =	ssyncadd.s32 $0xFFFFFE00  }
0x19f: {  	_ =	swait.ge [sflag:s18], $0x200  }
0x1a0: {  	[sflag:s18] =	ssyncset.done $0x0  }
0x1a1: {  	[sflag:s18] =	ssyncadd.s32 $0xFFFFFE00  }
0x1a2: {  	_ =	swait.ge [sflag:s18], $0x200  }
0x1a3: {  	[sflag:s18] =	ssyncset.done $0x0  }
0x1a4: {  	[sflag:s18] =	ssyncadd.s32 $0xFFFFFE00  }
0x1a5: {  	_ =	swait.ge [sflag:s18], $0x200  }
0x1a6: {  	[sflag:s18] =	ssyncset.done $0x0  }
0x1a7: {  	s20 =	simm.s32 $0x0;
	[sflag:s18] =	ssyncadd.s32 $0xFFFFFE00  }
0x1a8: {  	v1 =	vld [tilespmem:s20+$0x4200]  }
0x1a9: {  	v0 =	vld [tilespmem:s20+$0x4000]  }
0x1aa: {  	v2 =	vld [tilespmem:s20+$0x3E00]  }
0x1ab: {  	v3 =	vld [tilespmem:s20+$0x3C00]  }
0x1ac: {  	v4 =	vld [tilespmem:s20+$0x3A00]  }
0x1ad: {  	v5 =	vld [tilespmem:s20+$0x3800]  }
0x1ae: {  	v6 =	vld [tilespmem:s20+$0x3600]  }
0x1af: {  	v7 =	vld [tilespmem:s20+$0x3400]  }
0x1b0: {  	v8 =	vld [tilespmem:s20+$0x3200]  }
0x1b1: {  	v9 =	vld [tilespmem:s20+$0x3000]  }
0x1b2: {  	v10 =	vld [tilespmem:s20+$0x2E00]  }
0x1b3: {  	v11 =	vld [tilespmem:s20+$0x2C00]  }
0x1b4: {  	v12 =	vld [tilespmem:s20+$0x2A00]  }
0x1b5: {  	v13 =	vld [tilespmem:s20+$0x2800]  }
0x1b6: {  	v14 =	vld [tilespmem:s20+$0x2600]  }
0x1b7: {  	v15 =	vld [tilespmem:s20+$0x2400]  }
0x1b8: {  	v16 =	vld [tilespmem:s20+$0x2200]  }
0x1b9: {  	v17 =	vld [tilespmem:s20+$0x2000]  }
0x1ba: {  	v18 =	vld [tilespmem:s20+$0x1E00]  }
0x1bb: {  	v19 =	vld [tilespmem:s20+$0x1C00]  }
0x1bc: {  	v20 =	vld [tilespmem:s20+$0x1A00]  }
0x1bd: {  	v21 =	vld [tilespmem:s20+$0x1800]  }
0x1be: {  	v22 =	vld [tilespmem:s20+$0x1600]  }
0x1bf: {  	v23 =	vld [tilespmem:s20+$0x1400]  }
0x1c0: {  	v24 =	vld [tilespmem:s20+$0x1200]  }
0x1c1: {  	v25 =	vld [tilespmem:s20+$0x1000]  }
0x1c2: {  	v26 =	vld [tilespmem:s20+$0xE00]  }
0x1c3: {  	v27 =	vld [tilespmem:s20+$0xC00]  }
0x1c4: {  	v28 =	vld [tilespmem:s20+$0xA00]  }
0x1c5: {  	v29 =	vld [tilespmem:s20+$0x800]  }
0x1c6: {  	v30 =	vld [tilespmem:s20+$0x600]  }
0x1c7: {  	s21 =	simm.s32 $0x40;
	v31 =	vld [tilespmem:s20+$0x400]  }
.LBB2_2:
0x1c8: {  	p0 =	sne.s32 s21, $0x7C0;
	v32 =	vld [tilespmem:s20+$0x4400]  }
0x1c9: {  	v33 =	vld [tilespmem:s20+$0x4600]  }
0x1ca: {  	v34 =	vld [tilespmem:$0x8800]  }
0x1cb: {  	v35 =	vld [tilespmem:s20+$0x4800]  }
0x1cc: {  	v36 =	vld [tilespmem:$0x8810]  }
0x1cd: {  	v31 =	vmul.f32 v32, v31;
	v32 =	vld [tilespmem:s20+$0x4A00]  }
0x1ce: {  	v37 =	vld [tilespmem:$0x8820]  }
0x1cf: {  	v30 =	vmul.f32 v33, v30;
	v31 =	vmul.f32 v34, v31;
	v33 =	vld [tilespmem:s20+$0x4C00]  }
0x1d0: {  	v34 =	vld [tilespmem:$0x8830]  }
0x1d1: {  	v29 =	vmul.f32 v35, v29;
	v31 =	vadd.f32 $0.0e+00, v31;
	v30 =	vmul.f32 v36, v30;
	v35 =	vld [tilespmem:s20+$0x4E00]  }
0x1d2: {  	v36 =	vld [tilespmem:$0x8840]  }
0x1d3: {  	v28 =	vmul.f32 v32, v28;
	v30 =	vadd.f32 v30, v31;
	v29 =	vmul.f32 v37, v29;
	v31 =	vld [tilespmem:s20+$0x5000]  }
0x1d4: {  	v32 =	vld [tilespmem:$0x8850]  }
0x1d5: {  	v27 =	vmul.f32 v33, v27;
	v29 =	vadd.f32 v29, v30;
	v28 =	vmul.f32 v34, v28;
	v30 =	vld [tilespmem:s20+$0x5200]  }
0x1d6: {  	v33 =	vld [tilespmem:$0x8860]  }
0x1d7: {  	v26 =	vmul.f32 v35, v26;
	v28 =	vadd.f32 v28, v29;
	v27 =	vmul.f32 v36, v27;
	v29 =	vld [tilespmem:s20+$0x5400]  }
0x1d8: {  	v34 =	vld [tilespmem:$0x8870]  }
0x1d9: {  	v25 =	vmul.f32 v31, v25;
	v27 =	vadd.f32 v27, v28;
	v26 =	vmul.f32 v32, v26;
	v28 =	vld [tilespmem:s20+$0x5600]  }
0x1da: {  	v31 =	vld [tilespmem:$0x8880]  }
0x1db: {  	v24 =	vmul.f32 v30, v24;
	v26 =	vadd.f32 v26, v27;
	v25 =	vmul.f32 v33, v25;
	v27 =	vld [tilespmem:s20+$0x5800]  }
0x1dc: {  	v30 =	vld [tilespmem:$0x8890]  }
0x1dd: {  	v23 =	vmul.f32 v29, v23;
	v25 =	vadd.f32 v25, v26;
	v24 =	vmul.f32 v34, v24;
	v26 =	vld [tilespmem:s20+$0x5A00]  }
0x1de: {  	v29 =	vld [tilespmem:$0x88A0]  }
0x1df: {  	v22 =	vmul.f32 v28, v22;
	v24 =	vadd.f32 v24, v25;
	v23 =	vmul.f32 v31, v23;
	v25 =	vld [tilespmem:s20+$0x5C00]  }
0x1e0: {  	v28 =	vld [tilespmem:$0x88B0]  }
0x1e1: {  	v21 =	vmul.f32 v27, v21;
	v23 =	vadd.f32 v23, v24;
	v22 =	vmul.f32 v30, v22;
	v24 =	vld [tilespmem:s20+$0x5E00]  }
0x1e2: {  	v27 =	vld [tilespmem:$0x88C0]  }
0x1e3: {  	v20 =	vmul.f32 v26, v20;
	v22 =	vadd.f32 v22, v23;
	v21 =	vmul.f32 v29, v21;
	v23 =	vld [tilespmem:s20+$0x6000]  }
0x1e4: {  	v26 =	vld [tilespmem:$0x88D0]  }
0x1e5: {  	v19 =	vmul.f32 v25, v19;
	v21 =	vadd.f32 v21, v22;
	v20 =	vmul.f32 v28, v20;
	v22 =	vld [tilespmem:s20+$0x6200]  }
0x1e6: {  	v25 =	vld [tilespmem:$0x88E0]  }
0x1e7: {  	v18 =	vmul.f32 v24, v18;
	v20 =	vadd.f32 v20, v21;
	v19 =	vmul.f32 v27, v19;
	v21 =	vld [tilespmem:s20+$0x6400]  }
0x1e8: {  	v24 =	vld [tilespmem:$0x88F0]  }
0x1e9: {  	v17 =	vmul.f32 v23, v17;
	v19 =	vadd.f32 v19, v20;
	v18 =	vmul.f32 v26, v18;
	v20 =	vld [tilespmem:s20+$0x6600]  }
0x1ea: {  	v23 =	vld [tilespmem:$0x8900]  }
0x1eb: {  	v16 =	vmul.f32 v22, v16;
	v18 =	vadd.f32 v18, v19;
	v17 =	vmul.f32 v25, v17;
	v19 =	vld [tilespmem:s20+$0x6800]  }
0x1ec: {  	v22 =	vld [tilespmem:$0x8910]  }
0x1ed: {  	v15 =	vmul.f32 v21, v15;
	v17 =	vadd.f32 v17, v18;
	v16 =	vmul.f32 v24, v16;
	v18 =	vld [tilespmem:s20+$0x6A00]  }
0x1ee: {  	v21 =	vld [tilespmem:$0x8920]  }
0x1ef: {  	v14 =	vmul.f32 v20, v14;
	v16 =	vadd.f32 v16, v17;
	v15 =	vmul.f32 v23, v15;
	v17 =	vld [tilespmem:s20+$0x6C00]  }
0x1f0: {  	v20 =	vld [tilespmem:$0x8930]  }
0x1f1: {  	v13 =	vmul.f32 v19, v13;
	v15 =	vadd.f32 v15, v16;
	v14 =	vmul.f32 v22, v14;
	v16 =	vld [tilespmem:s20+$0x6E00]  }
0x1f2: {  	v19 =	vld [tilespmem:$0x8940]  }
0x1f3: {  	v12 =	vmul.f32 v18, v12;
	v14 =	vadd.f32 v14, v15;
	v13 =	vmul.f32 v21, v13;
	v15 =	vld [tilespmem:s20+$0x7000]  }
0x1f4: {  	v18 =	vld [tilespmem:$0x8950]  }
0x1f5: {  	v11 =	vmul.f32 v17, v11;
	v13 =	vadd.f32 v13, v14;
	v12 =	vmul.f32 v20, v12;
	v14 =	vld [tilespmem:s20+$0x7200]  }
0x1f6: {  	v17 =	vld [tilespmem:$0x8960]  }
0x1f7: {  	v10 =	vmul.f32 v16, v10;
	v12 =	vadd.f32 v12, v13;
	v11 =	vmul.f32 v19, v11;
	v13 =	vld [tilespmem:s20+$0x7400]  }
0x1f8: {  	v16 =	vld [tilespmem:$0x8970]  }
0x1f9: {  	v9 =	vmul.f32 v15, v9;
	v11 =	vadd.f32 v11, v12;
	v10 =	vmul.f32 v18, v10;
	v12 =	vld [tilespmem:s20+$0x7600]  }
0x1fa: {  	v15 =	vld [tilespmem:$0x8980]  }
0x1fb: {  	v8 =	vmul.f32 v14, v8;
	v10 =	vadd.f32 v10, v11;
	v9 =	vmul.f32 v17, v9;
	v11 =	vld [tilespmem:s20+$0x7800]  }
0x1fc: {  	v14 =	vld [tilespmem:$0x8990]  }
0x1fd: {  	v7 =	vmul.f32 v13, v7;
	v9 =	vadd.f32 v9, v10;
	v8 =	vmul.f32 v16, v8;
	v10 =	vld [tilespmem:s20+$0x7A00]  }
0x1fe: {  	v13 =	vld [tilespmem:$0x89A0]  }
0x1ff: {  	v6 =	vmul.f32 v12, v6;
	v8 =	vadd.f32 v8, v9;
	v7 =	vmul.f32 v15, v7;
	v9 =	vld [tilespmem:s20+$0x7C00]  }
0x200: {  	v12 =	vld [tilespmem:$0x89B0]  }
0x201: {  	v5 =	vmul.f32 v11, v5;
	v7 =	vadd.f32 v7, v8;
	v6 =	vmul.f32 v14, v6;
	v8 =	vld [tilespmem:s20+$0x7E00]  }
0x202: {  	v11 =	vld [tilespmem:$0x89C0]  }
0x203: {  	v4 =	vmul.f32 v10, v4;
	v6 =	vadd.f32 v6, v7;
	v5 =	vmul.f32 v13, v5;
	v7 =	vld [tilespmem:s20+$0x8000]  }
0x204: {  	v10 =	vld [tilespmem:$0x89D0]  }
0x205: {  	v3 =	vmul.f32 v9, v3;
	v5 =	vadd.f32 v5, v6;
	v4 =	vmul.f32 v12, v4;
	v6 =	vld [tilespmem:s20+$0x8200]  }
0x206: {  	v9 =	vld [tilespmem:$0x89E0]  }
0x207: {  	v2 =	vmul.f32 v8, v2;
	v4 =	vadd.f32 v4, v5;
	v3 =	vmul.f32 v11, v3;
	v11 =	vld [tilespmem:s20+$0x8600]  }
0x208: {  	v5 =	vld [tilespmem:$0x89F0]  }
0x209: {  	s22 =	sshra.s32 s21, $0x2;
	v3 =	vadd.f32 v3, v4;
	v2 =	vmul.f32 v10, v2;
	v4 =	vmul.f32 v7, v0;
	v8 =	vld [tilespmem:s20+$0x8400]  }
0x20a: {  	v7 =	vld [tilespmem:s22+$0x4200]  }
0x20b: {  	v1 =	vmul.f32 v6, v1;
	v0 =	vld [tilespmem:s22+$0x4000];
	v10 =	vadd.f32 v2, v3;
	v4 =	vmul.f32 v9, v4  }
0x20c: {  	v2 =	vld [tilespmem:s22+$0x3E00]  }
0x20d: {  	v3 =	vld [tilespmem:s22+$0x3C00];
	v6 =	vadd.f32 v4, v10;
	v10 =	vmul.f32 v5, v1  }
0x20e: {  	v4 =	vld [tilespmem:s22+$0x3A00]  }
0x20f: {  	v5 =	vld [tilespmem:s22+$0x3800];
	v9 =	vadd.f32 v10, v6;
	v1 =	vmov v7  }
0x210: {  	v6 =	vld [tilespmem:s22+$0x3600]  }
0x211: {  	v7 =	vld [tilespmem:s22+$0x3400];
	v10 =	vadd.f32 v9, v8  }
0x212: {  	v8 =	vld [tilespmem:s22+$0x3200]  }
0x213: {  	v9 =	vld [tilespmem:s22+$0x3000];
	v12 =	vadd.f32 v10, v11  }
0x214: {  	v10 =	vld [tilespmem:s22+$0x2E00]  }
0x215: {  	v11 =	vld [tilespmem:s22+$0x2C00];
	v14 =	vadd.f32 $3.500000000e+00, v12  }
0x216: {  	v12 =	vld [tilespmem:s22+$0x2A00]  }
0x217: {  	v13 =	vld [tilespmem:s22+$0x2800];
	[tilespmem:s20+$0x8A00] =	vst v14;
	s20 =	smov.u32 s22  }
0x218: {  	v14 =	vld [tilespmem:s20+$0x2600]  }
0x219: {  	v15 =	vld [tilespmem:s20+$0x2400]  }
0x21a: {  	v16 =	vld [tilespmem:s20+$0x2200]  }
0x21b: {  	v17 =	vld [tilespmem:s20+$0x2000]  }
0x21c: {  	v18 =	vld [tilespmem:s20+$0x1E00]  }
0x21d: {  	v19 =	vld [tilespmem:s20+$0x1C00]  }
0x21e: {  	v20 =	vld [tilespmem:s20+$0x1A00]  }
0x21f: {  	v21 =	vld [tilespmem:s20+$0x1800]  }
0x220: {  	v22 =	vld [tilespmem:s20+$0x1600]  }
0x221: {  	v23 =	vld [tilespmem:s20+$0x1400]  }
0x222: {  	v24 =	vld [tilespmem:s20+$0x1200]  }
0x223: {  	v25 =	vld [tilespmem:s20+$0x1000]  }
0x224: {  	v26 =	vld [tilespmem:s20+$0xE00]  }
.Ltmp0:
0x225: {  	v27 =	vld [tilespmem:s20+$0xC00];
	(pc) =	sbr.rel @p0 .LBB2_2-.Ltmp0, $4  }
0x226: {  	v28 =	vld [tilespmem:s20+$0xA00]  }
0x227: {  	v29 =	vld [tilespmem:s20+$0x800]  }
0x228: {  	v30 =	vld [tilespmem:s20+$0x600]  }
0x229: {  	s21 =	sadd.s32 $0x40, s21;
	v31 =	vld [tilespmem:s20+$0x400]  }
0x22a: {  	v32 =	vld [tilespmem:s20+$0x4400]  }
0x22b: {  	v33 =	vld [tilespmem:s20+$0x4600]  }
0x22c: {  	v34 =	vld [tilespmem:$0x8800]  }
0x22d: {  	v35 =	vld [tilespmem:s20+$0x4800]  }
0x22e: {  	v36 =	vld [tilespmem:$0x8810]  }
0x22f: {  	v40 =	vld [tilespmem:s20+$0x4A00];
	v31 =	vmul.f32 v32, v31  }
0x230: {  	v37 =	vld [tilespmem:$0x8820]  }
0x231: {  	v41 =	vld [tilespmem:s20+$0x4C00];
	v30 =	vmul.f32 v33, v30;
	v31 =	vmul.f32 v34, v31  }
0x232: {  	v42 =	vld [tilespmem:$0x8830]  }
0x233: {  	v43 =	vld [tilespmem:s20+$0x4E00];
	v29 =	vmul.f32 v35, v29;
	v30 =	vmul.f32 v36, v30;
	v31 =	vadd.f32 $0.0e+00, v31  }
0x234: {  	v44 =	vld [tilespmem:$0x8840]  }
0x235: {  	v45 =	vld [tilespmem:s20+$0x5000];
	v28 =	vmul.f32 v40, v28;
	v29 =	vmul.f32 v37, v29;
	v30 =	vadd.f32 v30, v31  }
0x236: {  	v46 =	vld [tilespmem:$0x8850]  }
0x237: {  	v47 =	vld [tilespmem:s20+$0x5200];
	v27 =	vmul.f32 v41, v27;
	v28 =	vmul.f32 v42, v28;
	v29 =	vadd.f32 v29, v30  }
0x238: {  	v48 =	vld [tilespmem:$0x8860]  }
0x239: {  	v49 =	vld [tilespmem:s20+$0x5400];
	v26 =	vmul.f32 v43, v26;
	v27 =	vmul.f32 v44, v27;
	v28 =	vadd.f32 v28, v29  }
0x23a: {  	v50 =	vld [tilespmem:$0x8870]  }
0x23b: {  	v51 =	vld [tilespmem:s20+$0x5600];
	v25 =	vmul.f32 v45, v25;
	v26 =	vmul.f32 v46, v26;
	v27 =	vadd.f32 v27, v28  }
0x23c: {  	v52 =	vld [tilespmem:$0x8880]  }
0x23d: {  	v53 =	vld [tilespmem:s20+$0x5800];
	v24 =	vmul.f32 v47, v24;
	v25 =	vmul.f32 v48, v25;
	v26 =	vadd.f32 v26, v27  }
0x23e: {  	v54 =	vld [tilespmem:$0x8890]  }
0x23f: {  	v55 =	vld [tilespmem:s20+$0x5A00];
	v23 =	vmul.f32 v49, v23;
	v24 =	vmul.f32 v50, v24;
	v25 =	vadd.f32 v25, v26  }
0x240: {  	v56 =	vld [tilespmem:$0x88A0]  }
0x241: {  	v57 =	vld [tilespmem:s20+$0x5C00];
	v22 =	vmul.f32 v51, v22;
	v23 =	vmul.f32 v52, v23;
	v24 =	vadd.f32 v24, v25  }
0x242: {  	v58 =	vld [tilespmem:$0x88B0]  }
0x243: {  	v59 =	vld [tilespmem:s20+$0x5E00];
	v21 =	vmul.f32 v53, v21;
	v22 =	vmul.f32 v54, v22;
	v23 =	vadd.f32 v23, v24  }
0x244: {  	v60 =	vld [tilespmem:$0x88C0]  }
0x245: {  	v61 =	vld [tilespmem:s20+$0x6000];
	v20 =	vmul.f32 v55, v20;
	v21 =	vmul.f32 v56, v21;
	v22 =	vadd.f32 v22, v23  }
0x246: {  	v62 =	vld [tilespmem:$0x88D0]  }
0x247: {  	v63 =	vld [tilespmem:s20+$0x6200];
	v19 =	vmul.f32 v57, v19;
	v20 =	vmul.f32 v58, v20;
	v21 =	vadd.f32 v21, v22  }
0x248: {  	v28 =	vld [tilespmem:$0x88E0]  }
0x249: {  	v18 =	vmul.f32 v59, v18;
	v19 =	vmul.f32 v60, v19;
	v30 =	vld [tilespmem:$0x88F0];
	v20 =	vadd.f32 v20, v21  }
0x24a: {  	v29 =	vld [tilespmem:s20+$0x6400]  }
0x24b: {  	v17 =	vmul.f32 v61, v17;
	v32 =	vld [tilespmem:$0x8900];
	v18 =	vmul.f32 v62, v18;
	v19 =	vadd.f32 v19, v20  }
0x24c: {  	v31 =	vld [tilespmem:s20+$0x6600]  }
0x24d: {  	v16 =	vmul.f32 v63, v16;
	v33 =	vld [tilespmem:s20+$0x6800];
	v17 =	vmul.f32 v28, v17;
	v18 =	vadd.f32 v18, v19  }
0x24e: {  	v34 =	vld [tilespmem:$0x8910]  }
0x24f: {  	v35 =	vld [tilespmem:s20+$0x6A00];
	v16 =	vmul.f32 v30, v16;
	v15 =	vmul.f32 v29, v15;
	v17 =	vadd.f32 v17, v18  }
0x250: {  	v36 =	vld [tilespmem:$0x8920]  }
0x251: {  	v38 =	vld [tilespmem:$0x8930];
	v14 =	vmul.f32 v31, v14;
	v15 =	vmul.f32 v32, v15;
	v16 =	vadd.f32 v16, v17  }
0x252: {  	v37 =	vld [tilespmem:s20+$0x6C00]  }
0x253: {  	v39 =	vld [tilespmem:s20+$0x6E00];
	v13 =	vmul.f32 v33, v13;
	v14 =	vmul.f32 v34, v14;
	v15 =	vadd.f32 v15, v16  }
0x254: {  	v40 =	vld [tilespmem:$0x8940]  }
0x255: {  	v41 =	vld [tilespmem:s20+$0x7000];
	v12 =	vmul.f32 v35, v12;
	v13 =	vmul.f32 v36, v13;
	v14 =	vadd.f32 v14, v15  }
0x256: {  	v42 =	vld [tilespmem:$0x8950]  }
0x257: {  	v43 =	vld [tilespmem:s20+$0x7200];
	v12 =	vmul.f32 v38, v12;
	v11 =	vmul.f32 v37, v11;
	v13 =	vadd.f32 v13, v14  }
0x258: {  	v44 =	vld [tilespmem:$0x8960]  }
0x259: {  	v10 =	vmul.f32 v39, v10;
	v45 =	vld [tilespmem:s20+$0x7400];
	v11 =	vmul.f32 v40, v11;
	v12 =	vadd.f32 v12, v13  }
0x25a: {  	v46 =	vld [tilespmem:$0x8970]  }
0x25b: {  	v47 =	vld [tilespmem:s20+$0x7600];
	v9 =	vmul.f32 v41, v9;
	v10 =	vmul.f32 v42, v10;
	v11 =	vadd.f32 v11, v12  }
0x25c: {  	v48 =	vld [tilespmem:$0x8980]  }
0x25d: {  	v49 =	vld [tilespmem:s20+$0x7800];
	v8 =	vmul.f32 v43, v8;
	v9 =	vmul.f32 v44, v9;
	v10 =	vadd.f32 v10, v11  }
0x25e: {  	v50 =	vld [tilespmem:$0x8990]  }
0x25f: {  	v51 =	vld [tilespmem:s20+$0x7A00];
	v7 =	vmul.f32 v45, v7;
	v8 =	vmul.f32 v46, v8;
	v9 =	vadd.f32 v9, v10  }
0x260: {  	v52 =	vld [tilespmem:$0x89A0]  }
0x261: {  	v53 =	vld [tilespmem:s20+$0x7C00];
	v6 =	vmul.f32 v47, v6;
	v7 =	vmul.f32 v48, v7;
	v8 =	vadd.f32 v8, v9  }
0x262: {  	v54 =	vld [tilespmem:$0x89B0]  }
0x263: {  	v55 =	vld [tilespmem:s20+$0x7E00];
	v5 =	vmul.f32 v49, v5;
	v6 =	vmul.f32 v50, v6;
	v7 =	vadd.f32 v7, v8  }
0x264: {  	v56 =	vld [tilespmem:$0x89C0]  }
0x265: {  	v57 =	vld [tilespmem:s20+$0x8000];
	v4 =	vmul.f32 v51, v4;
	v5 =	vmul.f32 v52, v5;
	v6 =	vadd.f32 v6, v7  }
0x266: {  	v58 =	vld [tilespmem:$0x89D0]  }
0x267: {  	v59 =	vld [tilespmem:s20+$0x8200];
	v3 =	vmul.f32 v53, v3;
	v4 =	vmul.f32 v54, v4;
	v5 =	vadd.f32 v5, v6  }
0x268: {  	v60 =	vld [tilespmem:$0x89E0]  }
0x269: {  	v2 =	vmul.f32 v55, v2;
	v3 =	vmul.f32 v56, v3;
	v4 =	vadd.f32 v4, v5  }
0x26a: {  	v61 =	vld [tilespmem:$0x89F0]  }
0x26b: {  	v0 =	vmul.f32 v57, v0;
	v2 =	vmul.f32 v58, v2;
	v3 =	vadd.f32 v3, v4;
	_ =	sdelay $0x1  }
0x26c: {  	v1 =	vmul.f32 v59, v1;
	v0 =	vmul.f32 v60, v0;
	v2 =	vadd.f32 v2, v3  }
0x26d: {  	v62 =	vld [tilespmem:s20+$0x8400]  }
0x26e: {  	v1 =	vmul.f32 v61, v1;
	v0 =	vadd.f32 v0, v2  }
0x26f: {  	v63 =	vld [tilespmem:s20+$0x8600]  }
0x270: {  	v0 =	vadd.f32 v1, v0;
	_ =	sdelay $0x1  }
0x271: {  	v0 =	vadd.f32 v0, v62;
	_ =	sdelay $0x1  }
0x272: {  	v0 =	vadd.f32 v0, v63;
	_ =	sdelay $0x1  }
0x273: {  	s19 =	sadd.s32 $0x1, s19;
	v0 =	vadd.f32 $3.500000000e+00, v0  }
0x274: {  	p0 =	sne.s32 s19, s10  }
.Ltmp1:
0x275: {  	s22 =	simm.s32 $0x8A00;
	[tilespmem:s20+$0x8A00] =	vst v0;
	(pc) =	sbr.rel @p0 .LBB2_1-.Ltmp1, $4  }
0x276: {  	[hbm4b:s7+s4] =	stream.linear.scatter [tilespmem:s22], [sflag:$0x3], $0x200, $0x38;
	[tilespmem:$0x8C00] =	vst v63  }
0x277: {  	_ =	swait.ge [sflag:s16], $0x200  }
0x278: {  	[sflag:s16] =	ssyncset.done $0x0  }
0x279: {  	[sflag:s16] =	ssyncadd.s32 $0xFFFFFE00  }
0x27a: {  	_ =	sfence.sel $0x180000  }
0x27b: {  	[bflag:$0x0] =	sbarrier.arrive $0xFFFF  }
0x27c: {  	_ =	strace $0x90000047  }
0x27d: {  	s0 =	stileid.u32;
	[bflag:$0x2] =	sbarrier.arrive $0xFFFF  }
0x27e: {  	p0 =	sne.s32 s0, $0x0;
	s0 =	rddreg [dreg:$0x6]  }
0x27f: {  	s0 =	sadd.s32 @!p0 $0x100000, s0  }
0x280: {  	[sflag:s0] =	ssyncadd.tile.s32 @!p0 $0x1;
	_ =	shalt  }
.Lfunc_end2:
_tile_overlayer_lowered:
.L_overlay_start_2:
0x281: {  	(tag) =	ssettag $0x2  }
0x282: {  	s0 =	rddreg [dreg:$0x0];
	s2 =	stileid.u32  }
0x283: {  	s1 =	rddreg [dreg:$0x1];
	p0 =	sne.s32 s2, $0x0  }
0x284: {  	s3 =	rddreg [dreg:$0x2];
	[bflag:$0x3] =	sbarrier.arrive $0xFFFF;
	s2 =	simm.s32 @!p0 $0x1C03  }
0x285: {  	[timem:s3], [sflag:s2] =	dma.local @!p0 [hbm:s0], s1  }
0x286: {  	s0 =	simm.s32 @!p0 $0x3  }
0x287: {  	_ =	swait.ge @!p0 [sflag:s0], s1  }
0x288: {  	s1 =	ssub.s32 @!p0 $0x0, s1;
	[sflag:s0] =	ssyncset.done @!p0 $0x0  }
0x289: {  	[sflag:s0] =	ssyncadd.s32 @!p0 s1  }
0x28a: {  	[bflag:$0x3] =	sbarrier.arrive $0xFFFF  }
0x28b: {  	_ =	shalt  }

</sc_bundles>
